<compile_context>
chip_gen: v7x
topology: tpu7x:2x2x1
jax: 0.10.2.dev20260603
libtpu: 0.0.44.dev20260713+nightly
codegen_flags: <defaults>
</compile_context>

<pallas_src>
import functools
import math

import jax
import jax.numpy as jnp
import numpy as np
from jax import lax
from jax.experimental import pallas as pl
from jax.experimental.pallas import tpu as pltpu
from jax.experimental.pallas import tpu_sc as plsc

_N = 1024
_R = 6
_W = 8
_H = 64
_RMIN = 0.1
_RMAX = 10.0
_FC_OUT = 64
_LOG_RMAX_BY_RMIN = math.log(int(_RMAX / float(_RMIN)))
_C = 64

_TILE_A = 256
_TILE_C = 256


def _bin_kernel(x_col, y_col, x_row, y_row, cell_out):
    xi = x_col[:, 0:1]
    yi = y_col[:, 0:1]
    xj = x_row[0:1, :]
    yj = y_row[0:1, :]

    x_diff = xj - xi
    y_diff = yj - yi
    d2 = x_diff * x_diff + y_diff * y_diff
    r = jnp.sqrt(d2)

    ring_f = jnp.floor((_R - 1) * (jnp.log(r / _RMIN) / _LOG_RMAX_BY_RMIN))
    valid = (r >= _RMIN) & (ring_f < _R)
    ring_c = jnp.clip(ring_f, 0.0, _R - 1)

    theta = jnp.arctan2(y_diff, x_diff)
    wedge_f = jnp.trunc(theta * _W / (2.0 * np.pi) + (_W // 2 - 1))

    cellf = jnp.where(valid, ring_c * _W + wedge_f, float(_R * _W))
    cell_out[...] = cellf.astype(jnp.int32)


def _compute_cells(ypred):
    yd = jax.lax.stop_gradient(ypred)
    x_col = yd[:, 0:1]
    y_col = yd[:, 1:2]
    x_row = yd[:, 0].reshape(1, _N)
    y_row = yd[:, 1].reshape(1, _N)
    return pl.pallas_call(
        _bin_kernel,
        grid=(_N // _TILE_A,),
        in_specs=[
            pl.BlockSpec((_TILE_A, 1), lambda t: (t, 0)),
            pl.BlockSpec((_TILE_A, 1), lambda t: (t, 0)),
            pl.BlockSpec((1, _N), lambda t: (0, 0)),
            pl.BlockSpec((1, _N), lambda t: (0, 0)),
        ],
        out_specs=pl.BlockSpec((_TILE_A, _N), lambda t: (t, 0)),
        out_shape=jax.ShapeDtypeStruct((_N, _N), jnp.int32),
    )(x_col, y_col, x_row, y_row)


def _sc_scatter(cells, hidden_t):
    info = plsc.get_sparse_core_info()
    nc, ns = info.num_cores, info.num_subcores
    nw = nc * ns
    agents_per_w = _N // nw

    mesh = plsc.VectorSubcoreMesh(core_axis_name="c", subcore_axis_name="s")

    @functools.partial(
        pl.kernel,
        mesh=mesh,
        out_type=jax.ShapeDtypeStruct((_N, (_H + 1) * _C), jnp.float32),
        scratch_types=[
            pltpu.VMEM((_N,), jnp.int32),
            pltpu.VMEM((_H, _N), jnp.float32),
            pltpu.VMEM(((_H + 1) * _C,), jnp.float32),
        ],
        compiler_params=pltpu.CompilerParams(needs_layout_passes=False),
    )
    def k(cell_hbm, ht_hbm, out_hbm, idx_v, ht_v, acc_v):
        wid = lax.axis_index("s") * nc + lax.axis_index("c")
        ones16 = jnp.ones((16,), jnp.float32)
        pltpu.sync_copy(ht_hbm, ht_v)
        zrow = jnp.zeros((16,), jnp.float32)

        def agent_body(a, carry):
            i = wid * agents_per_w + a
            pltpu.sync_copy(cell_hbm.at[i], idx_v)
            for zz in range((_H + 1) * _C // 16):
                acc_v[pl.ds(zz * 16, 16)] = zrow

            def chunk_body(jc, carry2):
                base = jc * 16
                idx16 = idx_v[pl.ds(base, 16)]
                plsc.addupdate_scatter(acc_v, [idx16 + _H * _C], ones16)
                for hh in range(_H):
                    vals = ht_v[hh, pl.ds(base, 16)]
                    plsc.addupdate_scatter(acc_v, [idx16 + hh * _C], vals)
                return carry2

            lax.fori_loop(0, _N // 16, chunk_body, 0)
            pltpu.sync_copy(acc_v, out_hbm.at[i])
            return carry

        lax.fori_loop(0, agents_per_w, agent_body, 0)

    return k(cells, hidden_t)


def _fc_kernel(acc, w_perm, b_fc, out):
    cnt = acc[:, _H * _C:(_H + 1) * _C]
    rec = 1.0 / jnp.maximum(cnt, 1.0)
    parts = []
    for hh in range(_H):
        parts.append((acc[:, hh * _C:(hh + 1) * _C] * rec).astype(jnp.bfloat16))
    mean_flat = jnp.concatenate(parts, axis=1)
    o = jnp.dot(mean_flat, w_perm[...], preferred_element_type=jnp.float32)
    out[...] = jnp.maximum(o + b_fc[0:1, :], 0.0)


def kernel(ypred, hidden, W_fc, b_fc):
    cells = _compute_cells(ypred)
    hidden_t = hidden.T
    acc = _sc_scatter(cells, hidden_t)

    w3 = W_fc.reshape(_R * _W, _H, _FC_OUT).transpose(1, 0, 2)
    w3 = jnp.pad(w3, ((0, 0), (0, _C - _R * _W), (0, 0)))
    w_perm = w3.reshape(_H * _C, _FC_OUT).astype(jnp.bfloat16)
    b2 = b_fc.reshape(1, _FC_OUT)

    return pl.pallas_call(
        _fc_kernel,
        grid=(_N // _TILE_C,),
        in_specs=[
            pl.BlockSpec((_TILE_C, (_H + 1) * _C), lambda t: (t, 0)),
            pl.BlockSpec((_H * _C, _FC_OUT), lambda t: (0, 0)),
            pl.BlockSpec((1, _FC_OUT), lambda t: (0, 0)),
        ],
        out_specs=pl.BlockSpec((_TILE_C, _FC_OUT), lambda t: (t, 0)),
        out_shape=jax.ShapeDtypeStruct((_N, _FC_OUT), jnp.float32),
    )(acc, w_perm, b2)

# --- scband reference (transcript-rebuilt; emitter-appended) ---
"""Pipeline reference for scband-social-pool-46385646796879 (READ-ONLY COPY).

The authoritative reference and input builder live on the scoring server;
editing this copy changes nothing except your own understanding.
"""

import jax, jax.numpy as jnp
import numpy as np
import math

N = 1024
R = 6
W = 8
H = 64
RMIN = 0.1
RMAX = 10.0
FC_IN = R * W * H
FC_OUT = 64


def setup_inputs(seed: int = 0) -> dict:
    key = jax.random.key(seed)
    k1, k2, k3, k4 = jax.random.split(key, 4)
    ypred = jax.random.normal(k1, (N, 2), dtype=jnp.float32)
    hidden = jax.random.normal(k2, (N, H), dtype=jnp.float32)
    bound = 1.0 / math.sqrt(FC_IN)
    W_fc = jax.random.uniform(k3, (FC_IN, FC_OUT), dtype=jnp.float32, minval=-bound, maxval=bound)
    b_fc = jax.random.uniform(k4, (FC_OUT,), dtype=jnp.float32, minval=-bound, maxval=bound)
    return {"ypred": ypred, "hidden": hidden, "W_fc": W_fc, "b_fc": b_fc}


def reference(ypred, hidden, W_fc, b_fc):
    # ring_indices (computed under no_grad in torch)
    yd = jax.lax.stop_gradient(ypred)
    rmax_by_rmin = math.log(int(RMAX / float(RMIN)))
    diff = yd[:, None, :] - yd[None, :, :]
    r = jnp.sqrt(jnp.sum(diff * diff, axis=2))  # [N, N]
    ring_f = jnp.where(r < RMIN, jnp.zeros_like(r) - 1.0,
                       jnp.floor((R - 1) * (jnp.log(r / RMIN) / rmax_by_rmin)))
    x_diff = yd[:, 0][None, :] - yd[:, 0][:, None]  # [i,j] = y[j,0]-y[i,0]
    y_diff = yd[:, 1][None, :] - yd[:, 1][:, None]
    theta = jnp.arctan2(y_diff, x_diff)
    wedge = (theta * W / (2.0 * np.pi) + (W // 2 - 1)).astype(jnp.int32)  # trunc toward zero like torch .int()

    # pool_layers: valid ring ids, gather hidden[j] into cell (i, ring, wedge), mean per cell
    valid = (ring_f >= 0) & (ring_f < R)
    ring_i = jnp.clip(ring_f, 0.0, R - 1).astype(jnp.int32)
    wedge_m = jnp.mod(wedge, W)  # torch negative index -1 wraps to W-1
    rows = jnp.arange(N, dtype=jnp.int32)[:, None]
    cell = rows * (R * W) + ring_i * W + wedge_m  # [N, N]
    cell = jnp.where(valid, cell, N * R * W)  # dump invalid into overflow slot
    cell_flat = cell.reshape(-1)
    vals = jnp.broadcast_to(hidden[None, :, :], (N, N, H)).reshape(N * N, H)
    sums = jnp.zeros((N * R * W + 1, H), dtype=jnp.float32).at[cell_flat].add(vals)
    cnts = jnp.zeros((N * R * W + 1,), dtype=jnp.float32).at[cell_flat].add(1.0)
    sums = sums[: N * R * W]
    cnts = cnts[: N * R * W]
    mean = jnp.where(cnts[:, None] > 0, sums / jnp.maximum(cnts, 1.0)[:, None], 0.0)
    log_polar_hidden = mean.reshape(N, R * W * H)
    return jax.nn.relu(log_polar_hidden @ W_fc + b_fc)

if __name__ == "__main__":
    import jax
    _d = setup_inputs()
    print(jax.jit(kernel)(*tuple(_d.values())))

</pallas_src>

<mosaic_0001>
#map = affine_map<(d0, d1) -> (0, 0)>
module attributes {stable_mosaic.version = 14 : i64} {
  func.func @k(%arg0: i32, %arg1: i32, %arg2: memref<1024x1024xi32, #tpu.memory_space<hbm>>, %arg3: memref<64x1024xf32, #tpu.memory_space<hbm>>, %arg4: memref<1024x4160xf32, #tpu.memory_space<hbm>>, %arg5: memref<1024xi32, #tpu.memory_space<vmem>>, %arg6: memref<64x1024xf32, #tpu.memory_space<vmem>>, %arg7: memref<4160xf32, #tpu.memory_space<vmem>>) attributes {dimension_semantics = [#tpu.dimension_semantics<core_parallel>, #tpu.dimension_semantics<subcore_parallel>], iteration_bounds = array<i64: 2, 16>, scalar_prefetch = 0 : i64, scratch_operands = 3 : i64, tpu.core_type = #tpu.core_type<sc_vector_subcore>, window_params = [{transform_indices = #map}, {transform_indices = #map}, {transform_indices = #map}]} {
    %mul3A = arith.constant 2 : i32
    %mul3A_0 = arith.muli %arg1, %mul3A : i32
    %add3A = arith.addi %mul3A_0, %arg0 : i32
    %broadcast_in_dim3A = arith.constant 1.000000e+00 : f32
    %broadcast_in_dim3A_1 = vector.broadcast %broadcast_in_dim3A : f32 to vector<16xf32>
    "tpu.region"() ({
      %run_scoped3A = tpu.sem_alloc : memref<!tpu.dma_semaphore, #tpu.memory_space<semaphore_mem>>
      tpu.enqueue_dma source(%arg3 : memref<64x1024xf32, #tpu.memory_space<hbm>>) target(%arg6 : memref<64x1024xf32, #tpu.memory_space<vmem>>) target_semaphore(%run_scoped3A : memref<!tpu.dma_semaphore, #tpu.memory_space<semaphore_mem>>)
      tpu.wait_dma2 semaphore(%run_scoped3A : memref<!tpu.dma_semaphore, #tpu.memory_space<semaphore_mem>>) src(%arg3 : memref<64x1024xf32, #tpu.memory_space<hbm>>) dst(%arg6 : memref<64x1024xf32, #tpu.memory_space<vmem>>)
      tpu.yield
    }) : () -> ()
    %broadcast_in_dim3A_2 = arith.constant 0.000000e+00 : f32
    %broadcast_in_dim3A_3 = vector.broadcast %broadcast_in_dim3A_2 : f32 to vector<16xf32>
    %scan3A = arith.constant 0 : i32
    %scan3A_4 = arith.constant 0 : i32
    %scan3A_5 = arith.constant 32 : i32
    %scan3A_6 = arith.addi %scan3A_4, %scan3A_5 : i32
    %scan3A_7 = arith.constant 1 : i32
    scf.for %scan3A_9 = %scan3A_4 to %scan3A_6 step %scan3A_7  : i32 {
      %mul3A_10 = arith.constant 32 : i32
      %mul3A_11 = arith.muli %add3A, %mul3A_10 : i32
      %add3A_12 = arith.addi %mul3A_11, %scan3A_9 : i32
      "tpu.region"() ({
        %run_scoped3A = tpu.sem_alloc : memref<!tpu.dma_semaphore, #tpu.memory_space<semaphore_mem>>
        %dma_start3A = arith.constant 0 : i32
        %dma_start3A_538 = tpu.memref_slice %arg2[%add3A_12, %dma_start3A] : memref<1024x1024xi32, #tpu.memory_space<hbm>> -> memref<1x1024xi32, #tpu.memory_space<hbm>>
        %dma_start3A_539 = tpu.memref_squeeze %dma_start3A_538 : memref<1x1024xi32, #tpu.memory_space<hbm>> -> memref<1024xi32, #tpu.memory_space<hbm>>
        %dma_start3A_540 = arith.constant 0 : i32
        %dma_start3A_541 = tpu.memref_slice %arg2[%add3A_12, %dma_start3A_540] : memref<1024x1024xi32, #tpu.memory_space<hbm>> -> memref<1x1024xi32, #tpu.memory_space<hbm>>
        %dma_start3A_542 = tpu.memref_squeeze %dma_start3A_541 : memref<1x1024xi32, #tpu.memory_space<hbm>> -> memref<1024xi32, #tpu.memory_space<hbm>>
        tpu.enqueue_dma source(%dma_start3A_542 : memref<1024xi32, #tpu.memory_space<hbm>>) target(%arg5 : memref<1024xi32, #tpu.memory_space<vmem>>) target_semaphore(%run_scoped3A : memref<!tpu.dma_semaphore, #tpu.memory_space<semaphore_mem>>)
        %dma_wait3A = arith.constant 0 : i32
        %dma_wait3A_543 = tpu.memref_slice %arg2[%add3A_12, %dma_wait3A] : memref<1024x1024xi32, #tpu.memory_space<hbm>> -> memref<1x1024xi32, #tpu.memory_space<hbm>>
        %dma_wait3A_544 = tpu.memref_squeeze %dma_wait3A_543 : memref<1x1024xi32, #tpu.memory_space<hbm>> -> memref<1024xi32, #tpu.memory_space<hbm>>
        %dma_wait3A_545 = arith.constant 0 : i32
        %dma_wait3A_546 = tpu.memref_slice %arg2[%add3A_12, %dma_wait3A_545] : memref<1024x1024xi32, #tpu.memory_space<hbm>> -> memref<1x1024xi32, #tpu.memory_space<hbm>>
        %dma_wait3A_547 = tpu.memref_squeeze %dma_wait3A_546 : memref<1x1024xi32, #tpu.memory_space<hbm>> -> memref<1024xi32, #tpu.memory_space<hbm>>
        tpu.wait_dma2 semaphore(%run_scoped3A : memref<!tpu.dma_semaphore, #tpu.memory_space<semaphore_mem>>) src(%dma_wait3A_547 : memref<1024xi32, #tpu.memory_space<hbm>>) dst(%arg5 : memref<1024xi32, #tpu.memory_space<vmem>>)
        tpu.yield
      }) : () -> ()
      %swap3A = arith.constant 0 : index
      %swap3A_13 = tpu.vector_load %arg7[%swap3A] {strides = array<i32>} : memref<4160xf32, #tpu.memory_space<vmem>>, vector<16xf32>,
      tpu.vector_store %arg7[%swap3A], %broadcast_in_dim3A_3 {strides = array<i32>} : memref<4160xf32, #tpu.memory_space<vmem>>, vector<16xf32>,
      %swap3A_14 = arith.constant 16 : index
      %swap3A_15 = tpu.vector_load %arg7[%swap3A_14] {strides = array<i32>} : memref<4160xf32, #tpu.memory_space<vmem>>, vector<16xf32>,
      tpu.vector_store %arg7[%swap3A_14], %broadcast_in_dim3A_3 {strides = array<i32>} : memref<4160xf32, #tpu.memory_space<vmem>>, vector<16xf32>,
      %swap3A_16 = arith.constant 32 : index
      %swap3A_17 = tpu.vector_load %arg7[%swap3A_16] {strides = array<i32>} : memref<4160xf32, #tpu.memory_space<vmem>>, vector<16xf32>,
      tpu.vector_store %arg7[%swap3A_16], %broadcast_in_dim3A_3 {strides = array<i32>} : memref<4160xf32, #tpu.memory_space<vmem>>, vector<16xf32>,
      %swap3A_18 = arith.constant 48 : index
      %swap3A_19 = tpu.vector_load %arg7[%swap3A_18] {strides = array<i32>} : memref<4160xf32, #tpu.memory_space<vmem>>, vector<16xf32>,
      tpu.vector_store %arg7[%swap3A_18], %broadcast_in_dim3A_3 {strides = array<i32>} : memref<4160xf32, #tpu.memory_space<vmem>>, vector<16xf32>,
      %swap3A_20 = arith.constant 64 : index
      %swap3A_21 = tpu.vector_load %arg7[%swap3A_20] {strides = array<i32>} : memref<4160xf32, #tpu.memory_space<vmem>>, vector<16xf32>,
      tpu.vector_store %arg7[%swap3A_20], %broadcast_in_dim3A_3 {strides = array<i32>} : memref<4160xf32, #tpu.memory_space<vmem>>, vector<16xf32>,
      %swap3A_22 = arith.constant 80 : index
      %swap3A_23 = tpu.vector_load %arg7[%swap3A_22] {strides = array<i32>} : memref<4160xf32, #tpu.memory_space<vmem>>, vector<16xf32>,
      tpu.vector_store %arg7[%swap3A_22], %broadcast_in_dim3A_3 {strides = array<i32>} : memref<4160xf32, #tpu.memory_space<vmem>>, vector<16xf32>,
      %swap3A_24 = arith.constant 96 : index
      %swap3A_25 = tpu.vector_load %arg7[%swap3A_24] {strides = array<i32>} : memref<4160xf32, #tpu.memory_space<vmem>>, vector<16xf32>,
      tpu.vector_store %arg7[%swap3A_24], %broadcast_in_dim3A_3 {strides = array<i32>} : memref<4160xf32, #tpu.memory_space<vmem>>, vector<16xf32>,
      %swap3A_26 = arith.constant 112 : index
      %swap3A_27 = tpu.vector_load %arg7[%swap3A_26] {strides = array<i32>} : memref<4160xf32, #tpu.memory_space<vmem>>, vector<16xf32>,
      tpu.vector_store %arg7[%swap3A_26], %broadcast_in_dim3A_3 {strides = array<i32>} : memref<4160xf32, #tpu.memory_space<vmem>>, vector<16xf32>,
      %swap3A_28 = arith.constant 128 : index
      %swap3A_29 = tpu.vector_load %arg7[%swap3A_28] {strides = array<i32>} : memref<4160xf32, #tpu.memory_space<vmem>>, vector<16xf32>,
      tpu.vector_store %arg7[%swap3A_28], %broadcast_in_dim3A_3 {strides = array<i32>} : memref<4160xf32, #tpu.memory_space<vmem>>, vector<16xf32>,
      %swap3A_30 = arith.constant 144 : index
      %swap3A_31 = tpu.vector_load %arg7[%swap3A_30] {strides = array<i32>} : memref<4160xf32, #tpu.memory_space<vmem>>, vector<16xf32>,
      tpu.vector_store %arg7[%swap3A_30], %broadcast_in_dim3A_3 {strides = array<i32>} : memref<4160xf32, #tpu.memory_space<vmem>>, vector<16xf32>,
      %swap3A_32 = arith.constant 160 : index
      %swap3A_33 = tpu.vector_load %arg7[%swap3A_32] {strides = array<i32>} : memref<4160xf32, #tpu.memory_space<vmem>>, vector<16xf32>,
      tpu.vector_store %arg7[%swap3A_32], %broadcast_in_dim3A_3 {strides = array<i32>} : memref<4160xf32, #tpu.memory_space<vmem>>, vector<16xf32>,
      %swap3A_34 = arith.constant 176 : index
      %swap3A_35 = tpu.vector_load %arg7[%swap3A_34] {strides = array<i32>} : memref<4160xf32, #tpu.memory_space<vmem>>, vector<16xf32>,
      tpu.vector_store %arg7[%swap3A_34], %broadcast_in_dim3A_3 {strides = array<i32>} : memref<4160xf32, #tpu.memory_space<vmem>>, vector<16xf32>,
      %swap3A_36 = arith.constant 192 : index
      %swap3A_37 = tpu.vector_load %arg7[%swap3A_36] {strides = array<i32>} : memref<4160xf32, #tpu.memory_space<vmem>>, vector<16xf32>,
      tpu.vector_store %arg7[%swap3A_36], %broadcast_in_dim3A_3 {strides = array<i32>} : memref<4160xf32, #tpu.memory_space<vmem>>, vector<16xf32>,
      %swap3A_38 = arith.constant 208 : index
      %swap3A_39 = tpu.vector_load %arg7[%swap3A_38] {strides = array<i32>} : memref<4160xf32, #tpu.memory_space<vmem>>, vector<16xf32>,
      tpu.vector_store %arg7[%swap3A_38], %broadcast_in_dim3A_3 {strides = array<i32>} : memref<4160xf32, #tpu.memory_space<vmem>>, vector<16xf32>,
      %swap3A_40 = arith.constant 224 : index
      %swap3A_41 = tpu.vector_load %arg7[%swap3A_40] {strides = array<i32>} : memref<4160xf32, #tpu.memory_space<vmem>>, vector<16xf32>,
      tpu.vector_store %arg7[%swap3A_40], %broadcast_in_dim3A_3 {strides = array<i32>} : memref<4160xf32, #tpu.memory_space<vmem>>, vector<16xf32>,
      %swap3A_42 = arith.constant 240 : index
      %swap3A_43 = tpu.vector_load %arg7[%swap3A_42] {strides = array<i32>} : memref<4160xf32, #tpu.memory_space<vmem>>, vector<16xf32>,
      tpu.vector_store %arg7[%swap3A_42], %broadcast_in_dim3A_3 {strides = array<i32>} : memref<4160xf32, #tpu.memory_space<vmem>>, vector<16xf32>,
      %swap3A_44 = arith.constant 256 : index
      %swap3A_45 = tpu.vector_load %arg7[%swap3A_44] {strides = array<i32>} : memref<4160xf32, #tpu.memory_space<vmem>>, vector<16xf32>,
      tpu.vector_store %arg7[%swap3A_44], %broadcast_in_dim3A_3 {strides = array<i32>} : memref<4160xf32, #tpu.memory_space<vmem>>, vector<16xf32>,
      %swap3A_46 = arith.constant 272 : index
      %swap3A_47 = tpu.vector_load %arg7[%swap3A_46] {strides = array<i32>} : memref<4160xf32, #tpu.memory_space<vmem>>, vector<16xf32>,
      tpu.vector_store %arg7[%swap3A_46], %broadcast_in_dim3A_3 {strides = array<i32>} : memref<4160xf32, #tpu.memory_space<vmem>>, vector<16xf32>,
      %swap3A_48 = arith.constant 288 : index
      %swap3A_49 = tpu.vector_load %arg7[%swap3A_48] {strides = array<i32>} : memref<4160xf32, #tpu.memory_space<vmem>>, vector<16xf32>,
      tpu.vector_store %arg7[%swap3A_48], %broadcast_in_dim3A_3 {strides = array<i32>} : memref<4160xf32, #tpu.memory_space<vmem>>, vector<16xf32>,
      %swap3A_50 = arith.constant 304 : index
      %swap3A_51 = tpu.vector_load %arg7[%swap3A_50] {strides = array<i32>} : memref<4160xf32, #tpu.memory_space<vmem>>, vector<16xf32>,
      tpu.vector_store %arg7[%swap3A_50], %broadcast_in_dim3A_3 {strides = array<i32>} : memref<4160xf32, #tpu.memory_space<vmem>>, vector<16xf32>,
      %swap3A_52 = arith.constant 320 : index
      %swap3A_53 = tpu.vector_load %arg7[%swap3A_52] {strides = array<i32>} : memref<4160xf32, #tpu.memory_space<vmem>>, vector<16xf32>,
      tpu.vector_store %arg7[%swap3A_52], %broadcast_in_dim3A_3 {strides = array<i32>} : memref<4160xf32, #tpu.memory_space<vmem>>, vector<16xf32>,
      %swap3A_54 = arith.constant 336 : index
      %swap3A_55 = tpu.vector_load %arg7[%swap3A_54] {strides = array<i32>} : memref<4160xf32, #tpu.memory_space<vmem>>, vector<16xf32>,
      tpu.vector_store %arg7[%swap3A_54], %broadcast_in_dim3A_3 {strides = array<i32>} : memref<4160xf32, #tpu.memory_space<vmem>>, vector<16xf32>,
      %swap3A_56 = arith.constant 352 : index
      %swap3A_57 = tpu.vector_load %arg7[%swap3A_56] {strides = array<i32>} : memref<4160xf32, #tpu.memory_space<vmem>>, vector<16xf32>,
      tpu.vector_store %arg7[%swap3A_56], %broadcast_in_dim3A_3 {strides = array<i32>} : memref<4160xf32, #tpu.memory_space<vmem>>, vector<16xf32>,
      %swap3A_58 = arith.constant 368 : index
      %swap3A_59 = tpu.vector_load %arg7[%swap3A_58] {strides = array<i32>} : memref<4160xf32, #tpu.memory_space<vmem>>, vector<16xf32>,
      tpu.vector_store %arg7[%swap3A_58], %broadcast_in_dim3A_3 {strides = array<i32>} : memref<4160xf32, #tpu.memory_space<vmem>>, vector<16xf32>,
      %swap3A_60 = arith.constant 384 : index
      %swap3A_61 = tpu.vector_load %arg7[%swap3A_60] {strides = array<i32>} : memref<4160xf32, #tpu.memory_space<vmem>>, vector<16xf32>,
      tpu.vector_store %arg7[%swap3A_60], %broadcast_in_dim3A_3 {strides = array<i32>} : memref<4160xf32, #tpu.memory_space<vmem>>, vector<16xf32>,
      %swap3A_62 = arith.constant 400 : index
      %swap3A_63 = tpu.vector_load %arg7[%swap3A_62] {strides = array<i32>} : memref<4160xf32, #tpu.memory_space<vmem>>, vector<16xf32>,
      tpu.vector_store %arg7[%swap3A_62], %broadcast_in_dim3A_3 {strides = array<i32>} : memref<4160xf32, #tpu.memory_space<vmem>>, vector<16xf32>,
      %swap3A_64 = arith.constant 416 : index
      %swap3A_65 = tpu.vector_load %arg7[%swap3A_64] {strides = array<i32>} : memref<4160xf32, #tpu.memory_space<vmem>>, vector<16xf32>,
      tpu.vector_store %arg7[%swap3A_64], %broadcast_in_dim3A_3 {strides = array<i32>} : memref<4160xf32, #tpu.memory_space<vmem>>, vector<16xf32>,
      %swap3A_66 = arith.constant 432 : index
      %swap3A_67 = tpu.vector_load %arg7[%swap3A_66] {strides = array<i32>} : memref<4160xf32, #tpu.memory_space<vmem>>, vector<16xf32>,
      tpu.vector_store %arg7[%swap3A_66], %broadcast_in_dim3A_3 {strides = array<i32>} : memref<4160xf32, #tpu.memory_space<vmem>>, vector<16xf32>,
      %swap3A_68 = arith.constant 448 : index
      %swap3A_69 = tpu.vector_load %arg7[%swap3A_68] {strides = array<i32>} : memref<4160xf32, #tpu.memory_space<vmem>>, vector<16xf32>,
      tpu.vector_store %arg7[%swap3A_68], %broadcast_in_dim3A_3 {strides = array<i32>} : memref<4160xf32, #tpu.memory_space<vmem>>, vector<16xf32>,
      %swap3A_70 = arith.constant 464 : index
      %swap3A_71 = tpu.vector_load %arg7[%swap3A_70] {strides = array<i32>} : memref<4160xf32, #tpu.memory_space<vmem>>, vector<16xf32>,
      tpu.vector_store %arg7[%swap3A_70], %broadcast_in_dim3A_3 {strides = array<i32>} : memref<4160xf32, #tpu.memory_space<vmem>>, vector<16xf32>,
      %swap3A_72 = arith.constant 480 : index
      %swap3A_73 = tpu.vector_load %arg7[%swap3A_72] {strides = array<i32>} : memref<4160xf32, #tpu.memory_space<vmem>>, vector<16xf32>,
      tpu.vector_store %arg7[%swap3A_72], %broadcast_in_dim3A_3 {strides = array<i32>} : memref<4160xf32, #tpu.memory_space<vmem>>, vector<16xf32>,
      %swap3A_74 = arith.constant 496 : index
      %swap3A_75 = tpu.vector_load %arg7[%swap3A_74] {strides = array<i32>} : memref<4160xf32, #tpu.memory_space<vmem>>, vector<16xf32>,
      tpu.vector_store %arg7[%swap3A_74], %broadcast_in_dim3A_3 {strides = array<i32>} : memref<4160xf32, #tpu.memory_space<vmem>>, vector<16xf32>,
      %swap3A_76 = arith.constant 512 : index
      %swap3A_77 = tpu.vector_load %arg7[%swap3A_76] {strides = array<i32>} : memref<4160xf32, #tpu.memory_space<vmem>>, vector<16xf32>,
      tpu.vector_store %arg7[%swap3A_76], %broadcast_in_dim3A_3 {strides = array<i32>} : memref<4160xf32, #tpu.memory_space<vmem>>, vector<16xf32>,
      %swap3A_78 = arith.constant 528 : index
      %swap3A_79 = tpu.vector_load %arg7[%swap3A_78] {strides = array<i32>} : memref<4160xf32, #tpu.memory_space<vmem>>, vector<16xf32>,
      tpu.vector_store %arg7[%swap3A_78], %broadcast_in_dim3A_3 {strides = array<i32>} : memref<4160xf32, #tpu.memory_space<vmem>>, vector<16xf32>,
      %swap3A_80 = arith.constant 544 : index
      %swap3A_81 = tpu.vector_load %arg7[%swap3A_80] {strides = array<i32>} : memref<4160xf32, #tpu.memory_space<vmem>>, vector<16xf32>,
      tpu.vector_store %arg7[%swap3A_80], %broadcast_in_dim3A_3 {strides = array<i32>} : memref<4160xf32, #tpu.memory_space<vmem>>, vector<16xf32>,
      %swap3A_82 = arith.constant 560 : index
      %swap3A_83 = tpu.vector_load %arg7[%swap3A_82] {strides = array<i32>} : memref<4160xf32, #tpu.memory_space<vmem>>, vector<16xf32>,
      tpu.vector_store %arg7[%swap3A_82], %broadcast_in_dim3A_3 {strides = array<i32>} : memref<4160xf32, #tpu.memory_space<vmem>>, vector<16xf32>,
      %swap3A_84 = arith.constant 576 : index
      %swap3A_85 = tpu.vector_load %arg7[%swap3A_84] {strides = array<i32>} : memref<4160xf32, #tpu.memory_space<vmem>>, vector<16xf32>,
      tpu.vector_store %arg7[%swap3A_84], %broadcast_in_dim3A_3 {strides = array<i32>} : memref<4160xf32, #tpu.memory_space<vmem>>, vector<16xf32>,
      %swap3A_86 = arith.constant 592 : index
      %swap3A_87 = tpu.vector_load %arg7[%swap3A_86] {strides = array<i32>} : memref<4160xf32, #tpu.memory_space<vmem>>, vector<16xf32>,
      tpu.vector_store %arg7[%swap3A_86], %broadcast_in_dim3A_3 {strides = array<i32>} : memref<4160xf32, #tpu.memory_space<vmem>>, vector<16xf32>,
      %swap3A_88 = arith.constant 608 : index
      %swap3A_89 = tpu.vector_load %arg7[%swap3A_88] {strides = array<i32>} : memref<4160xf32, #tpu.memory_space<vmem>>, vector<16xf32>,
      tpu.vector_store %arg7[%swap3A_88], %broadcast_in_dim3A_3 {strides = array<i32>} : memref<4160xf32, #tpu.memory_space<vmem>>, vector<16xf32>,
      %swap3A_90 = arith.constant 624 : index
      %swap3A_91 = tpu.vector_load %arg7[%swap3A_90] {strides = array<i32>} : memref<4160xf32, #tpu.memory_space<vmem>>, vector<16xf32>,
      tpu.vector_store %arg7[%swap3A_90], %broadcast_in_dim3A_3 {strides = array<i32>} : memref<4160xf32, #tpu.memory_space<vmem>>, vector<16xf32>,
      %swap3A_92 = arith.constant 640 : index
      %swap3A_93 = tpu.vector_load %arg7[%swap3A_92] {strides = array<i32>} : memref<4160xf32, #tpu.memory_space<vmem>>, vector<16xf32>,
      tpu.vector_store %arg7[%swap3A_92], %broadcast_in_dim3A_3 {strides = array<i32>} : memref<4160xf32, #tpu.memory_space<vmem>>, vector<16xf32>,
      %swap3A_94 = arith.constant 656 : index
      %swap3A_95 = tpu.vector_load %arg7[%swap3A_94] {strides = array<i32>} : memref<4160xf32, #tpu.memory_space<vmem>>, vector<16xf32>,
      tpu.vector_store %arg7[%swap3A_94], %broadcast_in_dim3A_3 {strides = array<i32>} : memref<4160xf32, #tpu.memory_space<vmem>>, vector<16xf32>,
      %swap3A_96 = arith.constant 672 : index
      %swap3A_97 = tpu.vector_load %arg7[%swap3A_96] {strides = array<i32>} : memref<4160xf32, #tpu.memory_space<vmem>>, vector<16xf32>,
      tpu.vector_store %arg7[%swap3A_96], %broadcast_in_dim3A_3 {strides = array<i32>} : memref<4160xf32, #tpu.memory_space<vmem>>, vector<16xf32>,
      %swap3A_98 = arith.constant 688 : index
      %swap3A_99 = tpu.vector_load %arg7[%swap3A_98] {strides = array<i32>} : memref<4160xf32, #tpu.memory_space<vmem>>, vector<16xf32>,
      tpu.vector_store %arg7[%swap3A_98], %broadcast_in_dim3A_3 {strides = array<i32>} : memref<4160xf32, #tpu.memory_space<vmem>>, vector<16xf32>,
      %swap3A_100 = arith.constant 704 : index
      %swap3A_101 = tpu.vector_load %arg7[%swap3A_100] {strides = array<i32>} : memref<4160xf32, #tpu.memory_space<vmem>>, vector<16xf32>,
      tpu.vector_store %arg7[%swap3A_100], %broadcast_in_dim3A_3 {strides = array<i32>} : memref<4160xf32, #tpu.memory_space<vmem>>, vector<16xf32>,
      %swap3A_102 = arith.constant 720 : index
      %swap3A_103 = tpu.vector_load %arg7[%swap3A_102] {strides = array<i32>} : memref<4160xf32, #tpu.memory_space<vmem>>, vector<16xf32>,
      tpu.vector_store %arg7[%swap3A_102], %broadcast_in_dim3A_3 {strides = array<i32>} : memref<4160xf32, #tpu.memory_space<vmem>>, vector<16xf32>,
      %swap3A_104 = arith.constant 736 : index
      %swap3A_105 = tpu.vector_load %arg7[%swap3A_104] {strides = array<i32>} : memref<4160xf32, #tpu.memory_space<vmem>>, vector<16xf32>,
      tpu.vector_store %arg7[%swap3A_104], %broadcast_in_dim3A_3 {strides = array<i32>} : memref<4160xf32, #tpu.memory_space<vmem>>, vector<16xf32>,
      %swap3A_106 = arith.constant 752 : index
      %swap3A_107 = tpu.vector_load %arg7[%swap3A_106] {strides = array<i32>} : memref<4160xf32, #tpu.memory_space<vmem>>, vector<16xf32>,
      tpu.vector_store %arg7[%swap3A_106], %broadcast_in_dim3A_3 {strides = array<i32>} : memref<4160xf32, #tpu.memory_space<vmem>>, vector<16xf32>,
      %swap3A_108 = arith.constant 768 : index
      %swap3A_109 = tpu.vector_load %arg7[%swap3A_108] {strides = array<i32>} : memref<4160xf32, #tpu.memory_space<vmem>>, vector<16xf32>,
      tpu.vector_store %arg7[%swap3A_108], %broadcast_in_dim3A_3 {strides = array<i32>} : memref<4160xf32, #tpu.memory_space<vmem>>, vector<16xf32>,
      %swap3A_110 = arith.constant 784 : index
      %swap3A_111 = tpu.vector_load %arg7[%swap3A_110] {strides = array<i32>} : memref<4160xf32, #tpu.memory_space<vmem>>, vector<16xf32>,
      tpu.vector_store %arg7[%swap3A_110], %broadcast_in_dim3A_3 {strides = array<i32>} : memref<4160xf32, #tpu.memory_space<vmem>>, vector<16xf32>,
      %swap3A_112 = arith.constant 800 : index
      %swap3A_113 = tpu.vector_load %arg7[%swap3A_112] {strides = array<i32>} : memref<4160xf32, #tpu.memory_space<vmem>>, vector<16xf32>,
      tpu.vector_store %arg7[%swap3A_112], %broadcast_in_dim3A_3 {strides = array<i32>} : memref<4160xf32, #tpu.memory_space<vmem>>, vector<16xf32>,
      %swap3A_114 = arith.constant 816 : index
      %swap3A_115 = tpu.vector_load %arg7[%swap3A_114] {strides = array<i32>} : memref<4160xf32, #tpu.memory_space<vmem>>, vector<16xf32>,
      tpu.vector_store %arg7[%swap3A_114], %broadcast_in_dim3A_3 {strides = array<i32>} : memref<4160xf32, #tpu.memory_space<vmem>>, vector<16xf32>,
      %swap3A_116 = arith.constant 832 : index
      %swap3A_117 = tpu.vector_load %arg7[%swap3A_116] {strides = array<i32>} : memref<4160xf32, #tpu.memory_space<vmem>>, vector<16xf32>,
      tpu.vector_store %arg7[%swap3A_116], %broadcast_in_dim3A_3 {strides = array<i32>} : memref<4160xf32, #tpu.memory_space<vmem>>, vector<16xf32>,
      %swap3A_118 = arith.constant 848 : index
      %swap3A_119 = tpu.vector_load %arg7[%swap3A_118] {strides = array<i32>} : memref<4160xf32, #tpu.memory_space<vmem>>, vector<16xf32>,
      tpu.vector_store %arg7[%swap3A_118], %broadcast_in_dim3A_3 {strides = array<i32>} : memref<4160xf32, #tpu.memory_space<vmem>>, vector<16xf32>,
      %swap3A_120 = arith.constant 864 : index
      %swap3A_121 = tpu.vector_load %arg7[%swap3A_120] {strides = array<i32>} : memref<4160xf32, #tpu.memory_space<vmem>>, vector<16xf32>,
      tpu.vector_store %arg7[%swap3A_120], %broadcast_in_dim3A_3 {strides = array<i32>} : memref<4160xf32, #tpu.memory_space<vmem>>, vector<16xf32>,
      %swap3A_122 = arith.constant 880 : index
      %swap3A_123 = tpu.vector_load %arg7[%swap3A_122] {strides = array<i32>} : memref<4160xf32, #tpu.memory_space<vmem>>, vector<16xf32>,
      tpu.vector_store %arg7[%swap3A_122], %broadcast_in_dim3A_3 {strides = array<i32>} : memref<4160xf32, #tpu.memory_space<vmem>>, vector<16xf32>,
      %swap3A_124 = arith.constant 896 : index
      %swap3A_125 = tpu.vector_load %arg7[%swap3A_124] {strides = array<i32>} : memref<4160xf32, #tpu.memory_space<vmem>>, vector<16xf32>,
      tpu.vector_store %arg7[%swap3A_124], %broadcast_in_dim3A_3 {strides = array<i32>} : memref<4160xf32, #tpu.memory_space<vmem>>, vector<16xf32>,
      %swap3A_126 = arith.constant 912 : index
      %swap3A_127 = tpu.vector_load %arg7[%swap3A_126] {strides = array<i32>} : memref<4160xf32, #tpu.memory_space<vmem>>, vector<16xf32>,
      tpu.vector_store %arg7[%swap3A_126], %broadcast_in_dim3A_3 {strides = array<i32>} : memref<4160xf32, #tpu.memory_space<vmem>>, vector<16xf32>,
      %swap3A_128 = arith.constant 928 : index
      %swap3A_129 = tpu.vector_load %arg7[%swap3A_128] {strides = array<i32>} : memref<4160xf32, #tpu.memory_space<vmem>>, vector<16xf32>,
      tpu.vector_store %arg7[%swap3A_128], %broadcast_in_dim3A_3 {strides = array<i32>} : memref<4160xf32, #tpu.memory_space<vmem>>, vector<16xf32>,
      %swap3A_130 = arith.constant 944 : index
      %swap3A_131 = tpu.vector_load %arg7[%swap3A_130] {strides = array<i32>} : memref<4160xf32, #tpu.memory_space<vmem>>, vector<16xf32>,
      tpu.vector_store %arg7[%swap3A_130], %broadcast_in_dim3A_3 {strides = array<i32>} : memref<4160xf32, #tpu.memory_space<vmem>>, vector<16xf32>,
      %swap3A_132 = arith.constant 960 : index
      %swap3A_133 = tpu.vector_load %arg7[%swap3A_132] {strides = array<i32>} : memref<4160xf32, #tpu.memory_space<vmem>>, vector<16xf32>,
      tpu.vector_store %arg7[%swap3A_132], %broadcast_in_dim3A_3 {strides = array<i32>} : memref<4160xf32, #tpu.memory_space<vmem>>, vector<16xf32>,
      %swap3A_134 = arith.constant 976 : index
      %swap3A_135 = tpu.vector_load %arg7[%swap3A_134] {strides = array<i32>} : memref<4160xf32, #tpu.memory_space<vmem>>, vector<16xf32>,
      tpu.vector_store %arg7[%swap3A_134], %broadcast_in_dim3A_3 {strides = array<i32>} : memref<4160xf32, #tpu.memory_space<vmem>>, vector<16xf32>,
      %swap3A_136 = arith.constant 992 : index
      %swap3A_137 = tpu.vector_load %arg7[%swap3A_136] {strides = array<i32>} : memref<4160xf32, #tpu.memory_space<vmem>>, vector<16xf32>,
      tpu.vector_store %arg7[%swap3A_136], %broadcast_in_dim3A_3 {strides = array<i32>} : memref<4160xf32, #tpu.memory_space<vmem>>, vector<16xf32>,
      %swap3A_138 = arith.constant 1008 : index
      %swap3A_139 = tpu.vector_load %arg7[%swap3A_138] {strides = array<i32>} : memref<4160xf32, #tpu.memory_space<vmem>>, vector<16xf32>,
      tpu.vector_store %arg7[%swap3A_138], %broadcast_in_dim3A_3 {strides = array<i32>} : memref<4160xf32, #tpu.memory_space<vmem>>, vector<16xf32>,
      %swap3A_140 = arith.constant 1024 : index
      %swap3A_141 = tpu.vector_load %arg7[%swap3A_140] {strides = array<i32>} : memref<4160xf32, #tpu.memory_space<vmem>>, vector<16xf32>,
      tpu.vector_store %arg7[%swap3A_140], %broadcast_in_dim3A_3 {strides = array<i32>} : memref<4160xf32, #tpu.memory_space<vmem>>, vector<16xf32>,
      %swap3A_142 = arith.constant 1040 : index
      %swap3A_143 = tpu.vector_load %arg7[%swap3A_142] {strides = array<i32>} : memref<4160xf32, #tpu.memory_space<vmem>>, vector<16xf32>,
      tpu.vector_store %arg7[%swap3A_142], %broadcast_in_dim3A_3 {strides = array<i32>} : memref<4160xf32, #tpu.memory_space<vmem>>, vector<16xf32>,
      %swap3A_144 = arith.constant 1056 : index
      %swap3A_145 = tpu.vector_load %arg7[%swap3A_144] {strides = array<i32>} : memref<4160xf32, #tpu.memory_space<vmem>>, vector<16xf32>,
      tpu.vector_store %arg7[%swap3A_144], %broadcast_in_dim3A_3 {strides = array<i32>} : memref<4160xf32, #tpu.memory_space<vmem>>, vector<16xf32>,
      %swap3A_146 = arith.constant 1072 : index
      %swap3A_147 = tpu.vector_load %arg7[%swap3A_146] {strides = array<i32>} : memref<4160xf32, #tpu.memory_space<vmem>>, vector<16xf32>,
      tpu.vector_store %arg7[%swap3A_146], %broadcast_in_dim3A_3 {strides = array<i32>} : memref<4160xf32, #tpu.memory_space<vmem>>, vector<16xf32>,
      %swap3A_148 = arith.constant 1088 : index
      %swap3A_149 = tpu.vector_load %arg7[%swap3A_148] {strides = array<i32>} : memref<4160xf32, #tpu.memory_space<vmem>>, vector<16xf32>,
      tpu.vector_store %arg7[%swap3A_148], %broadcast_in_dim3A_3 {strides = array<i32>} : memref<4160xf32, #tpu.memory_space<vmem>>, vector<16xf32>,
      %swap3A_150 = arith.constant 1104 : index
      %swap3A_151 = tpu.vector_load %arg7[%swap3A_150] {strides = array<i32>} : memref<4160xf32, #tpu.memory_space<vmem>>, vector<16xf32>,
      tpu.vector_store %arg7[%swap3A_150], %broadcast_in_dim3A_3 {strides = array<i32>} : memref<4160xf32, #tpu.memory_space<vmem>>, vector<16xf32>,
      %swap3A_152 = arith.constant 1120 : index
      %swap3A_153 = tpu.vector_load %arg7[%swap3A_152] {strides = array<i32>} : memref<4160xf32, #tpu.memory_space<vmem>>, vector<16xf32>,
      tpu.vector_store %arg7[%swap3A_152], %broadcast_in_dim3A_3 {strides = array<i32>} : memref<4160xf32, #tpu.memory_space<vmem>>, vector<16xf32>,
      %swap3A_154 = arith.constant 1136 : index
      %swap3A_155 = tpu.vector_load %arg7[%swap3A_154] {strides = array<i32>} : memref<4160xf32, #tpu.memory_space<vmem>>, vector<16xf32>,
      tpu.vector_store %arg7[%swap3A_154], %broadcast_in_dim3A_3 {strides = array<i32>} : memref<4160xf32, #tpu.memory_space<vmem>>, vector<16xf32>,
      %swap3A_156 = arith.constant 1152 : index
      %swap3A_157 = tpu.vector_load %arg7[%swap3A_156] {strides = array<i32>} : memref<4160xf32, #tpu.memory_space<vmem>>, vector<16xf32>,
      tpu.vector_store %arg7[%swap3A_156], %broadcast_in_dim3A_3 {strides = array<i32>} : memref<4160xf32, #tpu.memory_space<vmem>>, vector<16xf32>,
      %swap3A_158 = arith.constant 1168 : index
      %swap3A_159 = tpu.vector_load %arg7[%swap3A_158] {strides = array<i32>} : memref<4160xf32, #tpu.memory_space<vmem>>, vector<16xf32>,
      tpu.vector_store %arg7[%swap3A_158], %broadcast_in_dim3A_3 {strides = array<i32>} : memref<4160xf32, #tpu.memory_space<vmem>>, vector<16xf32>,
      %swap3A_160 = arith.constant 1184 : index
      %swap3A_161 = tpu.vector_load %arg7[%swap3A_160] {strides = array<i32>} : memref<4160xf32, #tpu.memory_space<vmem>>, vector<16xf32>,
      tpu.vector_store %arg7[%swap3A_160], %broadcast_in_dim3A_3 {strides = array<i32>} : memref<4160xf32, #tpu.memory_space<vmem>>, vector<16xf32>,
      %swap3A_162 = arith.constant 1200 : index
      %swap3A_163 = tpu.vector_load %arg7[%swap3A_162] {strides = array<i32>} : memref<4160xf32, #tpu.memory_space<vmem>>, vector<16xf32>,
      tpu.vector_store %arg7[%swap3A_162], %broadcast_in_dim3A_3 {strides = array<i32>} : memref<4160xf32, #tpu.memory_space<vmem>>, vector<16xf32>,
      %swap3A_164 = arith.constant 1216 : index
      %swap3A_165 = tpu.vector_load %arg7[%swap3A_164] {strides = array<i32>} : memref<4160xf32, #tpu.memory_space<vmem>>, vector<16xf32>,
      tpu.vector_store %arg7[%swap3A_164], %broadcast_in_dim3A_3 {strides = array<i32>} : memref<4160xf32, #tpu.memory_space<vmem>>, vector<16xf32>,
      %swap3A_166 = arith.constant 1232 : index
      %swap3A_167 = tpu.vector_load %arg7[%swap3A_166] {strides = array<i32>} : memref<4160xf32, #tpu.memory_space<vmem>>, vector<16xf32>,
      tpu.vector_store %arg7[%swap3A_166], %broadcast_in_dim3A_3 {strides = array<i32>} : memref<4160xf32, #tpu.memory_space<vmem>>, vector<16xf32>,
      %swap3A_168 = arith.constant 1248 : index
      %swap3A_169 = tpu.vector_load %arg7[%swap3A_168] {strides = array<i32>} : memref<4160xf32, #tpu.memory_space<vmem>>, vector<16xf32>,
      tpu.vector_store %arg7[%swap3A_168], %broadcast_in_dim3A_3 {strides = array<i32>} : memref<4160xf32, #tpu.memory_space<vmem>>, vector<16xf32>,
      %swap3A_170 = arith.constant 1264 : index
      %swap3A_171 = tpu.vector_load %arg7[%swap3A_170] {strides = array<i32>} : memref<4160xf32, #tpu.memory_space<vmem>>, vector<16xf32>,
      tpu.vector_store %arg7[%swap3A_170], %broadcast_in_dim3A_3 {strides = array<i32>} : memref<4160xf32, #tpu.memory_space<vmem>>, vector<16xf32>,
      %swap3A_172 = arith.constant 1280 : index
      %swap3A_173 = tpu.vector_load %arg7[%swap3A_172] {strides = array<i32>} : memref<4160xf32, #tpu.memory_space<vmem>>, vector<16xf32>,
      tpu.vector_store %arg7[%swap3A_172], %broadcast_in_dim3A_3 {strides = array<i32>} : memref<4160xf32, #tpu.memory_space<vmem>>, vector<16xf32>,
      %swap3A_174 = arith.constant 1296 : index
      %swap3A_175 = tpu.vector_load %arg7[%swap3A_174] {strides = array<i32>} : memref<4160xf32, #tpu.memory_space<vmem>>, vector<16xf32>,
      tpu.vector_store %arg7[%swap3A_174], %broadcast_in_dim3A_3 {strides = array<i32>} : memref<4160xf32, #tpu.memory_space<vmem>>, vector<16xf32>,
      %swap3A_176 = arith.constant 1312 : index
      %swap3A_177 = tpu.vector_load %arg7[%swap3A_176] {strides = array<i32>} : memref<4160xf32, #tpu.memory_space<vmem>>, vector<16xf32>,
      tpu.vector_store %arg7[%swap3A_176], %broadcast_in_dim3A_3 {strides = array<i32>} : memref<4160xf32, #tpu.memory_space<vmem>>, vector<16xf32>,
      %swap3A_178 = arith.constant 1328 : index
      %swap3A_179 = tpu.vector_load %arg7[%swap3A_178] {strides = array<i32>} : memref<4160xf32, #tpu.memory_space<vmem>>, vector<16xf32>,
      tpu.vector_store %arg7[%swap3A_178], %broadcast_in_dim3A_3 {strides = array<i32>} : memref<4160xf32, #tpu.memory_space<vmem>>, vector<16xf32>,
      %swap3A_180 = arith.constant 1344 : index
      %swap3A_181 = tpu.vector_load %arg7[%swap3A_180] {strides = array<i32>} : memref<4160xf32, #tpu.memory_space<vmem>>, vector<16xf32>,
      tpu.vector_store %arg7[%swap3A_180], %broadcast_in_dim3A_3 {strides = array<i32>} : memref<4160xf32, #tpu.memory_space<vmem>>, vector<16xf32>,
      %swap3A_182 = arith.constant 1360 : index
      %swap3A_183 = tpu.vector_load %arg7[%swap3A_182] {strides = array<i32>} : memref<4160xf32, #tpu.memory_space<vmem>>, vector<16xf32>,
      tpu.vector_store %arg7[%swap3A_182], %broadcast_in_dim3A_3 {strides = array<i32>} : memref<4160xf32, #tpu.memory_space<vmem>>, vector<16xf32>,
      %swap3A_184 = arith.constant 1376 : index
      %swap3A_185 = tpu.vector_load %arg7[%swap3A_184] {strides = array<i32>} : memref<4160xf32, #tpu.memory_space<vmem>>, vector<16xf32>,
      tpu.vector_store %arg7[%swap3A_184], %broadcast_in_dim3A_3 {strides = array<i32>} : memref<4160xf32, #tpu.memory_space<vmem>>, vector<16xf32>,
      %swap3A_186 = arith.constant 1392 : index
      %swap3A_187 = tpu.vector_load %arg7[%swap3A_186] {strides = array<i32>} : memref<4160xf32, #tpu.memory_space<vmem>>, vector<16xf32>,
      tpu.vector_store %arg7[%swap3A_186], %broadcast_in_dim3A_3 {strides = array<i32>} : memref<4160xf32, #tpu.memory_space<vmem>>, vector<16xf32>,
      %swap3A_188 = arith.constant 1408 : index
      %swap3A_189 = tpu.vector_load %arg7[%swap3A_188] {strides = array<i32>} : memref<4160xf32, #tpu.memory_space<vmem>>, vector<16xf32>,
      tpu.vector_store %arg7[%swap3A_188], %broadcast_in_dim3A_3 {strides = array<i32>} : memref<4160xf32, #tpu.memory_space<vmem>>, vector<16xf32>,
      %swap3A_190 = arith.constant 1424 : index
      %swap3A_191 = tpu.vector_load %arg7[%swap3A_190] {strides = array<i32>} : memref<4160xf32, #tpu.memory_space<vmem>>, vector<16xf32>,
      tpu.vector_store %arg7[%swap3A_190], %broadcast_in_dim3A_3 {strides = array<i32>} : memref<4160xf32, #tpu.memory_space<vmem>>, vector<16xf32>,
      %swap3A_192 = arith.constant 1440 : index
      %swap3A_193 = tpu.vector_load %arg7[%swap3A_192] {strides = array<i32>} : memref<4160xf32, #tpu.memory_space<vmem>>, vector<16xf32>,
      tpu.vector_store %arg7[%swap3A_192], %broadcast_in_dim3A_3 {strides = array<i32>} : memref<4160xf32, #tpu.memory_space<vmem>>, vector<16xf32>,
      %swap3A_194 = arith.constant 1456 : index
      %swap3A_195 = tpu.vector_load %arg7[%swap3A_194] {strides = array<i32>} : memref<4160xf32, #tpu.memory_space<vmem>>, vector<16xf32>,
      tpu.vector_store %arg7[%swap3A_194], %broadcast_in_dim3A_3 {strides = array<i32>} : memref<4160xf32, #tpu.memory_space<vmem>>, vector<16xf32>,
      %swap3A_196 = arith.constant 1472 : index
      %swap3A_197 = tpu.vector_load %arg7[%swap3A_196] {strides = array<i32>} : memref<4160xf32, #tpu.memory_space<vmem>>, vector<16xf32>,
      tpu.vector_store %arg7[%swap3A_196], %broadcast_in_dim3A_3 {strides = array<i32>} : memref<4160xf32, #tpu.memory_space<vmem>>, vector<16xf32>,
      %swap3A_198 = arith.constant 1488 : index
      %swap3A_199 = tpu.vector_load %arg7[%swap3A_198] {strides = array<i32>} : memref<4160xf32, #tpu.memory_space<vmem>>, vector<16xf32>,
      tpu.vector_store %arg7[%swap3A_198], %broadcast_in_dim3A_3 {strides = array<i32>} : memref<4160xf32, #tpu.memory_space<vmem>>, vector<16xf32>,
      %swap3A_200 = arith.constant 1504 : index
      %swap3A_201 = tpu.vector_load %arg7[%swap3A_200] {strides = array<i32>} : memref<4160xf32, #tpu.memory_space<vmem>>, vector<16xf32>,
      tpu.vector_store %arg7[%swap3A_200], %broadcast_in_dim3A_3 {strides = array<i32>} : memref<4160xf32, #tpu.memory_space<vmem>>, vector<16xf32>,
      %swap3A_202 = arith.constant 1520 : index
      %swap3A_203 = tpu.vector_load %arg7[%swap3A_202] {strides = array<i32>} : memref<4160xf32, #tpu.memory_space<vmem>>, vector<16xf32>,
      tpu.vector_store %arg7[%swap3A_202], %broadcast_in_dim3A_3 {strides = array<i32>} : memref<4160xf32, #tpu.memory_space<vmem>>, vector<16xf32>,
      %swap3A_204 = arith.constant 1536 : index
      %swap3A_205 = tpu.vector_load %arg7[%swap3A_204] {strides = array<i32>} : memref<4160xf32, #tpu.memory_space<vmem>>, vector<16xf32>,
      tpu.vector_store %arg7[%swap3A_204], %broadcast_in_dim3A_3 {strides = array<i32>} : memref<4160xf32, #tpu.memory_space<vmem>>, vector<16xf32>,
      %swap3A_206 = arith.constant 1552 : index
      %swap3A_207 = tpu.vector_load %arg7[%swap3A_206] {strides = array<i32>} : memref<4160xf32, #tpu.memory_space<vmem>>, vector<16xf32>,
      tpu.vector_store %arg7[%swap3A_206], %broadcast_in_dim3A_3 {strides = array<i32>} : memref<4160xf32, #tpu.memory_space<vmem>>, vector<16xf32>,
      %swap3A_208 = arith.constant 1568 : index
      %swap3A_209 = tpu.vector_load %arg7[%swap3A_208] {strides = array<i32>} : memref<4160xf32, #tpu.memory_space<vmem>>, vector<16xf32>,
      tpu.vector_store %arg7[%swap3A_208], %broadcast_in_dim3A_3 {strides = array<i32>} : memref<4160xf32, #tpu.memory_space<vmem>>, vector<16xf32>,
      %swap3A_210 = arith.constant 1584 : index
      %swap3A_211 = tpu.vector_load %arg7[%swap3A_210] {strides = array<i32>} : memref<4160xf32, #tpu.memory_space<vmem>>, vector<16xf32>,
      tpu.vector_store %arg7[%swap3A_210], %broadcast_in_dim3A_3 {strides = array<i32>} : memref<4160xf32, #tpu.memory_space<vmem>>, vector<16xf32>,
      %swap3A_212 = arith.constant 1600 : index
      %swap3A_213 = tpu.vector_load %arg7[%swap3A_212] {strides = array<i32>} : memref<4160xf32, #tpu.memory_space<vmem>>, vector<16xf32>,
      tpu.vector_store %arg7[%swap3A_212], %broadcast_in_dim3A_3 {strides = array<i32>} : memref<4160xf32, #tpu.memory_space<vmem>>, vector<16xf32>,
      %swap3A_214 = arith.constant 1616 : index
      %swap3A_215 = tpu.vector_load %arg7[%swap3A_214] {strides = array<i32>} : memref<4160xf32, #tpu.memory_space<vmem>>, vector<16xf32>,
      tpu.vector_store %arg7[%swap3A_214], %broadcast_in_dim3A_3 {strides = array<i32>} : memref<4160xf32, #tpu.memory_space<vmem>>, vector<16xf32>,
      %swap3A_216 = arith.constant 1632 : index
      %swap3A_217 = tpu.vector_load %arg7[%swap3A_216] {strides = array<i32>} : memref<4160xf32, #tpu.memory_space<vmem>>, vector<16xf32>,
      tpu.vector_store %arg7[%swap3A_216], %broadcast_in_dim3A_3 {strides = array<i32>} : memref<4160xf32, #tpu.memory_space<vmem>>, vector<16xf32>,
      %swap3A_218 = arith.constant 1648 : index
      %swap3A_219 = tpu.vector_load %arg7[%swap3A_218] {strides = array<i32>} : memref<4160xf32, #tpu.memory_space<vmem>>, vector<16xf32>,
      tpu.vector_store %arg7[%swap3A_218], %broadcast_in_dim3A_3 {strides = array<i32>} : memref<4160xf32, #tpu.memory_space<vmem>>, vector<16xf32>,
      %swap3A_220 = arith.constant 1664 : index
      %swap3A_221 = tpu.vector_load %arg7[%swap3A_220] {strides = array<i32>} : memref<4160xf32, #tpu.memory_space<vmem>>, vector<16xf32>,
      tpu.vector_store %arg7[%swap3A_220], %broadcast_in_dim3A_3 {strides = array<i32>} : memref<4160xf32, #tpu.memory_space<vmem>>, vector<16xf32>,
      %swap3A_222 = arith.constant 1680 : index
      %swap3A_223 = tpu.vector_load %arg7[%swap3A_222] {strides = array<i32>} : memref<4160xf32, #tpu.memory_space<vmem>>, vector<16xf32>,
      tpu.vector_store %arg7[%swap3A_222], %broadcast_in_dim3A_3 {strides = array<i32>} : memref<4160xf32, #tpu.memory_space<vmem>>, vector<16xf32>,
      %swap3A_224 = arith.constant 1696 : index
      %swap3A_225 = tpu.vector_load %arg7[%swap3A_224] {strides = array<i32>} : memref<4160xf32, #tpu.memory_space<vmem>>, vector<16xf32>,
      tpu.vector_store %arg7[%swap3A_224], %broadcast_in_dim3A_3 {strides = array<i32>} : memref<4160xf32, #tpu.memory_space<vmem>>, vector<16xf32>,
      %swap3A_226 = arith.constant 1712 : index
      %swap3A_227 = tpu.vector_load %arg7[%swap3A_226] {strides = array<i32>} : memref<4160xf32, #tpu.memory_space<vmem>>, vector<16xf32>,
      tpu.vector_store %arg7[%swap3A_226], %broadcast_in_dim3A_3 {strides = array<i32>} : memref<4160xf32, #tpu.memory_space<vmem>>, vector<16xf32>,
      %swap3A_228 = arith.constant 1728 : index
      %swap3A_229 = tpu.vector_load %arg7[%swap3A_228] {strides = array<i32>} : memref<4160xf32, #tpu.memory_space<vmem>>, vector<16xf32>,
      tpu.vector_store %arg7[%swap3A_228], %broadcast_in_dim3A_3 {strides = array<i32>} : memref<4160xf32, #tpu.memory_space<vmem>>, vector<16xf32>,
      %swap3A_230 = arith.constant 1744 : index
      %swap3A_231 = tpu.vector_load %arg7[%swap3A_230] {strides = array<i32>} : memref<4160xf32, #tpu.memory_space<vmem>>, vector<16xf32>,
      tpu.vector_store %arg7[%swap3A_230], %broadcast_in_dim3A_3 {strides = array<i32>} : memref<4160xf32, #tpu.memory_space<vmem>>, vector<16xf32>,
      %swap3A_232 = arith.constant 1760 : index
      %swap3A_233 = tpu.vector_load %arg7[%swap3A_232] {strides = array<i32>} : memref<4160xf32, #tpu.memory_space<vmem>>, vector<16xf32>,
      tpu.vector_store %arg7[%swap3A_232], %broadcast_in_dim3A_3 {strides = array<i32>} : memref<4160xf32, #tpu.memory_space<vmem>>, vector<16xf32>,
      %swap3A_234 = arith.constant 1776 : index
      %swap3A_235 = tpu.vector_load %arg7[%swap3A_234] {strides = array<i32>} : memref<4160xf32, #tpu.memory_space<vmem>>, vector<16xf32>,
      tpu.vector_store %arg7[%swap3A_234], %broadcast_in_dim3A_3 {strides = array<i32>} : memref<4160xf32, #tpu.memory_space<vmem>>, vector<16xf32>,
      %swap3A_236 = arith.constant 1792 : index
      %swap3A_237 = tpu.vector_load %arg7[%swap3A_236] {strides = array<i32>} : memref<4160xf32, #tpu.memory_space<vmem>>, vector<16xf32>,
      tpu.vector_store %arg7[%swap3A_236], %broadcast_in_dim3A_3 {strides = array<i32>} : memref<4160xf32, #tpu.memory_space<vmem>>, vector<16xf32>,
      %swap3A_238 = arith.constant 1808 : index
      %swap3A_239 = tpu.vector_load %arg7[%swap3A_238] {strides = array<i32>} : memref<4160xf32, #tpu.memory_space<vmem>>, vector<16xf32>,
      tpu.vector_store %arg7[%swap3A_238], %broadcast_in_dim3A_3 {strides = array<i32>} : memref<4160xf32, #tpu.memory_space<vmem>>, vector<16xf32>,
      %swap3A_240 = arith.constant 1824 : index
      %swap3A_241 = tpu.vector_load %arg7[%swap3A_240] {strides = array<i32>} : memref<4160xf32, #tpu.memory_space<vmem>>, vector<16xf32>,
      tpu.vector_store %arg7[%swap3A_240], %broadcast_in_dim3A_3 {strides = array<i32>} : memref<4160xf32, #tpu.memory_space<vmem>>, vector<16xf32>,
      %swap3A_242 = arith.constant 1840 : index
      %swap3A_243 = tpu.vector_load %arg7[%swap3A_242] {strides = array<i32>} : memref<4160xf32, #tpu.memory_space<vmem>>, vector<16xf32>,
      tpu.vector_store %arg7[%swap3A_242], %broadcast_in_dim3A_3 {strides = array<i32>} : memref<4160xf32, #tpu.memory_space<vmem>>, vector<16xf32>,
      %swap3A_244 = arith.constant 1856 : index
      %swap3A_245 = tpu.vector_load %arg7[%swap3A_244] {strides = array<i32>} : memref<4160xf32, #tpu.memory_space<vmem>>, vector<16xf32>,
      tpu.vector_store %arg7[%swap3A_244], %broadcast_in_dim3A_3 {strides = array<i32>} : memref<4160xf32, #tpu.memory_space<vmem>>, vector<16xf32>,
      %swap3A_246 = arith.constant 1872 : index
      %swap3A_247 = tpu.vector_load %arg7[%swap3A_246] {strides = array<i32>} : memref<4160xf32, #tpu.memory_space<vmem>>, vector<16xf32>,
      tpu.vector_store %arg7[%swap3A_246], %broadcast_in_dim3A_3 {strides = array<i32>} : memref<4160xf32, #tpu.memory_space<vmem>>, vector<16xf32>,
      %swap3A_248 = arith.constant 1888 : index
      %swap3A_249 = tpu.vector_load %arg7[%swap3A_248] {strides = array<i32>} : memref<4160xf32, #tpu.memory_space<vmem>>, vector<16xf32>,
      tpu.vector_store %arg7[%swap3A_248], %broadcast_in_dim3A_3 {strides = array<i32>} : memref<4160xf32, #tpu.memory_space<vmem>>, vector<16xf32>,
      %swap3A_250 = arith.constant 1904 : index
      %swap3A_251 = tpu.vector_load %arg7[%swap3A_250] {strides = array<i32>} : memref<4160xf32, #tpu.memory_space<vmem>>, vector<16xf32>,
      tpu.vector_store %arg7[%swap3A_250], %broadcast_in_dim3A_3 {strides = array<i32>} : memref<4160xf32, #tpu.memory_space<vmem>>, vector<16xf32>,
      %swap3A_252 = arith.constant 1920 : index
      %swap3A_253 = tpu.vector_load %arg7[%swap3A_252] {strides = array<i32>} : memref<4160xf32, #tpu.memory_space<vmem>>, vector<16xf32>,
      tpu.vector_store %arg7[%swap3A_252], %broadcast_in_dim3A_3 {strides = array<i32>} : memref<4160xf32, #tpu.memory_space<vmem>>, vector<16xf32>,
      %swap3A_254 = arith.constant 1936 : index
      %swap3A_255 = tpu.vector_load %arg7[%swap3A_254] {strides = array<i32>} : memref<4160xf32, #tpu.memory_space<vmem>>, vector<16xf32>,
      tpu.vector_store %arg7[%swap3A_254], %broadcast_in_dim3A_3 {strides = array<i32>} : memref<4160xf32, #tpu.memory_space<vmem>>, vector<16xf32>,
      %swap3A_256 = arith.constant 1952 : index
      %swap3A_257 = tpu.vector_load %arg7[%swap3A_256] {strides = array<i32>} : memref<4160xf32, #tpu.memory_space<vmem>>, vector<16xf32>,
      tpu.vector_store %arg7[%swap3A_256], %broadcast_in_dim3A_3 {strides = array<i32>} : memref<4160xf32, #tpu.memory_space<vmem>>, vector<16xf32>,
      %swap3A_258 = arith.constant 1968 : index
      %swap3A_259 = tpu.vector_load %arg7[%swap3A_258] {strides = array<i32>} : memref<4160xf32, #tpu.memory_space<vmem>>, vector<16xf32>,
      tpu.vector_store %arg7[%swap3A_258], %broadcast_in_dim3A_3 {strides = array<i32>} : memref<4160xf32, #tpu.memory_space<vmem>>, vector<16xf32>,
      %swap3A_260 = arith.constant 1984 : index
      %swap3A_261 = tpu.vector_load %arg7[%swap3A_260] {strides = array<i32>} : memref<4160xf32, #tpu.memory_space<vmem>>, vector<16xf32>,
      tpu.vector_store %arg7[%swap3A_260], %broadcast_in_dim3A_3 {strides = array<i32>} : memref<4160xf32, #tpu.memory_space<vmem>>, vector<16xf32>,
      %swap3A_262 = arith.constant 2000 : index
      %swap3A_263 = tpu.vector_load %arg7[%swap3A_262] {strides = array<i32>} : memref<4160xf32, #tpu.memory_space<vmem>>, vector<16xf32>,
      tpu.vector_store %arg7[%swap3A_262], %broadcast_in_dim3A_3 {strides = array<i32>} : memref<4160xf32, #tpu.memory_space<vmem>>, vector<16xf32>,
      %swap3A_264 = arith.constant 2016 : index
      %swap3A_265 = tpu.vector_load %arg7[%swap3A_264] {strides = array<i32>} : memref<4160xf32, #tpu.memory_space<vmem>>, vector<16xf32>,
      tpu.vector_store %arg7[%swap3A_264], %broadcast_in_dim3A_3 {strides = array<i32>} : memref<4160xf32, #tpu.memory_space<vmem>>, vector<16xf32>,
      %swap3A_266 = arith.constant 2032 : index
      %swap3A_267 = tpu.vector_load %arg7[%swap3A_266] {strides = array<i32>} : memref<4160xf32, #tpu.memory_space<vmem>>, vector<16xf32>,
      tpu.vector_store %arg7[%swap3A_266], %broadcast_in_dim3A_3 {strides = array<i32>} : memref<4160xf32, #tpu.memory_space<vmem>>, vector<16xf32>,
      %swap3A_268 = arith.constant 2048 : index
      %swap3A_269 = tpu.vector_load %arg7[%swap3A_268] {strides = array<i32>} : memref<4160xf32, #tpu.memory_space<vmem>>, vector<16xf32>,
      tpu.vector_store %arg7[%swap3A_268], %broadcast_in_dim3A_3 {strides = array<i32>} : memref<4160xf32, #tpu.memory_space<vmem>>, vector<16xf32>,
      %swap3A_270 = arith.constant 2064 : index
      %swap3A_271 = tpu.vector_load %arg7[%swap3A_270] {strides = array<i32>} : memref<4160xf32, #tpu.memory_space<vmem>>, vector<16xf32>,
      tpu.vector_store %arg7[%swap3A_270], %broadcast_in_dim3A_3 {strides = array<i32>} : memref<4160xf32, #tpu.memory_space<vmem>>, vector<16xf32>,
      %swap3A_272 = arith.constant 2080 : index
      %swap3A_273 = tpu.vector_load %arg7[%swap3A_272] {strides = array<i32>} : memref<4160xf32, #tpu.memory_space<vmem>>, vector<16xf32>,
      tpu.vector_store %arg7[%swap3A_272], %broadcast_in_dim3A_3 {strides = array<i32>} : memref<4160xf32, #tpu.memory_space<vmem>>, vector<16xf32>,
      %swap3A_274 = arith.constant 2096 : index
      %swap3A_275 = tpu.vector_load %arg7[%swap3A_274] {strides = array<i32>} : memref<4160xf32, #tpu.memory_space<vmem>>, vector<16xf32>,
      tpu.vector_store %arg7[%swap3A_274], %broadcast_in_dim3A_3 {strides = array<i32>} : memref<4160xf32, #tpu.memory_space<vmem>>, vector<16xf32>,
      %swap3A_276 = arith.constant 2112 : index
      %swap3A_277 = tpu.vector_load %arg7[%swap3A_276] {strides = array<i32>} : memref<4160xf32, #tpu.memory_space<vmem>>, vector<16xf32>,
      tpu.vector_store %arg7[%swap3A_276], %broadcast_in_dim3A_3 {strides = array<i32>} : memref<4160xf32, #tpu.memory_space<vmem>>, vector<16xf32>,
      %swap3A_278 = arith.constant 2128 : index
      %swap3A_279 = tpu.vector_load %arg7[%swap3A_278] {strides = array<i32>} : memref<4160xf32, #tpu.memory_space<vmem>>, vector<16xf32>,
      tpu.vector_store %arg7[%swap3A_278], %broadcast_in_dim3A_3 {strides = array<i32>} : memref<4160xf32, #tpu.memory_space<vmem>>, vector<16xf32>,
      %swap3A_280 = arith.constant 2144 : index
      %swap3A_281 = tpu.vector_load %arg7[%swap3A_280] {strides = array<i32>} : memref<4160xf32, #tpu.memory_space<vmem>>, vector<16xf32>,
      tpu.vector_store %arg7[%swap3A_280], %broadcast_in_dim3A_3 {strides = array<i32>} : memref<4160xf32, #tpu.memory_space<vmem>>, vector<16xf32>,
      %swap3A_282 = arith.constant 2160 : index
      %swap3A_283 = tpu.vector_load %arg7[%swap3A_282] {strides = array<i32>} : memref<4160xf32, #tpu.memory_space<vmem>>, vector<16xf32>,
      tpu.vector_store %arg7[%swap3A_282], %broadcast_in_dim3A_3 {strides = array<i32>} : memref<4160xf32, #tpu.memory_space<vmem>>, vector<16xf32>,
      %swap3A_284 = arith.constant 2176 : index
      %swap3A_285 = tpu.vector_load %arg7[%swap3A_284] {strides = array<i32>} : memref<4160xf32, #tpu.memory_space<vmem>>, vector<16xf32>,
      tpu.vector_store %arg7[%swap3A_284], %broadcast_in_dim3A_3 {strides = array<i32>} : memref<4160xf32, #tpu.memory_space<vmem>>, vector<16xf32>,
      %swap3A_286 = arith.constant 2192 : index
      %swap3A_287 = tpu.vector_load %arg7[%swap3A_286] {strides = array<i32>} : memref<4160xf32, #tpu.memory_space<vmem>>, vector<16xf32>,
      tpu.vector_store %arg7[%swap3A_286], %broadcast_in_dim3A_3 {strides = array<i32>} : memref<4160xf32, #tpu.memory_space<vmem>>, vector<16xf32>,
      %swap3A_288 = arith.constant 2208 : index
      %swap3A_289 = tpu.vector_load %arg7[%swap3A_288] {strides = array<i32>} : memref<4160xf32, #tpu.memory_space<vmem>>, vector<16xf32>,
      tpu.vector_store %arg7[%swap3A_288], %broadcast_in_dim3A_3 {strides = array<i32>} : memref<4160xf32, #tpu.memory_space<vmem>>, vector<16xf32>,
      %swap3A_290 = arith.constant 2224 : index
      %swap3A_291 = tpu.vector_load %arg7[%swap3A_290] {strides = array<i32>} : memref<4160xf32, #tpu.memory_space<vmem>>, vector<16xf32>,
      tpu.vector_store %arg7[%swap3A_290], %broadcast_in_dim3A_3 {strides = array<i32>} : memref<4160xf32, #tpu.memory_space<vmem>>, vector<16xf32>,
      %swap3A_292 = arith.constant 2240 : index
      %swap3A_293 = tpu.vector_load %arg7[%swap3A_292] {strides = array<i32>} : memref<4160xf32, #tpu.memory_space<vmem>>, vector<16xf32>,
      tpu.vector_store %arg7[%swap3A_292], %broadcast_in_dim3A_3 {strides = array<i32>} : memref<4160xf32, #tpu.memory_space<vmem>>, vector<16xf32>,
      %swap3A_294 = arith.constant 2256 : index
      %swap3A_295 = tpu.vector_load %arg7[%swap3A_294] {strides = array<i32>} : memref<4160xf32, #tpu.memory_space<vmem>>, vector<16xf32>,
      tpu.vector_store %arg7[%swap3A_294], %broadcast_in_dim3A_3 {strides = array<i32>} : memref<4160xf32, #tpu.memory_space<vmem>>, vector<16xf32>,
      %swap3A_296 = arith.constant 2272 : index
      %swap3A_297 = tpu.vector_load %arg7[%swap3A_296] {strides = array<i32>} : memref<4160xf32, #tpu.memory_space<vmem>>, vector<16xf32>,
      tpu.vector_store %arg7[%swap3A_296], %broadcast_in_dim3A_3 {strides = array<i32>} : memref<4160xf32, #tpu.memory_space<vmem>>, vector<16xf32>,
      %swap3A_298 = arith.constant 2288 : index
      %swap3A_299 = tpu.vector_load %arg7[%swap3A_298] {strides = array<i32>} : memref<4160xf32, #tpu.memory_space<vmem>>, vector<16xf32>,
      tpu.vector_store %arg7[%swap3A_298], %broadcast_in_dim3A_3 {strides = array<i32>} : memref<4160xf32, #tpu.memory_space<vmem>>, vector<16xf32>,
      %swap3A_300 = arith.constant 2304 : index
      %swap3A_301 = tpu.vector_load %arg7[%swap3A_300] {strides = array<i32>} : memref<4160xf32, #tpu.memory_space<vmem>>, vector<16xf32>,
      tpu.vector_store %arg7[%swap3A_300], %broadcast_in_dim3A_3 {strides = array<i32>} : memref<4160xf32, #tpu.memory_space<vmem>>, vector<16xf32>,
      %swap3A_302 = arith.constant 2320 : index
      %swap3A_303 = tpu.vector_load %arg7[%swap3A_302] {strides = array<i32>} : memref<4160xf32, #tpu.memory_space<vmem>>, vector<16xf32>,
      tpu.vector_store %arg7[%swap3A_302], %broadcast_in_dim3A_3 {strides = array<i32>} : memref<4160xf32, #tpu.memory_space<vmem>>, vector<16xf32>,
      %swap3A_304 = arith.constant 2336 : index
      %swap3A_305 = tpu.vector_load %arg7[%swap3A_304] {strides = array<i32>} : memref<4160xf32, #tpu.memory_space<vmem>>, vector<16xf32>,
      tpu.vector_store %arg7[%swap3A_304], %broadcast_in_dim3A_3 {strides = array<i32>} : memref<4160xf32, #tpu.memory_space<vmem>>, vector<16xf32>,
      %swap3A_306 = arith.constant 2352 : index
      %swap3A_307 = tpu.vector_load %arg7[%swap3A_306] {strides = array<i32>} : memref<4160xf32, #tpu.memory_space<vmem>>, vector<16xf32>,
      tpu.vector_store %arg7[%swap3A_306], %broadcast_in_dim3A_3 {strides = array<i32>} : memref<4160xf32, #tpu.memory_space<vmem>>, vector<16xf32>,
      %swap3A_308 = arith.constant 2368 : index
      %swap3A_309 = tpu.vector_load %arg7[%swap3A_308] {strides = array<i32>} : memref<4160xf32, #tpu.memory_space<vmem>>, vector<16xf32>,
      tpu.vector_store %arg7[%swap3A_308], %broadcast_in_dim3A_3 {strides = array<i32>} : memref<4160xf32, #tpu.memory_space<vmem>>, vector<16xf32>,
      %swap3A_310 = arith.constant 2384 : index
      %swap3A_311 = tpu.vector_load %arg7[%swap3A_310] {strides = array<i32>} : memref<4160xf32, #tpu.memory_space<vmem>>, vector<16xf32>,
      tpu.vector_store %arg7[%swap3A_310], %broadcast_in_dim3A_3 {strides = array<i32>} : memref<4160xf32, #tpu.memory_space<vmem>>, vector<16xf32>,
      %swap3A_312 = arith.constant 2400 : index
      %swap3A_313 = tpu.vector_load %arg7[%swap3A_312] {strides = array<i32>} : memref<4160xf32, #tpu.memory_space<vmem>>, vector<16xf32>,
      tpu.vector_store %arg7[%swap3A_312], %broadcast_in_dim3A_3 {strides = array<i32>} : memref<4160xf32, #tpu.memory_space<vmem>>, vector<16xf32>,
      %swap3A_314 = arith.constant 2416 : index
      %swap3A_315 = tpu.vector_load %arg7[%swap3A_314] {strides = array<i32>} : memref<4160xf32, #tpu.memory_space<vmem>>, vector<16xf32>,
      tpu.vector_store %arg7[%swap3A_314], %broadcast_in_dim3A_3 {strides = array<i32>} : memref<4160xf32, #tpu.memory_space<vmem>>, vector<16xf32>,
      %swap3A_316 = arith.constant 2432 : index
      %swap3A_317 = tpu.vector_load %arg7[%swap3A_316] {strides = array<i32>} : memref<4160xf32, #tpu.memory_space<vmem>>, vector<16xf32>,
      tpu.vector_store %arg7[%swap3A_316], %broadcast_in_dim3A_3 {strides = array<i32>} : memref<4160xf32, #tpu.memory_space<vmem>>, vector<16xf32>,
      %swap3A_318 = arith.constant 2448 : index
      %swap3A_319 = tpu.vector_load %arg7[%swap3A_318] {strides = array<i32>} : memref<4160xf32, #tpu.memory_space<vmem>>, vector<16xf32>,
      tpu.vector_store %arg7[%swap3A_318], %broadcast_in_dim3A_3 {strides = array<i32>} : memref<4160xf32, #tpu.memory_space<vmem>>, vector<16xf32>,
      %swap3A_320 = arith.constant 2464 : index
      %swap3A_321 = tpu.vector_load %arg7[%swap3A_320] {strides = array<i32>} : memref<4160xf32, #tpu.memory_space<vmem>>, vector<16xf32>,
      tpu.vector_store %arg7[%swap3A_320], %broadcast_in_dim3A_3 {strides = array<i32>} : memref<4160xf32, #tpu.memory_space<vmem>>, vector<16xf32>,
      %swap3A_322 = arith.constant 2480 : index
      %swap3A_323 = tpu.vector_load %arg7[%swap3A_322] {strides = array<i32>} : memref<4160xf32, #tpu.memory_space<vmem>>, vector<16xf32>,
      tpu.vector_store %arg7[%swap3A_322], %broadcast_in_dim3A_3 {strides = array<i32>} : memref<4160xf32, #tpu.memory_space<vmem>>, vector<16xf32>,
      %swap3A_324 = arith.constant 2496 : index
      %swap3A_325 = tpu.vector_load %arg7[%swap3A_324] {strides = array<i32>} : memref<4160xf32, #tpu.memory_space<vmem>>, vector<16xf32>,
      tpu.vector_store %arg7[%swap3A_324], %broadcast_in_dim3A_3 {strides = array<i32>} : memref<4160xf32, #tpu.memory_space<vmem>>, vector<16xf32>,
      %swap3A_326 = arith.constant 2512 : index
      %swap3A_327 = tpu.vector_load %arg7[%swap3A_326] {strides = array<i32>} : memref<4160xf32, #tpu.memory_space<vmem>>, vector<16xf32>,
      tpu.vector_store %arg7[%swap3A_326], %broadcast_in_dim3A_3 {strides = array<i32>} : memref<4160xf32, #tpu.memory_space<vmem>>, vector<16xf32>,
      %swap3A_328 = arith.constant 2528 : index
      %swap3A_329 = tpu.vector_load %arg7[%swap3A_328] {strides = array<i32>} : memref<4160xf32, #tpu.memory_space<vmem>>, vector<16xf32>,
      tpu.vector_store %arg7[%swap3A_328], %broadcast_in_dim3A_3 {strides = array<i32>} : memref<4160xf32, #tpu.memory_space<vmem>>, vector<16xf32>,
      %swap3A_330 = arith.constant 2544 : index
      %swap3A_331 = tpu.vector_load %arg7[%swap3A_330] {strides = array<i32>} : memref<4160xf32, #tpu.memory_space<vmem>>, vector<16xf32>,
      tpu.vector_store %arg7[%swap3A_330], %broadcast_in_dim3A_3 {strides = array<i32>} : memref<4160xf32, #tpu.memory_space<vmem>>, vector<16xf32>,
      %swap3A_332 = arith.constant 2560 : index
      %swap3A_333 = tpu.vector_load %arg7[%swap3A_332] {strides = array<i32>} : memref<4160xf32, #tpu.memory_space<vmem>>, vector<16xf32>,
      tpu.vector_store %arg7[%swap3A_332], %broadcast_in_dim3A_3 {strides = array<i32>} : memref<4160xf32, #tpu.memory_space<vmem>>, vector<16xf32>,
      %swap3A_334 = arith.constant 2576 : index
      %swap3A_335 = tpu.vector_load %arg7[%swap3A_334] {strides = array<i32>} : memref<4160xf32, #tpu.memory_space<vmem>>, vector<16xf32>,
      tpu.vector_store %arg7[%swap3A_334], %broadcast_in_dim3A_3 {strides = array<i32>} : memref<4160xf32, #tpu.memory_space<vmem>>, vector<16xf32>,
      %swap3A_336 = arith.constant 2592 : index
      %swap3A_337 = tpu.vector_load %arg7[%swap3A_336] {strides = array<i32>} : memref<4160xf32, #tpu.memory_space<vmem>>, vector<16xf32>,
      tpu.vector_store %arg7[%swap3A_336], %broadcast_in_dim3A_3 {strides = array<i32>} : memref<4160xf32, #tpu.memory_space<vmem>>, vector<16xf32>,
      %swap3A_338 = arith.constant 2608 : index
      %swap3A_339 = tpu.vector_load %arg7[%swap3A_338] {strides = array<i32>} : memref<4160xf32, #tpu.memory_space<vmem>>, vector<16xf32>,
      tpu.vector_store %arg7[%swap3A_338], %broadcast_in_dim3A_3 {strides = array<i32>} : memref<4160xf32, #tpu.memory_space<vmem>>, vector<16xf32>,
      %swap3A_340 = arith.constant 2624 : index
      %swap3A_341 = tpu.vector_load %arg7[%swap3A_340] {strides = array<i32>} : memref<4160xf32, #tpu.memory_space<vmem>>, vector<16xf32>,
      tpu.vector_store %arg7[%swap3A_340], %broadcast_in_dim3A_3 {strides = array<i32>} : memref<4160xf32, #tpu.memory_space<vmem>>, vector<16xf32>,
      %swap3A_342 = arith.constant 2640 : index
      %swap3A_343 = tpu.vector_load %arg7[%swap3A_342] {strides = array<i32>} : memref<4160xf32, #tpu.memory_space<vmem>>, vector<16xf32>,
      tpu.vector_store %arg7[%swap3A_342], %broadcast_in_dim3A_3 {strides = array<i32>} : memref<4160xf32, #tpu.memory_space<vmem>>, vector<16xf32>,
      %swap3A_344 = arith.constant 2656 : index
      %swap3A_345 = tpu.vector_load %arg7[%swap3A_344] {strides = array<i32>} : memref<4160xf32, #tpu.memory_space<vmem>>, vector<16xf32>,
      tpu.vector_store %arg7[%swap3A_344], %broadcast_in_dim3A_3 {strides = array<i32>} : memref<4160xf32, #tpu.memory_space<vmem>>, vector<16xf32>,
      %swap3A_346 = arith.constant 2672 : index
      %swap3A_347 = tpu.vector_load %arg7[%swap3A_346] {strides = array<i32>} : memref<4160xf32, #tpu.memory_space<vmem>>, vector<16xf32>,
      tpu.vector_store %arg7[%swap3A_346], %broadcast_in_dim3A_3 {strides = array<i32>} : memref<4160xf32, #tpu.memory_space<vmem>>, vector<16xf32>,
      %swap3A_348 = arith.constant 2688 : index
      %swap3A_349 = tpu.vector_load %arg7[%swap3A_348] {strides = array<i32>} : memref<4160xf32, #tpu.memory_space<vmem>>, vector<16xf32>,
      tpu.vector_store %arg7[%swap3A_348], %broadcast_in_dim3A_3 {strides = array<i32>} : memref<4160xf32, #tpu.memory_space<vmem>>, vector<16xf32>,
      %swap3A_350 = arith.constant 2704 : index
      %swap3A_351 = tpu.vector_load %arg7[%swap3A_350] {strides = array<i32>} : memref<4160xf32, #tpu.memory_space<vmem>>, vector<16xf32>,
      tpu.vector_store %arg7[%swap3A_350], %broadcast_in_dim3A_3 {strides = array<i32>} : memref<4160xf32, #tpu.memory_space<vmem>>, vector<16xf32>,
      %swap3A_352 = arith.constant 2720 : index
      %swap3A_353 = tpu.vector_load %arg7[%swap3A_352] {strides = array<i32>} : memref<4160xf32, #tpu.memory_space<vmem>>, vector<16xf32>,
      tpu.vector_store %arg7[%swap3A_352], %broadcast_in_dim3A_3 {strides = array<i32>} : memref<4160xf32, #tpu.memory_space<vmem>>, vector<16xf32>,
      %swap3A_354 = arith.constant 2736 : index
      %swap3A_355 = tpu.vector_load %arg7[%swap3A_354] {strides = array<i32>} : memref<4160xf32, #tpu.memory_space<vmem>>, vector<16xf32>,
      tpu.vector_store %arg7[%swap3A_354], %broadcast_in_dim3A_3 {strides = array<i32>} : memref<4160xf32, #tpu.memory_space<vmem>>, vector<16xf32>,
      %swap3A_356 = arith.constant 2752 : index
      %swap3A_357 = tpu.vector_load %arg7[%swap3A_356] {strides = array<i32>} : memref<4160xf32, #tpu.memory_space<vmem>>, vector<16xf32>,
      tpu.vector_store %arg7[%swap3A_356], %broadcast_in_dim3A_3 {strides = array<i32>} : memref<4160xf32, #tpu.memory_space<vmem>>, vector<16xf32>,
      %swap3A_358 = arith.constant 2768 : index
      %swap3A_359 = tpu.vector_load %arg7[%swap3A_358] {strides = array<i32>} : memref<4160xf32, #tpu.memory_space<vmem>>, vector<16xf32>,
      tpu.vector_store %arg7[%swap3A_358], %broadcast_in_dim3A_3 {strides = array<i32>} : memref<4160xf32, #tpu.memory_space<vmem>>, vector<16xf32>,
      %swap3A_360 = arith.constant 2784 : index
      %swap3A_361 = tpu.vector_load %arg7[%swap3A_360] {strides = array<i32>} : memref<4160xf32, #tpu.memory_space<vmem>>, vector<16xf32>,
      tpu.vector_store %arg7[%swap3A_360], %broadcast_in_dim3A_3 {strides = array<i32>} : memref<4160xf32, #tpu.memory_space<vmem>>, vector<16xf32>,
      %swap3A_362 = arith.constant 2800 : index
      %swap3A_363 = tpu.vector_load %arg7[%swap3A_362] {strides = array<i32>} : memref<4160xf32, #tpu.memory_space<vmem>>, vector<16xf32>,
      tpu.vector_store %arg7[%swap3A_362], %broadcast_in_dim3A_3 {strides = array<i32>} : memref<4160xf32, #tpu.memory_space<vmem>>, vector<16xf32>,
      %swap3A_364 = arith.constant 2816 : index
      %swap3A_365 = tpu.vector_load %arg7[%swap3A_364] {strides = array<i32>} : memref<4160xf32, #tpu.memory_space<vmem>>, vector<16xf32>,
      tpu.vector_store %arg7[%swap3A_364], %broadcast_in_dim3A_3 {strides = array<i32>} : memref<4160xf32, #tpu.memory_space<vmem>>, vector<16xf32>,
      %swap3A_366 = arith.constant 2832 : index
      %swap3A_367 = tpu.vector_load %arg7[%swap3A_366] {strides = array<i32>} : memref<4160xf32, #tpu.memory_space<vmem>>, vector<16xf32>,
      tpu.vector_store %arg7[%swap3A_366], %broadcast_in_dim3A_3 {strides = array<i32>} : memref<4160xf32, #tpu.memory_space<vmem>>, vector<16xf32>,
      %swap3A_368 = arith.constant 2848 : index
      %swap3A_369 = tpu.vector_load %arg7[%swap3A_368] {strides = array<i32>} : memref<4160xf32, #tpu.memory_space<vmem>>, vector<16xf32>,
      tpu.vector_store %arg7[%swap3A_368], %broadcast_in_dim3A_3 {strides = array<i32>} : memref<4160xf32, #tpu.memory_space<vmem>>, vector<16xf32>,
      %swap3A_370 = arith.constant 2864 : index
      %swap3A_371 = tpu.vector_load %arg7[%swap3A_370] {strides = array<i32>} : memref<4160xf32, #tpu.memory_space<vmem>>, vector<16xf32>,
      tpu.vector_store %arg7[%swap3A_370], %broadcast_in_dim3A_3 {strides = array<i32>} : memref<4160xf32, #tpu.memory_space<vmem>>, vector<16xf32>,
      %swap3A_372 = arith.constant 2880 : index
      %swap3A_373 = tpu.vector_load %arg7[%swap3A_372] {strides = array<i32>} : memref<4160xf32, #tpu.memory_space<vmem>>, vector<16xf32>,
      tpu.vector_store %arg7[%swap3A_372], %broadcast_in_dim3A_3 {strides = array<i32>} : memref<4160xf32, #tpu.memory_space<vmem>>, vector<16xf32>,
      %swap3A_374 = arith.constant 2896 : index
      %swap3A_375 = tpu.vector_load %arg7[%swap3A_374] {strides = array<i32>} : memref<4160xf32, #tpu.memory_space<vmem>>, vector<16xf32>,
      tpu.vector_store %arg7[%swap3A_374], %broadcast_in_dim3A_3 {strides = array<i32>} : memref<4160xf32, #tpu.memory_space<vmem>>, vector<16xf32>,
      %swap3A_376 = arith.constant 2912 : index
      %swap3A_377 = tpu.vector_load %arg7[%swap3A_376] {strides = array<i32>} : memref<4160xf32, #tpu.memory_space<vmem>>, vector<16xf32>,
      tpu.vector_store %arg7[%swap3A_376], %broadcast_in_dim3A_3 {strides = array<i32>} : memref<4160xf32, #tpu.memory_space<vmem>>, vector<16xf32>,
      %swap3A_378 = arith.constant 2928 : index
      %swap3A_379 = tpu.vector_load %arg7[%swap3A_378] {strides = array<i32>} : memref<4160xf32, #tpu.memory_space<vmem>>, vector<16xf32>,
      tpu.vector_store %arg7[%swap3A_378], %broadcast_in_dim3A_3 {strides = array<i32>} : memref<4160xf32, #tpu.memory_space<vmem>>, vector<16xf32>,
      %swap3A_380 = arith.constant 2944 : index
      %swap3A_381 = tpu.vector_load %arg7[%swap3A_380] {strides = array<i32>} : memref<4160xf32, #tpu.memory_space<vmem>>, vector<16xf32>,
      tpu.vector_store %arg7[%swap3A_380], %broadcast_in_dim3A_3 {strides = array<i32>} : memref<4160xf32, #tpu.memory_space<vmem>>, vector<16xf32>,
      %swap3A_382 = arith.constant 2960 : index
      %swap3A_383 = tpu.vector_load %arg7[%swap3A_382] {strides = array<i32>} : memref<4160xf32, #tpu.memory_space<vmem>>, vector<16xf32>,
      tpu.vector_store %arg7[%swap3A_382], %broadcast_in_dim3A_3 {strides = array<i32>} : memref<4160xf32, #tpu.memory_space<vmem>>, vector<16xf32>,
      %swap3A_384 = arith.constant 2976 : index
      %swap3A_385 = tpu.vector_load %arg7[%swap3A_384] {strides = array<i32>} : memref<4160xf32, #tpu.memory_space<vmem>>, vector<16xf32>,
      tpu.vector_store %arg7[%swap3A_384], %broadcast_in_dim3A_3 {strides = array<i32>} : memref<4160xf32, #tpu.memory_space<vmem>>, vector<16xf32>,
      %swap3A_386 = arith.constant 2992 : index
      %swap3A_387 = tpu.vector_load %arg7[%swap3A_386] {strides = array<i32>} : memref<4160xf32, #tpu.memory_space<vmem>>, vector<16xf32>,
      tpu.vector_store %arg7[%swap3A_386], %broadcast_in_dim3A_3 {strides = array<i32>} : memref<4160xf32, #tpu.memory_space<vmem>>, vector<16xf32>,
      %swap3A_388 = arith.constant 3008 : index
      %swap3A_389 = tpu.vector_load %arg7[%swap3A_388] {strides = array<i32>} : memref<4160xf32, #tpu.memory_space<vmem>>, vector<16xf32>,
      tpu.vector_store %arg7[%swap3A_388], %broadcast_in_dim3A_3 {strides = array<i32>} : memref<4160xf32, #tpu.memory_space<vmem>>, vector<16xf32>,
      %swap3A_390 = arith.constant 3024 : index
      %swap3A_391 = tpu.vector_load %arg7[%swap3A_390] {strides = array<i32>} : memref<4160xf32, #tpu.memory_space<vmem>>, vector<16xf32>,
      tpu.vector_store %arg7[%swap3A_390], %broadcast_in_dim3A_3 {strides = array<i32>} : memref<4160xf32, #tpu.memory_space<vmem>>, vector<16xf32>,
      %swap3A_392 = arith.constant 3040 : index
      %swap3A_393 = tpu.vector_load %arg7[%swap3A_392] {strides = array<i32>} : memref<4160xf32, #tpu.memory_space<vmem>>, vector<16xf32>,
      tpu.vector_store %arg7[%swap3A_392], %broadcast_in_dim3A_3 {strides = array<i32>} : memref<4160xf32, #tpu.memory_space<vmem>>, vector<16xf32>,
      %swap3A_394 = arith.constant 3056 : index
      %swap3A_395 = tpu.vector_load %arg7[%swap3A_394] {strides = array<i32>} : memref<4160xf32, #tpu.memory_space<vmem>>, vector<16xf32>,
      tpu.vector_store %arg7[%swap3A_394], %broadcast_in_dim3A_3 {strides = array<i32>} : memref<4160xf32, #tpu.memory_space<vmem>>, vector<16xf32>,
      %swap3A_396 = arith.constant 3072 : index
      %swap3A_397 = tpu.vector_load %arg7[%swap3A_396] {strides = array<i32>} : memref<4160xf32, #tpu.memory_space<vmem>>, vector<16xf32>,
      tpu.vector_store %arg7[%swap3A_396], %broadcast_in_dim3A_3 {strides = array<i32>} : memref<4160xf32, #tpu.memory_space<vmem>>, vector<16xf32>,
      %swap3A_398 = arith.constant 3088 : index
      %swap3A_399 = tpu.vector_load %arg7[%swap3A_398] {strides = array<i32>} : memref<4160xf32, #tpu.memory_space<vmem>>, vector<16xf32>,
      tpu.vector_store %arg7[%swap3A_398], %broadcast_in_dim3A_3 {strides = array<i32>} : memref<4160xf32, #tpu.memory_space<vmem>>, vector<16xf32>,
      %swap3A_400 = arith.constant 3104 : index
      %swap3A_401 = tpu.vector_load %arg7[%swap3A_400] {strides = array<i32>} : memref<4160xf32, #tpu.memory_space<vmem>>, vector<16xf32>,
      tpu.vector_store %arg7[%swap3A_400], %broadcast_in_dim3A_3 {strides = array<i32>} : memref<4160xf32, #tpu.memory_space<vmem>>, vector<16xf32>,
      %swap3A_402 = arith.constant 3120 : index
      %swap3A_403 = tpu.vector_load %arg7[%swap3A_402] {strides = array<i32>} : memref<4160xf32, #tpu.memory_space<vmem>>, vector<16xf32>,
      tpu.vector_store %arg7[%swap3A_402], %broadcast_in_dim3A_3 {strides = array<i32>} : memref<4160xf32, #tpu.memory_space<vmem>>, vector<16xf32>,
      %swap3A_404 = arith.constant 3136 : index
      %swap3A_405 = tpu.vector_load %arg7[%swap3A_404] {strides = array<i32>} : memref<4160xf32, #tpu.memory_space<vmem>>, vector<16xf32>,
      tpu.vector_store %arg7[%swap3A_404], %broadcast_in_dim3A_3 {strides = array<i32>} : memref<4160xf32, #tpu.memory_space<vmem>>, vector<16xf32>,
      %swap3A_406 = arith.constant 3152 : index
      %swap3A_407 = tpu.vector_load %arg7[%swap3A_406] {strides = array<i32>} : memref<4160xf32, #tpu.memory_space<vmem>>, vector<16xf32>,
      tpu.vector_store %arg7[%swap3A_406], %broadcast_in_dim3A_3 {strides = array<i32>} : memref<4160xf32, #tpu.memory_space<vmem>>, vector<16xf32>,
      %swap3A_408 = arith.constant 3168 : index
      %swap3A_409 = tpu.vector_load %arg7[%swap3A_408] {strides = array<i32>} : memref<4160xf32, #tpu.memory_space<vmem>>, vector<16xf32>,
      tpu.vector_store %arg7[%swap3A_408], %broadcast_in_dim3A_3 {strides = array<i32>} : memref<4160xf32, #tpu.memory_space<vmem>>, vector<16xf32>,
      %swap3A_410 = arith.constant 3184 : index
      %swap3A_411 = tpu.vector_load %arg7[%swap3A_410] {strides = array<i32>} : memref<4160xf32, #tpu.memory_space<vmem>>, vector<16xf32>,
      tpu.vector_store %arg7[%swap3A_410], %broadcast_in_dim3A_3 {strides = array<i32>} : memref<4160xf32, #tpu.memory_space<vmem>>, vector<16xf32>,
      %swap3A_412 = arith.constant 3200 : index
      %swap3A_413 = tpu.vector_load %arg7[%swap3A_412] {strides = array<i32>} : memref<4160xf32, #tpu.memory_space<vmem>>, vector<16xf32>,
      tpu.vector_store %arg7[%swap3A_412], %broadcast_in_dim3A_3 {strides = array<i32>} : memref<4160xf32, #tpu.memory_space<vmem>>, vector<16xf32>,
      %swap3A_414 = arith.constant 3216 : index
      %swap3A_415 = tpu.vector_load %arg7[%swap3A_414] {strides = array<i32>} : memref<4160xf32, #tpu.memory_space<vmem>>, vector<16xf32>,
      tpu.vector_store %arg7[%swap3A_414], %broadcast_in_dim3A_3 {strides = array<i32>} : memref<4160xf32, #tpu.memory_space<vmem>>, vector<16xf32>,
      %swap3A_416 = arith.constant 3232 : index
      %swap3A_417 = tpu.vector_load %arg7[%swap3A_416] {strides = array<i32>} : memref<4160xf32, #tpu.memory_space<vmem>>, vector<16xf32>,
      tpu.vector_store %arg7[%swap3A_416], %broadcast_in_dim3A_3 {strides = array<i32>} : memref<4160xf32, #tpu.memory_space<vmem>>, vector<16xf32>,
      %swap3A_418 = arith.constant 3248 : index
      %swap3A_419 = tpu.vector_load %arg7[%swap3A_418] {strides = array<i32>} : memref<4160xf32, #tpu.memory_space<vmem>>, vector<16xf32>,
      tpu.vector_store %arg7[%swap3A_418], %broadcast_in_dim3A_3 {strides = array<i32>} : memref<4160xf32, #tpu.memory_space<vmem>>, vector<16xf32>,
      %swap3A_420 = arith.constant 3264 : index
      %swap3A_421 = tpu.vector_load %arg7[%swap3A_420] {strides = array<i32>} : memref<4160xf32, #tpu.memory_space<vmem>>, vector<16xf32>,
      tpu.vector_store %arg7[%swap3A_420], %broadcast_in_dim3A_3 {strides = array<i32>} : memref<4160xf32, #tpu.memory_space<vmem>>, vector<16xf32>,
      %swap3A_422 = arith.constant 3280 : index
      %swap3A_423 = tpu.vector_load %arg7[%swap3A_422] {strides = array<i32>} : memref<4160xf32, #tpu.memory_space<vmem>>, vector<16xf32>,
      tpu.vector_store %arg7[%swap3A_422], %broadcast_in_dim3A_3 {strides = array<i32>} : memref<4160xf32, #tpu.memory_space<vmem>>, vector<16xf32>,
      %swap3A_424 = arith.constant 3296 : index
      %swap3A_425 = tpu.vector_load %arg7[%swap3A_424] {strides = array<i32>} : memref<4160xf32, #tpu.memory_space<vmem>>, vector<16xf32>,
      tpu.vector_store %arg7[%swap3A_424], %broadcast_in_dim3A_3 {strides = array<i32>} : memref<4160xf32, #tpu.memory_space<vmem>>, vector<16xf32>,
      %swap3A_426 = arith.constant 3312 : index
      %swap3A_427 = tpu.vector_load %arg7[%swap3A_426] {strides = array<i32>} : memref<4160xf32, #tpu.memory_space<vmem>>, vector<16xf32>,
      tpu.vector_store %arg7[%swap3A_426], %broadcast_in_dim3A_3 {strides = array<i32>} : memref<4160xf32, #tpu.memory_space<vmem>>, vector<16xf32>,
      %swap3A_428 = arith.constant 3328 : index
      %swap3A_429 = tpu.vector_load %arg7[%swap3A_428] {strides = array<i32>} : memref<4160xf32, #tpu.memory_space<vmem>>, vector<16xf32>,
      tpu.vector_store %arg7[%swap3A_428], %broadcast_in_dim3A_3 {strides = array<i32>} : memref<4160xf32, #tpu.memory_space<vmem>>, vector<16xf32>,
      %swap3A_430 = arith.constant 3344 : index
      %swap3A_431 = tpu.vector_load %arg7[%swap3A_430] {strides = array<i32>} : memref<4160xf32, #tpu.memory_space<vmem>>, vector<16xf32>,
      tpu.vector_store %arg7[%swap3A_430], %broadcast_in_dim3A_3 {strides = array<i32>} : memref<4160xf32, #tpu.memory_space<vmem>>, vector<16xf32>,
      %swap3A_432 = arith.constant 3360 : index
      %swap3A_433 = tpu.vector_load %arg7[%swap3A_432] {strides = array<i32>} : memref<4160xf32, #tpu.memory_space<vmem>>, vector<16xf32>,
      tpu.vector_store %arg7[%swap3A_432], %broadcast_in_dim3A_3 {strides = array<i32>} : memref<4160xf32, #tpu.memory_space<vmem>>, vector<16xf32>,
      %swap3A_434 = arith.constant 3376 : index
      %swap3A_435 = tpu.vector_load %arg7[%swap3A_434] {strides = array<i32>} : memref<4160xf32, #tpu.memory_space<vmem>>, vector<16xf32>,
      tpu.vector_store %arg7[%swap3A_434], %broadcast_in_dim3A_3 {strides = array<i32>} : memref<4160xf32, #tpu.memory_space<vmem>>, vector<16xf32>,
      %swap3A_436 = arith.constant 3392 : index
      %swap3A_437 = tpu.vector_load %arg7[%swap3A_436] {strides = array<i32>} : memref<4160xf32, #tpu.memory_space<vmem>>, vector<16xf32>,
      tpu.vector_store %arg7[%swap3A_436], %broadcast_in_dim3A_3 {strides = array<i32>} : memref<4160xf32, #tpu.memory_space<vmem>>, vector<16xf32>,
      %swap3A_438 = arith.constant 3408 : index
      %swap3A_439 = tpu.vector_load %arg7[%swap3A_438] {strides = array<i32>} : memref<4160xf32, #tpu.memory_space<vmem>>, vector<16xf32>,
      tpu.vector_store %arg7[%swap3A_438], %broadcast_in_dim3A_3 {strides = array<i32>} : memref<4160xf32, #tpu.memory_space<vmem>>, vector<16xf32>,
      %swap3A_440 = arith.constant 3424 : index
      %swap3A_441 = tpu.vector_load %arg7[%swap3A_440] {strides = array<i32>} : memref<4160xf32, #tpu.memory_space<vmem>>, vector<16xf32>,
      tpu.vector_store %arg7[%swap3A_440], %broadcast_in_dim3A_3 {strides = array<i32>} : memref<4160xf32, #tpu.memory_space<vmem>>, vector<16xf32>,
      %swap3A_442 = arith.constant 3440 : index
      %swap3A_443 = tpu.vector_load %arg7[%swap3A_442] {strides = array<i32>} : memref<4160xf32, #tpu.memory_space<vmem>>, vector<16xf32>,
      tpu.vector_store %arg7[%swap3A_442], %broadcast_in_dim3A_3 {strides = array<i32>} : memref<4160xf32, #tpu.memory_space<vmem>>, vector<16xf32>,
      %swap3A_444 = arith.constant 3456 : index
      %swap3A_445 = tpu.vector_load %arg7[%swap3A_444] {strides = array<i32>} : memref<4160xf32, #tpu.memory_space<vmem>>, vector<16xf32>,
      tpu.vector_store %arg7[%swap3A_444], %broadcast_in_dim3A_3 {strides = array<i32>} : memref<4160xf32, #tpu.memory_space<vmem>>, vector<16xf32>,
      %swap3A_446 = arith.constant 3472 : index
      %swap3A_447 = tpu.vector_load %arg7[%swap3A_446] {strides = array<i32>} : memref<4160xf32, #tpu.memory_space<vmem>>, vector<16xf32>,
      tpu.vector_store %arg7[%swap3A_446], %broadcast_in_dim3A_3 {strides = array<i32>} : memref<4160xf32, #tpu.memory_space<vmem>>, vector<16xf32>,
      %swap3A_448 = arith.constant 3488 : index
      %swap3A_449 = tpu.vector_load %arg7[%swap3A_448] {strides = array<i32>} : memref<4160xf32, #tpu.memory_space<vmem>>, vector<16xf32>,
      tpu.vector_store %arg7[%swap3A_448], %broadcast_in_dim3A_3 {strides = array<i32>} : memref<4160xf32, #tpu.memory_space<vmem>>, vector<16xf32>,
      %swap3A_450 = arith.constant 3504 : index
      %swap3A_451 = tpu.vector_load %arg7[%swap3A_450] {strides = array<i32>} : memref<4160xf32, #tpu.memory_space<vmem>>, vector<16xf32>,
      tpu.vector_store %arg7[%swap3A_450], %broadcast_in_dim3A_3 {strides = array<i32>} : memref<4160xf32, #tpu.memory_space<vmem>>, vector<16xf32>,
      %swap3A_452 = arith.constant 3520 : index
      %swap3A_453 = tpu.vector_load %arg7[%swap3A_452] {strides = array<i32>} : memref<4160xf32, #tpu.memory_space<vmem>>, vector<16xf32>,
      tpu.vector_store %arg7[%swap3A_452], %broadcast_in_dim3A_3 {strides = array<i32>} : memref<4160xf32, #tpu.memory_space<vmem>>, vector<16xf32>,
      %swap3A_454 = arith.constant 3536 : index
      %swap3A_455 = tpu.vector_load %arg7[%swap3A_454] {strides = array<i32>} : memref<4160xf32, #tpu.memory_space<vmem>>, vector<16xf32>,
      tpu.vector_store %arg7[%swap3A_454], %broadcast_in_dim3A_3 {strides = array<i32>} : memref<4160xf32, #tpu.memory_space<vmem>>, vector<16xf32>,
      %swap3A_456 = arith.constant 3552 : index
      %swap3A_457 = tpu.vector_load %arg7[%swap3A_456] {strides = array<i32>} : memref<4160xf32, #tpu.memory_space<vmem>>, vector<16xf32>,
      tpu.vector_store %arg7[%swap3A_456], %broadcast_in_dim3A_3 {strides = array<i32>} : memref<4160xf32, #tpu.memory_space<vmem>>, vector<16xf32>,
      %swap3A_458 = arith.constant 3568 : index
      %swap3A_459 = tpu.vector_load %arg7[%swap3A_458] {strides = array<i32>} : memref<4160xf32, #tpu.memory_space<vmem>>, vector<16xf32>,
      tpu.vector_store %arg7[%swap3A_458], %broadcast_in_dim3A_3 {strides = array<i32>} : memref<4160xf32, #tpu.memory_space<vmem>>, vector<16xf32>,
      %swap3A_460 = arith.constant 3584 : index
      %swap3A_461 = tpu.vector_load %arg7[%swap3A_460] {strides = array<i32>} : memref<4160xf32, #tpu.memory_space<vmem>>, vector<16xf32>,
      tpu.vector_store %arg7[%swap3A_460], %broadcast_in_dim3A_3 {strides = array<i32>} : memref<4160xf32, #tpu.memory_space<vmem>>, vector<16xf32>,
      %swap3A_462 = arith.constant 3600 : index
      %swap3A_463 = tpu.vector_load %arg7[%swap3A_462] {strides = array<i32>} : memref<4160xf32, #tpu.memory_space<vmem>>, vector<16xf32>,
      tpu.vector_store %arg7[%swap3A_462], %broadcast_in_dim3A_3 {strides = array<i32>} : memref<4160xf32, #tpu.memory_space<vmem>>, vector<16xf32>,
      %swap3A_464 = arith.constant 3616 : index
      %swap3A_465 = tpu.vector_load %arg7[%swap3A_464] {strides = array<i32>} : memref<4160xf32, #tpu.memory_space<vmem>>, vector<16xf32>,
      tpu.vector_store %arg7[%swap3A_464], %broadcast_in_dim3A_3 {strides = array<i32>} : memref<4160xf32, #tpu.memory_space<vmem>>, vector<16xf32>,
      %swap3A_466 = arith.constant 3632 : index
      %swap3A_467 = tpu.vector_load %arg7[%swap3A_466] {strides = array<i32>} : memref<4160xf32, #tpu.memory_space<vmem>>, vector<16xf32>,
      tpu.vector_store %arg7[%swap3A_466], %broadcast_in_dim3A_3 {strides = array<i32>} : memref<4160xf32, #tpu.memory_space<vmem>>, vector<16xf32>,
      %swap3A_468 = arith.constant 3648 : index
      %swap3A_469 = tpu.vector_load %arg7[%swap3A_468] {strides = array<i32>} : memref<4160xf32, #tpu.memory_space<vmem>>, vector<16xf32>,
      tpu.vector_store %arg7[%swap3A_468], %broadcast_in_dim3A_3 {strides = array<i32>} : memref<4160xf32, #tpu.memory_space<vmem>>, vector<16xf32>,
      %swap3A_470 = arith.constant 3664 : index
      %swap3A_471 = tpu.vector_load %arg7[%swap3A_470] {strides = array<i32>} : memref<4160xf32, #tpu.memory_space<vmem>>, vector<16xf32>,
      tpu.vector_store %arg7[%swap3A_470], %broadcast_in_dim3A_3 {strides = array<i32>} : memref<4160xf32, #tpu.memory_space<vmem>>, vector<16xf32>,
      %swap3A_472 = arith.constant 3680 : index
      %swap3A_473 = tpu.vector_load %arg7[%swap3A_472] {strides = array<i32>} : memref<4160xf32, #tpu.memory_space<vmem>>, vector<16xf32>,
      tpu.vector_store %arg7[%swap3A_472], %broadcast_in_dim3A_3 {strides = array<i32>} : memref<4160xf32, #tpu.memory_space<vmem>>, vector<16xf32>,
      %swap3A_474 = arith.constant 3696 : index
      %swap3A_475 = tpu.vector_load %arg7[%swap3A_474] {strides = array<i32>} : memref<4160xf32, #tpu.memory_space<vmem>>, vector<16xf32>,
      tpu.vector_store %arg7[%swap3A_474], %broadcast_in_dim3A_3 {strides = array<i32>} : memref<4160xf32, #tpu.memory_space<vmem>>, vector<16xf32>,
      %swap3A_476 = arith.constant 3712 : index
      %swap3A_477 = tpu.vector_load %arg7[%swap3A_476] {strides = array<i32>} : memref<4160xf32, #tpu.memory_space<vmem>>, vector<16xf32>,
      tpu.vector_store %arg7[%swap3A_476], %broadcast_in_dim3A_3 {strides = array<i32>} : memref<4160xf32, #tpu.memory_space<vmem>>, vector<16xf32>,
      %swap3A_478 = arith.constant 3728 : index
      %swap3A_479 = tpu.vector_load %arg7[%swap3A_478] {strides = array<i32>} : memref<4160xf32, #tpu.memory_space<vmem>>, vector<16xf32>,
      tpu.vector_store %arg7[%swap3A_478], %broadcast_in_dim3A_3 {strides = array<i32>} : memref<4160xf32, #tpu.memory_space<vmem>>, vector<16xf32>,
      %swap3A_480 = arith.constant 3744 : index
      %swap3A_481 = tpu.vector_load %arg7[%swap3A_480] {strides = array<i32>} : memref<4160xf32, #tpu.memory_space<vmem>>, vector<16xf32>,
      tpu.vector_store %arg7[%swap3A_480], %broadcast_in_dim3A_3 {strides = array<i32>} : memref<4160xf32, #tpu.memory_space<vmem>>, vector<16xf32>,
      %swap3A_482 = arith.constant 3760 : index
      %swap3A_483 = tpu.vector_load %arg7[%swap3A_482] {strides = array<i32>} : memref<4160xf32, #tpu.memory_space<vmem>>, vector<16xf32>,
      tpu.vector_store %arg7[%swap3A_482], %broadcast_in_dim3A_3 {strides = array<i32>} : memref<4160xf32, #tpu.memory_space<vmem>>, vector<16xf32>,
      %swap3A_484 = arith.constant 3776 : index
      %swap3A_485 = tpu.vector_load %arg7[%swap3A_484] {strides = array<i32>} : memref<4160xf32, #tpu.memory_space<vmem>>, vector<16xf32>,
      tpu.vector_store %arg7[%swap3A_484], %broadcast_in_dim3A_3 {strides = array<i32>} : memref<4160xf32, #tpu.memory_space<vmem>>, vector<16xf32>,
      %swap3A_486 = arith.constant 3792 : index
      %swap3A_487 = tpu.vector_load %arg7[%swap3A_486] {strides = array<i32>} : memref<4160xf32, #tpu.memory_space<vmem>>, vector<16xf32>,
      tpu.vector_store %arg7[%swap3A_486], %broadcast_in_dim3A_3 {strides = array<i32>} : memref<4160xf32, #tpu.memory_space<vmem>>, vector<16xf32>,
      %swap3A_488 = arith.constant 3808 : index
      %swap3A_489 = tpu.vector_load %arg7[%swap3A_488] {strides = array<i32>} : memref<4160xf32, #tpu.memory_space<vmem>>, vector<16xf32>,
      tpu.vector_store %arg7[%swap3A_488], %broadcast_in_dim3A_3 {strides = array<i32>} : memref<4160xf32, #tpu.memory_space<vmem>>, vector<16xf32>,
      %swap3A_490 = arith.constant 3824 : index
      %swap3A_491 = tpu.vector_load %arg7[%swap3A_490] {strides = array<i32>} : memref<4160xf32, #tpu.memory_space<vmem>>, vector<16xf32>,
      tpu.vector_store %arg7[%swap3A_490], %broadcast_in_dim3A_3 {strides = array<i32>} : memref<4160xf32, #tpu.memory_space<vmem>>, vector<16xf32>,
      %swap3A_492 = arith.constant 3840 : index
      %swap3A_493 = tpu.vector_load %arg7[%swap3A_492] {strides = array<i32>} : memref<4160xf32, #tpu.memory_space<vmem>>, vector<16xf32>,
      tpu.vector_store %arg7[%swap3A_492], %broadcast_in_dim3A_3 {strides = array<i32>} : memref<4160xf32, #tpu.memory_space<vmem>>, vector<16xf32>,
      %swap3A_494 = arith.constant 3856 : index
      %swap3A_495 = tpu.vector_load %arg7[%swap3A_494] {strides = array<i32>} : memref<4160xf32, #tpu.memory_space<vmem>>, vector<16xf32>,
      tpu.vector_store %arg7[%swap3A_494], %broadcast_in_dim3A_3 {strides = array<i32>} : memref<4160xf32, #tpu.memory_space<vmem>>, vector<16xf32>,
      %swap3A_496 = arith.constant 3872 : index
      %swap3A_497 = tpu.vector_load %arg7[%swap3A_496] {strides = array<i32>} : memref<4160xf32, #tpu.memory_space<vmem>>, vector<16xf32>,
      tpu.vector_store %arg7[%swap3A_496], %broadcast_in_dim3A_3 {strides = array<i32>} : memref<4160xf32, #tpu.memory_space<vmem>>, vector<16xf32>,
      %swap3A_498 = arith.constant 3888 : index
      %swap3A_499 = tpu.vector_load %arg7[%swap3A_498] {strides = array<i32>} : memref<4160xf32, #tpu.memory_space<vmem>>, vector<16xf32>,
      tpu.vector_store %arg7[%swap3A_498], %broadcast_in_dim3A_3 {strides = array<i32>} : memref<4160xf32, #tpu.memory_space<vmem>>, vector<16xf32>,
      %swap3A_500 = arith.constant 3904 : index
      %swap3A_501 = tpu.vector_load %arg7[%swap3A_500] {strides = array<i32>} : memref<4160xf32, #tpu.memory_space<vmem>>, vector<16xf32>,
      tpu.vector_store %arg7[%swap3A_500], %broadcast_in_dim3A_3 {strides = array<i32>} : memref<4160xf32, #tpu.memory_space<vmem>>, vector<16xf32>,
      %swap3A_502 = arith.constant 3920 : index
      %swap3A_503 = tpu.vector_load %arg7[%swap3A_502] {strides = array<i32>} : memref<4160xf32, #tpu.memory_space<vmem>>, vector<16xf32>,
      tpu.vector_store %arg7[%swap3A_502], %broadcast_in_dim3A_3 {strides = array<i32>} : memref<4160xf32, #tpu.memory_space<vmem>>, vector<16xf32>,
      %swap3A_504 = arith.constant 3936 : index
      %swap3A_505 = tpu.vector_load %arg7[%swap3A_504] {strides = array<i32>} : memref<4160xf32, #tpu.memory_space<vmem>>, vector<16xf32>,
      tpu.vector_store %arg7[%swap3A_504], %broadcast_in_dim3A_3 {strides = array<i32>} : memref<4160xf32, #tpu.memory_space<vmem>>, vector<16xf32>,
      %swap3A_506 = arith.constant 3952 : index
      %swap3A_507 = tpu.vector_load %arg7[%swap3A_506] {strides = array<i32>} : memref<4160xf32, #tpu.memory_space<vmem>>, vector<16xf32>,
      tpu.vector_store %arg7[%swap3A_506], %broadcast_in_dim3A_3 {strides = array<i32>} : memref<4160xf32, #tpu.memory_space<vmem>>, vector<16xf32>,
      %swap3A_508 = arith.constant 3968 : index
      %swap3A_509 = tpu.vector_load %arg7[%swap3A_508] {strides = array<i32>} : memref<4160xf32, #tpu.memory_space<vmem>>, vector<16xf32>,
      tpu.vector_store %arg7[%swap3A_508], %broadcast_in_dim3A_3 {strides = array<i32>} : memref<4160xf32, #tpu.memory_space<vmem>>, vector<16xf32>,
      %swap3A_510 = arith.constant 3984 : index
      %swap3A_511 = tpu.vector_load %arg7[%swap3A_510] {strides = array<i32>} : memref<4160xf32, #tpu.memory_space<vmem>>, vector<16xf32>,
      tpu.vector_store %arg7[%swap3A_510], %broadcast_in_dim3A_3 {strides = array<i32>} : memref<4160xf32, #tpu.memory_space<vmem>>, vector<16xf32>,
      %swap3A_512 = arith.constant 4000 : index
      %swap3A_513 = tpu.vector_load %arg7[%swap3A_512] {strides = array<i32>} : memref<4160xf32, #tpu.memory_space<vmem>>, vector<16xf32>,
      tpu.vector_store %arg7[%swap3A_512], %broadcast_in_dim3A_3 {strides = array<i32>} : memref<4160xf32, #tpu.memory_space<vmem>>, vector<16xf32>,
      %swap3A_514 = arith.constant 4016 : index
      %swap3A_515 = tpu.vector_load %arg7[%swap3A_514] {strides = array<i32>} : memref<4160xf32, #tpu.memory_space<vmem>>, vector<16xf32>,
      tpu.vector_store %arg7[%swap3A_514], %broadcast_in_dim3A_3 {strides = array<i32>} : memref<4160xf32, #tpu.memory_space<vmem>>, vector<16xf32>,
      %swap3A_516 = arith.constant 4032 : index
      %swap3A_517 = tpu.vector_load %arg7[%swap3A_516] {strides = array<i32>} : memref<4160xf32, #tpu.memory_space<vmem>>, vector<16xf32>,
      tpu.vector_store %arg7[%swap3A_516], %broadcast_in_dim3A_3 {strides = array<i32>} : memref<4160xf32, #tpu.memory_space<vmem>>, vector<16xf32>,
      %swap3A_518 = arith.constant 4048 : index
      %swap3A_519 = tpu.vector_load %arg7[%swap3A_518] {strides = array<i32>} : memref<4160xf32, #tpu.memory_space<vmem>>, vector<16xf32>,
      tpu.vector_store %arg7[%swap3A_518], %broadcast_in_dim3A_3 {strides = array<i32>} : memref<4160xf32, #tpu.memory_space<vmem>>, vector<16xf32>,
      %swap3A_520 = arith.constant 4064 : index
      %swap3A_521 = tpu.vector_load %arg7[%swap3A_520] {strides = array<i32>} : memref<4160xf32, #tpu.memory_space<vmem>>, vector<16xf32>,
      tpu.vector_store %arg7[%swap3A_520], %broadcast_in_dim3A_3 {strides = array<i32>} : memref<4160xf32, #tpu.memory_space<vmem>>, vector<16xf32>,
      %swap3A_522 = arith.constant 4080 : index
      %swap3A_523 = tpu.vector_load %arg7[%swap3A_522] {strides = array<i32>} : memref<4160xf32, #tpu.memory_space<vmem>>, vector<16xf32>,
      tpu.vector_store %arg7[%swap3A_522], %broadcast_in_dim3A_3 {strides = array<i32>} : memref<4160xf32, #tpu.memory_space<vmem>>, vector<16xf32>,
      %swap3A_524 = arith.constant 4096 : index
      %swap3A_525 = tpu.vector_load %arg7[%swap3A_524] {strides = array<i32>} : memref<4160xf32, #tpu.memory_space<vmem>>, vector<16xf32>,
      tpu.vector_store %arg7[%swap3A_524], %broadcast_in_dim3A_3 {strides = array<i32>} : memref<4160xf32, #tpu.memory_space<vmem>>, vector<16xf32>,
      %swap3A_526 = arith.constant 4112 : index
      %swap3A_527 = tpu.vector_load %arg7[%swap3A_526] {strides = array<i32>} : memref<4160xf32, #tpu.memory_space<vmem>>, vector<16xf32>,
      tpu.vector_store %arg7[%swap3A_526], %broadcast_in_dim3A_3 {strides = array<i32>} : memref<4160xf32, #tpu.memory_space<vmem>>, vector<16xf32>,
      %swap3A_528 = arith.constant 4128 : index
      %swap3A_529 = tpu.vector_load %arg7[%swap3A_528] {strides = array<i32>} : memref<4160xf32, #tpu.memory_space<vmem>>, vector<16xf32>,
      tpu.vector_store %arg7[%swap3A_528], %broadcast_in_dim3A_3 {strides = array<i32>} : memref<4160xf32, #tpu.memory_space<vmem>>, vector<16xf32>,
      %swap3A_530 = arith.constant 4144 : index
      %swap3A_531 = tpu.vector_load %arg7[%swap3A_530] {strides = array<i32>} : memref<4160xf32, #tpu.memory_space<vmem>>, vector<16xf32>,
      tpu.vector_store %arg7[%swap3A_530], %broadcast_in_dim3A_3 {strides = array<i32>} : memref<4160xf32, #tpu.memory_space<vmem>>, vector<16xf32>,
      %scan3A_532 = arith.constant 0 : i32
      %scan3A_533 = arith.constant 0 : i32
      %scan3A_534 = arith.constant 64 : i32
      %scan3A_535 = arith.addi %scan3A_533, %scan3A_534 : i32
      %scan3A_536 = arith.constant 1 : i32
      scf.for %scan3A_538 = %scan3A_533 to %scan3A_535 step %scan3A_536  : i32 {
        %mul3A_539 = arith.constant 16 : i32
        %mul3A_540 = arith.muli %scan3A_538, %mul3A_539 : i32
        %get3A = arith.index_cast %mul3A_540 : i32 to index
        %get3A_541 = tpu.vector_load %arg5[%get3A] {strides = array<i32>} : memref<1024xi32, #tpu.memory_space<vmem>>, vector<16xi32>,
        %add3A_542 = arith.constant 4096 : i32
        %add3A_543 = vector.broadcast %add3A_542 : i32 to vector<16xi32>
        %add3A_544 = arith.addi %get3A_541, %add3A_543 : vector<16xi32>
        tpu.vector_store_idx %arg7[%add3A_544], %broadcast_in_dim3A_1 {add = true} : memref<4160xf32, #tpu.memory_space<vmem>>[vector<16xi32>], vector<16xf32>,
        %get3A_545 = arith.constant 0 : i32
        %get3A_546 = arith.index_cast %get3A_545 : i32 to index
        %get3A_547 = arith.index_cast %mul3A_540 : i32 to index
        %get3A_548 = tpu.vector_load %arg6[%get3A_546, %get3A_547] {strides = array<i32>} : memref<64x1024xf32, #tpu.memory_space<vmem>>, vector<16xf32>,
        %add3A_549 = arith.constant 0 : i32
        %add3A_550 = vector.broadcast %add3A_549 : i32 to vector<16xi32>
        %add3A_551 = arith.addi %get3A_541, %add3A_550 : vector<16xi32>
        tpu.vector_store_idx %arg7[%add3A_551], %get3A_548 {add = true} : memref<4160xf32, #tpu.memory_space<vmem>>[vector<16xi32>], vector<16xf32>,
        %get3A_552 = arith.constant 1 : i32
        %get3A_553 = arith.index_cast %get3A_552 : i32 to index
        %get3A_554 = arith.index_cast %mul3A_540 : i32 to index
        %get3A_555 = tpu.vector_load %arg6[%get3A_553, %get3A_554] {strides = array<i32>} : memref<64x1024xf32, #tpu.memory_space<vmem>>, vector<16xf32>,
        %add3A_556 = arith.constant 64 : i32
        %add3A_557 = vector.broadcast %add3A_556 : i32 to vector<16xi32>
        %add3A_558 = arith.addi %get3A_541, %add3A_557 : vector<16xi32>
        tpu.vector_store_idx %arg7[%add3A_558], %get3A_555 {add = true} : memref<4160xf32, #tpu.memory_space<vmem>>[vector<16xi32>], vector<16xf32>,
        %get3A_559 = arith.constant 2 : i32
        %get3A_560 = arith.index_cast %get3A_559 : i32 to index
        %get3A_561 = arith.index_cast %mul3A_540 : i32 to index
        %get3A_562 = tpu.vector_load %arg6[%get3A_560, %get3A_561] {strides = array<i32>} : memref<64x1024xf32, #tpu.memory_space<vmem>>, vector<16xf32>,
        %add3A_563 = arith.constant 128 : i32
        %add3A_564 = vector.broadcast %add3A_563 : i32 to vector<16xi32>
        %add3A_565 = arith.addi %get3A_541, %add3A_564 : vector<16xi32>
        tpu.vector_store_idx %arg7[%add3A_565], %get3A_562 {add = true} : memref<4160xf32, #tpu.memory_space<vmem>>[vector<16xi32>], vector<16xf32>,
        %get3A_566 = arith.constant 3 : i32
        %get3A_567 = arith.index_cast %get3A_566 : i32 to index
        %get3A_568 = arith.index_cast %mul3A_540 : i32 to index
        %get3A_569 = tpu.vector_load %arg6[%get3A_567, %get3A_568] {strides = array<i32>} : memref<64x1024xf32, #tpu.memory_space<vmem>>, vector<16xf32>,
        %add3A_570 = arith.constant 192 : i32
        %add3A_571 = vector.broadcast %add3A_570 : i32 to vector<16xi32>
        %add3A_572 = arith.addi %get3A_541, %add3A_571 : vector<16xi32>
        tpu.vector_store_idx %arg7[%add3A_572], %get3A_569 {add = true} : memref<4160xf32, #tpu.memory_space<vmem>>[vector<16xi32>], vector<16xf32>,
        %get3A_573 = arith.constant 4 : i32
        %get3A_574 = arith.index_cast %get3A_573 : i32 to index
        %get3A_575 = arith.index_cast %mul3A_540 : i32 to index
        %get3A_576 = tpu.vector_load %arg6[%get3A_574, %get3A_575] {strides = array<i32>} : memref<64x1024xf32, #tpu.memory_space<vmem>>, vector<16xf32>,
        %add3A_577 = arith.constant 256 : i32
        %add3A_578 = vector.broadcast %add3A_577 : i32 to vector<16xi32>
        %add3A_579 = arith.addi %get3A_541, %add3A_578 : vector<16xi32>
        tpu.vector_store_idx %arg7[%add3A_579], %get3A_576 {add = true} : memref<4160xf32, #tpu.memory_space<vmem>>[vector<16xi32>], vector<16xf32>,
        %get3A_580 = arith.constant 5 : i32
        %get3A_581 = arith.index_cast %get3A_580 : i32 to index
        %get3A_582 = arith.index_cast %mul3A_540 : i32 to index
        %get3A_583 = tpu.vector_load %arg6[%get3A_581, %get3A_582] {strides = array<i32>} : memref<64x1024xf32, #tpu.memory_space<vmem>>, vector<16xf32>,
        %add3A_584 = arith.constant 320 : i32
        %add3A_585 = vector.broadcast %add3A_584 : i32 to vector<16xi32>
        %add3A_586 = arith.addi %get3A_541, %add3A_585 : vector<16xi32>
        tpu.vector_store_idx %arg7[%add3A_586], %get3A_583 {add = true} : memref<4160xf32, #tpu.memory_space<vmem>>[vector<16xi32>], vector<16xf32>,
        %get3A_587 = arith.constant 6 : i32
        %get3A_588 = arith.index_cast %get3A_587 : i32 to index
        %get3A_589 = arith.index_cast %mul3A_540 : i32 to index
        %get3A_590 = tpu.vector_load %arg6[%get3A_588, %get3A_589] {strides = array<i32>} : memref<64x1024xf32, #tpu.memory_space<vmem>>, vector<16xf32>,
        %add3A_591 = arith.constant 384 : i32
        %add3A_592 = vector.broadcast %add3A_591 : i32 to vector<16xi32>
        %add3A_593 = arith.addi %get3A_541, %add3A_592 : vector<16xi32>
        tpu.vector_store_idx %arg7[%add3A_593], %get3A_590 {add = true} : memref<4160xf32, #tpu.memory_space<vmem>>[vector<16xi32>], vector<16xf32>,
        %get3A_594 = arith.constant 7 : i32
        %get3A_595 = arith.index_cast %get3A_594 : i32 to index
        %get3A_596 = arith.index_cast %mul3A_540 : i32 to index
        %get3A_597 = tpu.vector_load %arg6[%get3A_595, %get3A_596] {strides = array<i32>} : memref<64x1024xf32, #tpu.memory_space<vmem>>, vector<16xf32>,
        %add3A_598 = arith.constant 448 : i32
        %add3A_599 = vector.broadcast %add3A_598 : i32 to vector<16xi32>
        %add3A_600 = arith.addi %get3A_541, %add3A_599 : vector<16xi32>
        tpu.vector_store_idx %arg7[%add3A_600], %get3A_597 {add = true} : memref<4160xf32, #tpu.memory_space<vmem>>[vector<16xi32>], vector<16xf32>,
        %get3A_601 = arith.constant 8 : i32
        %get3A_602 = arith.index_cast %get3A_601 : i32 to index
        %get3A_603 = arith.index_cast %mul3A_540 : i32 to index
        %get3A_604 = tpu.vector_load %arg6[%get3A_602, %get3A_603] {strides = array<i32>} : memref<64x1024xf32, #tpu.memory_space<vmem>>, vector<16xf32>,
        %add3A_605 = arith.constant 512 : i32
        %add3A_606 = vector.broadcast %add3A_605 : i32 to vector<16xi32>
        %add3A_607 = arith.addi %get3A_541, %add3A_606 : vector<16xi32>
        tpu.vector_store_idx %arg7[%add3A_607], %get3A_604 {add = true} : memref<4160xf32, #tpu.memory_space<vmem>>[vector<16xi32>], vector<16xf32>,
        %get3A_608 = arith.constant 9 : i32
        %get3A_609 = arith.index_cast %get3A_608 : i32 to index
        %get3A_610 = arith.index_cast %mul3A_540 : i32 to index
        %get3A_611 = tpu.vector_load %arg6[%get3A_609, %get3A_610] {strides = array<i32>} : memref<64x1024xf32, #tpu.memory_space<vmem>>, vector<16xf32>,
        %add3A_612 = arith.constant 576 : i32
        %add3A_613 = vector.broadcast %add3A_612 : i32 to vector<16xi32>
        %add3A_614 = arith.addi %get3A_541, %add3A_613 : vector<16xi32>
        tpu.vector_store_idx %arg7[%add3A_614], %get3A_611 {add = true} : memref<4160xf32, #tpu.memory_space<vmem>>[vector<16xi32>], vector<16xf32>,
        %get3A_615 = arith.constant 10 : i32
        %get3A_616 = arith.index_cast %get3A_615 : i32 to index
        %get3A_617 = arith.index_cast %mul3A_540 : i32 to index
        %get3A_618 = tpu.vector_load %arg6[%get3A_616, %get3A_617] {strides = array<i32>} : memref<64x1024xf32, #tpu.memory_space<vmem>>, vector<16xf32>,
        %add3A_619 = arith.constant 640 : i32
        %add3A_620 = vector.broadcast %add3A_619 : i32 to vector<16xi32>
        %add3A_621 = arith.addi %get3A_541, %add3A_620 : vector<16xi32>
        tpu.vector_store_idx %arg7[%add3A_621], %get3A_618 {add = true} : memref<4160xf32, #tpu.memory_space<vmem>>[vector<16xi32>], vector<16xf32>,
        %get3A_622 = arith.constant 11 : i32
        %get3A_623 = arith.index_cast %get3A_622 : i32 to index
        %get3A_624 = arith.index_cast %mul3A_540 : i32 to index
        %get3A_625 = tpu.vector_load %arg6[%get3A_623, %get3A_624] {strides = array<i32>} : memref<64x1024xf32, #tpu.memory_space<vmem>>, vector<16xf32>,
        %add3A_626 = arith.constant 704 : i32
        %add3A_627 = vector.broadcast %add3A_626 : i32 to vector<16xi32>
        %add3A_628 = arith.addi %get3A_541, %add3A_627 : vector<16xi32>
        tpu.vector_store_idx %arg7[%add3A_628], %get3A_625 {add = true} : memref<4160xf32, #tpu.memory_space<vmem>>[vector<16xi32>], vector<16xf32>,
        %get3A_629 = arith.constant 12 : i32
        %get3A_630 = arith.index_cast %get3A_629 : i32 to index
        %get3A_631 = arith.index_cast %mul3A_540 : i32 to index
        %get3A_632 = tpu.vector_load %arg6[%get3A_630, %get3A_631] {strides = array<i32>} : memref<64x1024xf32, #tpu.memory_space<vmem>>, vector<16xf32>,
        %add3A_633 = arith.constant 768 : i32
        %add3A_634 = vector.broadcast %add3A_633 : i32 to vector<16xi32>
        %add3A_635 = arith.addi %get3A_541, %add3A_634 : vector<16xi32>
        tpu.vector_store_idx %arg7[%add3A_635], %get3A_632 {add = true} : memref<4160xf32, #tpu.memory_space<vmem>>[vector<16xi32>], vector<16xf32>,
        %get3A_636 = arith.constant 13 : i32
        %get3A_637 = arith.index_cast %get3A_636 : i32 to index
        %get3A_638 = arith.index_cast %mul3A_540 : i32 to index
        %get3A_639 = tpu.vector_load %arg6[%get3A_637, %get3A_638] {strides = array<i32>} : memref<64x1024xf32, #tpu.memory_space<vmem>>, vector<16xf32>,
        %add3A_640 = arith.constant 832 : i32
        %add3A_641 = vector.broadcast %add3A_640 : i32 to vector<16xi32>
        %add3A_642 = arith.addi %get3A_541, %add3A_641 : vector<16xi32>
        tpu.vector_store_idx %arg7[%add3A_642], %get3A_639 {add = true} : memref<4160xf32, #tpu.memory_space<vmem>>[vector<16xi32>], vector<16xf32>,
        %get3A_643 = arith.constant 14 : i32
        %get3A_644 = arith.index_cast %get3A_643 : i32 to index
        %get3A_645 = arith.index_cast %mul3A_540 : i32 to index
        %get3A_646 = tpu.vector_load %arg6[%get3A_644, %get3A_645] {strides = array<i32>} : memref<64x1024xf32, #tpu.memory_space<vmem>>, vector<16xf32>,
        %add3A_647 = arith.constant 896 : i32
        %add3A_648 = vector.broadcast %add3A_647 : i32 to vector<16xi32>
        %add3A_649 = arith.addi %get3A_541, %add3A_648 : vector<16xi32>
        tpu.vector_store_idx %arg7[%add3A_649], %get3A_646 {add = true} : memref<4160xf32, #tpu.memory_space<vmem>>[vector<16xi32>], vector<16xf32>,
        %get3A_650 = arith.constant 15 : i32
        %get3A_651 = arith.index_cast %get3A_650 : i32 to index
        %get3A_652 = arith.index_cast %mul3A_540 : i32 to index
        %get3A_653 = tpu.vector_load %arg6[%get3A_651, %get3A_652] {strides = array<i32>} : memref<64x1024xf32, #tpu.memory_space<vmem>>, vector<16xf32>,
        %add3A_654 = arith.constant 960 : i32
        %add3A_655 = vector.broadcast %add3A_654 : i32 to vector<16xi32>
        %add3A_656 = arith.addi %get3A_541, %add3A_655 : vector<16xi32>
        tpu.vector_store_idx %arg7[%add3A_656], %get3A_653 {add = true} : memref<4160xf32, #tpu.memory_space<vmem>>[vector<16xi32>], vector<16xf32>,
        %get3A_657 = arith.constant 16 : i32
        %get3A_658 = arith.index_cast %get3A_657 : i32 to index
        %get3A_659 = arith.index_cast %mul3A_540 : i32 to index
        %get3A_660 = tpu.vector_load %arg6[%get3A_658, %get3A_659] {strides = array<i32>} : memref<64x1024xf32, #tpu.memory_space<vmem>>, vector<16xf32>,
        %add3A_661 = arith.constant 1024 : i32
        %add3A_662 = vector.broadcast %add3A_661 : i32 to vector<16xi32>
        %add3A_663 = arith.addi %get3A_541, %add3A_662 : vector<16xi32>
        tpu.vector_store_idx %arg7[%add3A_663], %get3A_660 {add = true} : memref<4160xf32, #tpu.memory_space<vmem>>[vector<16xi32>], vector<16xf32>,
        %get3A_664 = arith.constant 17 : i32
        %get3A_665 = arith.index_cast %get3A_664 : i32 to index
        %get3A_666 = arith.index_cast %mul3A_540 : i32 to index
        %get3A_667 = tpu.vector_load %arg6[%get3A_665, %get3A_666] {strides = array<i32>} : memref<64x1024xf32, #tpu.memory_space<vmem>>, vector<16xf32>,
        %add3A_668 = arith.constant 1088 : i32
        %add3A_669 = vector.broadcast %add3A_668 : i32 to vector<16xi32>
        %add3A_670 = arith.addi %get3A_541, %add3A_669 : vector<16xi32>
        tpu.vector_store_idx %arg7[%add3A_670], %get3A_667 {add = true} : memref<4160xf32, #tpu.memory_space<vmem>>[vector<16xi32>], vector<16xf32>,
        %get3A_671 = arith.constant 18 : i32
        %get3A_672 = arith.index_cast %get3A_671 : i32 to index
        %get3A_673 = arith.index_cast %mul3A_540 : i32 to index
        %get3A_674 = tpu.vector_load %arg6[%get3A_672, %get3A_673] {strides = array<i32>} : memref<64x1024xf32, #tpu.memory_space<vmem>>, vector<16xf32>,
        %add3A_675 = arith.constant 1152 : i32
        %add3A_676 = vector.broadcast %add3A_675 : i32 to vector<16xi32>
        %add3A_677 = arith.addi %get3A_541, %add3A_676 : vector<16xi32>
        tpu.vector_store_idx %arg7[%add3A_677], %get3A_674 {add = true} : memref<4160xf32, #tpu.memory_space<vmem>>[vector<16xi32>], vector<16xf32>,
        %get3A_678 = arith.constant 19 : i32
        %get3A_679 = arith.index_cast %get3A_678 : i32 to index
        %get3A_680 = arith.index_cast %mul3A_540 : i32 to index
        %get3A_681 = tpu.vector_load %arg6[%get3A_679, %get3A_680] {strides = array<i32>} : memref<64x1024xf32, #tpu.memory_space<vmem>>, vector<16xf32>,
        %add3A_682 = arith.constant 1216 : i32
        %add3A_683 = vector.broadcast %add3A_682 : i32 to vector<16xi32>
        %add3A_684 = arith.addi %get3A_541, %add3A_683 : vector<16xi32>
        tpu.vector_store_idx %arg7[%add3A_684], %get3A_681 {add = true} : memref<4160xf32, #tpu.memory_space<vmem>>[vector<16xi32>], vector<16xf32>,
        %get3A_685 = arith.constant 20 : i32
        %get3A_686 = arith.index_cast %get3A_685 : i32 to index
        %get3A_687 = arith.index_cast %mul3A_540 : i32 to index
        %get3A_688 = tpu.vector_load %arg6[%get3A_686, %get3A_687] {strides = array<i32>} : memref<64x1024xf32, #tpu.memory_space<vmem>>, vector<16xf32>,
        %add3A_689 = arith.constant 1280 : i32
        %add3A_690 = vector.broadcast %add3A_689 : i32 to vector<16xi32>
        %add3A_691 = arith.addi %get3A_541, %add3A_690 : vector<16xi32>
        tpu.vector_store_idx %arg7[%add3A_691], %get3A_688 {add = true} : memref<4160xf32, #tpu.memory_space<vmem>>[vector<16xi32>], vector<16xf32>,
        %get3A_692 = arith.constant 21 : i32
        %get3A_693 = arith.index_cast %get3A_692 : i32 to index
        %get3A_694 = arith.index_cast %mul3A_540 : i32 to index
        %get3A_695 = tpu.vector_load %arg6[%get3A_693, %get3A_694] {strides = array<i32>} : memref<64x1024xf32, #tpu.memory_space<vmem>>, vector<16xf32>,
        %add3A_696 = arith.constant 1344 : i32
        %add3A_697 = vector.broadcast %add3A_696 : i32 to vector<16xi32>
        %add3A_698 = arith.addi %get3A_541, %add3A_697 : vector<16xi32>
        tpu.vector_store_idx %arg7[%add3A_698], %get3A_695 {add = true} : memref<4160xf32, #tpu.memory_space<vmem>>[vector<16xi32>], vector<16xf32>,
        %get3A_699 = arith.constant 22 : i32
        %get3A_700 = arith.index_cast %get3A_699 : i32 to index
        %get3A_701 = arith.index_cast %mul3A_540 : i32 to index
        %get3A_702 = tpu.vector_load %arg6[%get3A_700, %get3A_701] {strides = array<i32>} : memref<64x1024xf32, #tpu.memory_space<vmem>>, vector<16xf32>,
        %add3A_703 = arith.constant 1408 : i32
        %add3A_704 = vector.broadcast %add3A_703 : i32 to vector<16xi32>
        %add3A_705 = arith.addi %get3A_541, %add3A_704 : vector<16xi32>
        tpu.vector_store_idx %arg7[%add3A_705], %get3A_702 {add = true} : memref<4160xf32, #tpu.memory_space<vmem>>[vector<16xi32>], vector<16xf32>,
        %get3A_706 = arith.constant 23 : i32
        %get3A_707 = arith.index_cast %get3A_706 : i32 to index
        %get3A_708 = arith.index_cast %mul3A_540 : i32 to index
        %get3A_709 = tpu.vector_load %arg6[%get3A_707, %get3A_708] {strides = array<i32>} : memref<64x1024xf32, #tpu.memory_space<vmem>>, vector<16xf32>,
        %add3A_710 = arith.constant 1472 : i32
        %add3A_711 = vector.broadcast %add3A_710 : i32 to vector<16xi32>
        %add3A_712 = arith.addi %get3A_541, %add3A_711 : vector<16xi32>
        tpu.vector_store_idx %arg7[%add3A_712], %get3A_709 {add = true} : memref<4160xf32, #tpu.memory_space<vmem>>[vector<16xi32>], vector<16xf32>,
        %get3A_713 = arith.constant 24 : i32
        %get3A_714 = arith.index_cast %get3A_713 : i32 to index
        %get3A_715 = arith.index_cast %mul3A_540 : i32 to index
        %get3A_716 = tpu.vector_load %arg6[%get3A_714, %get3A_715] {strides = array<i32>} : memref<64x1024xf32, #tpu.memory_space<vmem>>, vector<16xf32>,
        %add3A_717 = arith.constant 1536 : i32
        %add3A_718 = vector.broadcast %add3A_717 : i32 to vector<16xi32>
        %add3A_719 = arith.addi %get3A_541, %add3A_718 : vector<16xi32>
        tpu.vector_store_idx %arg7[%add3A_719], %get3A_716 {add = true} : memref<4160xf32, #tpu.memory_space<vmem>>[vector<16xi32>], vector<16xf32>,
        %get3A_720 = arith.constant 25 : i32
        %get3A_721 = arith.index_cast %get3A_720 : i32 to index
        %get3A_722 = arith.index_cast %mul3A_540 : i32 to index
        %get3A_723 = tpu.vector_load %arg6[%get3A_721, %get3A_722] {strides = array<i32>} : memref<64x1024xf32, #tpu.memory_space<vmem>>, vector<16xf32>,
        %add3A_724 = arith.constant 1600 : i32
        %add3A_725 = vector.broadcast %add3A_724 : i32 to vector<16xi32>
        %add3A_726 = arith.addi %get3A_541, %add3A_725 : vector<16xi32>
        tpu.vector_store_idx %arg7[%add3A_726], %get3A_723 {add = true} : memref<4160xf32, #tpu.memory_space<vmem>>[vector<16xi32>], vector<16xf32>,
        %get3A_727 = arith.constant 26 : i32
        %get3A_728 = arith.index_cast %get3A_727 : i32 to index
        %get3A_729 = arith.index_cast %mul3A_540 : i32 to index
        %get3A_730 = tpu.vector_load %arg6[%get3A_728, %get3A_729] {strides = array<i32>} : memref<64x1024xf32, #tpu.memory_space<vmem>>, vector<16xf32>,
        %add3A_731 = arith.constant 1664 : i32
        %add3A_732 = vector.broadcast %add3A_731 : i32 to vector<16xi32>
        %add3A_733 = arith.addi %get3A_541, %add3A_732 : vector<16xi32>
        tpu.vector_store_idx %arg7[%add3A_733], %get3A_730 {add = true} : memref<4160xf32, #tpu.memory_space<vmem>>[vector<16xi32>], vector<16xf32>,
        %get3A_734 = arith.constant 27 : i32
        %get3A_735 = arith.index_cast %get3A_734 : i32 to index
        %get3A_736 = arith.index_cast %mul3A_540 : i32 to index
        %get3A_737 = tpu.vector_load %arg6[%get3A_735, %get3A_736] {strides = array<i32>} : memref<64x1024xf32, #tpu.memory_space<vmem>>, vector<16xf32>,
        %add3A_738 = arith.constant 1728 : i32
        %add3A_739 = vector.broadcast %add3A_738 : i32 to vector<16xi32>
        %add3A_740 = arith.addi %get3A_541, %add3A_739 : vector<16xi32>
        tpu.vector_store_idx %arg7[%add3A_740], %get3A_737 {add = true} : memref<4160xf32, #tpu.memory_space<vmem>>[vector<16xi32>], vector<16xf32>,
        %get3A_741 = arith.constant 28 : i32
        %get3A_742 = arith.index_cast %get3A_741 : i32 to index
        %get3A_743 = arith.index_cast %mul3A_540 : i32 to index
        %get3A_744 = tpu.vector_load %arg6[%get3A_742, %get3A_743] {strides = array<i32>} : memref<64x1024xf32, #tpu.memory_space<vmem>>, vector<16xf32>,
        %add3A_745 = arith.constant 1792 : i32
        %add3A_746 = vector.broadcast %add3A_745 : i32 to vector<16xi32>
        %add3A_747 = arith.addi %get3A_541, %add3A_746 : vector<16xi32>
        tpu.vector_store_idx %arg7[%add3A_747], %get3A_744 {add = true} : memref<4160xf32, #tpu.memory_space<vmem>>[vector<16xi32>], vector<16xf32>,
        %get3A_748 = arith.constant 29 : i32
        %get3A_749 = arith.index_cast %get3A_748 : i32 to index
        %get3A_750 = arith.index_cast %mul3A_540 : i32 to index
        %get3A_751 = tpu.vector_load %arg6[%get3A_749, %get3A_750] {strides = array<i32>} : memref<64x1024xf32, #tpu.memory_space<vmem>>, vector<16xf32>,
        %add3A_752 = arith.constant 1856 : i32
        %add3A_753 = vector.broadcast %add3A_752 : i32 to vector<16xi32>
        %add3A_754 = arith.addi %get3A_541, %add3A_753 : vector<16xi32>
        tpu.vector_store_idx %arg7[%add3A_754], %get3A_751 {add = true} : memref<4160xf32, #tpu.memory_space<vmem>>[vector<16xi32>], vector<16xf32>,
        %get3A_755 = arith.constant 30 : i32
        %get3A_756 = arith.index_cast %get3A_755 : i32 to index
        %get3A_757 = arith.index_cast %mul3A_540 : i32 to index
        %get3A_758 = tpu.vector_load %arg6[%get3A_756, %get3A_757] {strides = array<i32>} : memref<64x1024xf32, #tpu.memory_space<vmem>>, vector<16xf32>,
        %add3A_759 = arith.constant 1920 : i32
        %add3A_760 = vector.broadcast %add3A_759 : i32 to vector<16xi32>
        %add3A_761 = arith.addi %get3A_541, %add3A_760 : vector<16xi32>
        tpu.vector_store_idx %arg7[%add3A_761], %get3A_758 {add = true} : memref<4160xf32, #tpu.memory_space<vmem>>[vector<16xi32>], vector<16xf32>,
        %get3A_762 = arith.constant 31 : i32
        %get3A_763 = arith.index_cast %get3A_762 : i32 to index
        %get3A_764 = arith.index_cast %mul3A_540 : i32 to index
        %get3A_765 = tpu.vector_load %arg6[%get3A_763, %get3A_764] {strides = array<i32>} : memref<64x1024xf32, #tpu.memory_space<vmem>>, vector<16xf32>,
        %add3A_766 = arith.constant 1984 : i32
        %add3A_767 = vector.broadcast %add3A_766 : i32 to vector<16xi32>
        %add3A_768 = arith.addi %get3A_541, %add3A_767 : vector<16xi32>
        tpu.vector_store_idx %arg7[%add3A_768], %get3A_765 {add = true} : memref<4160xf32, #tpu.memory_space<vmem>>[vector<16xi32>], vector<16xf32>,
        %get3A_769 = arith.constant 32 : i32
        %get3A_770 = arith.index_cast %get3A_769 : i32 to index
        %get3A_771 = arith.index_cast %mul3A_540 : i32 to index
        %get3A_772 = tpu.vector_load %arg6[%get3A_770, %get3A_771] {strides = array<i32>} : memref<64x1024xf32, #tpu.memory_space<vmem>>, vector<16xf32>,
        %add3A_773 = arith.constant 2048 : i32
        %add3A_774 = vector.broadcast %add3A_773 : i32 to vector<16xi32>
        %add3A_775 = arith.addi %get3A_541, %add3A_774 : vector<16xi32>
        tpu.vector_store_idx %arg7[%add3A_775], %get3A_772 {add = true} : memref<4160xf32, #tpu.memory_space<vmem>>[vector<16xi32>], vector<16xf32>,
        %get3A_776 = arith.constant 33 : i32
        %get3A_777 = arith.index_cast %get3A_776 : i32 to index
        %get3A_778 = arith.index_cast %mul3A_540 : i32 to index
        %get3A_779 = tpu.vector_load %arg6[%get3A_777, %get3A_778] {strides = array<i32>} : memref<64x1024xf32, #tpu.memory_space<vmem>>, vector<16xf32>,
        %add3A_780 = arith.constant 2112 : i32
        %add3A_781 = vector.broadcast %add3A_780 : i32 to vector<16xi32>
        %add3A_782 = arith.addi %get3A_541, %add3A_781 : vector<16xi32>
        tpu.vector_store_idx %arg7[%add3A_782], %get3A_779 {add = true} : memref<4160xf32, #tpu.memory_space<vmem>>[vector<16xi32>], vector<16xf32>,
        %get3A_783 = arith.constant 34 : i32
        %get3A_784 = arith.index_cast %get3A_783 : i32 to index
        %get3A_785 = arith.index_cast %mul3A_540 : i32 to index
        %get3A_786 = tpu.vector_load %arg6[%get3A_784, %get3A_785] {strides = array<i32>} : memref<64x1024xf32, #tpu.memory_space<vmem>>, vector<16xf32>,
        %add3A_787 = arith.constant 2176 : i32
        %add3A_788 = vector.broadcast %add3A_787 : i32 to vector<16xi32>
        %add3A_789 = arith.addi %get3A_541, %add3A_788 : vector<16xi32>
        tpu.vector_store_idx %arg7[%add3A_789], %get3A_786 {add = true} : memref<4160xf32, #tpu.memory_space<vmem>>[vector<16xi32>], vector<16xf32>,
        %get3A_790 = arith.constant 35 : i32
        %get3A_791 = arith.index_cast %get3A_790 : i32 to index
        %get3A_792 = arith.index_cast %mul3A_540 : i32 to index
        %get3A_793 = tpu.vector_load %arg6[%get3A_791, %get3A_792] {strides = array<i32>} : memref<64x1024xf32, #tpu.memory_space<vmem>>, vector<16xf32>,
        %add3A_794 = arith.constant 2240 : i32
        %add3A_795 = vector.broadcast %add3A_794 : i32 to vector<16xi32>
        %add3A_796 = arith.addi %get3A_541, %add3A_795 : vector<16xi32>
        tpu.vector_store_idx %arg7[%add3A_796], %get3A_793 {add = true} : memref<4160xf32, #tpu.memory_space<vmem>>[vector<16xi32>], vector<16xf32>,
        %get3A_797 = arith.constant 36 : i32
        %get3A_798 = arith.index_cast %get3A_797 : i32 to index
        %get3A_799 = arith.index_cast %mul3A_540 : i32 to index
        %get3A_800 = tpu.vector_load %arg6[%get3A_798, %get3A_799] {strides = array<i32>} : memref<64x1024xf32, #tpu.memory_space<vmem>>, vector<16xf32>,
        %add3A_801 = arith.constant 2304 : i32
        %add3A_802 = vector.broadcast %add3A_801 : i32 to vector<16xi32>
        %add3A_803 = arith.addi %get3A_541, %add3A_802 : vector<16xi32>
        tpu.vector_store_idx %arg7[%add3A_803], %get3A_800 {add = true} : memref<4160xf32, #tpu.memory_space<vmem>>[vector<16xi32>], vector<16xf32>,
        %get3A_804 = arith.constant 37 : i32
        %get3A_805 = arith.index_cast %get3A_804 : i32 to index
        %get3A_806 = arith.index_cast %mul3A_540 : i32 to index
        %get3A_807 = tpu.vector_load %arg6[%get3A_805, %get3A_806] {strides = array<i32>} : memref<64x1024xf32, #tpu.memory_space<vmem>>, vector<16xf32>,
        %add3A_808 = arith.constant 2368 : i32
        %add3A_809 = vector.broadcast %add3A_808 : i32 to vector<16xi32>
        %add3A_810 = arith.addi %get3A_541, %add3A_809 : vector<16xi32>
        tpu.vector_store_idx %arg7[%add3A_810], %get3A_807 {add = true} : memref<4160xf32, #tpu.memory_space<vmem>>[vector<16xi32>], vector<16xf32>,
        %get3A_811 = arith.constant 38 : i32
        %get3A_812 = arith.index_cast %get3A_811 : i32 to index
        %get3A_813 = arith.index_cast %mul3A_540 : i32 to index
        %get3A_814 = tpu.vector_load %arg6[%get3A_812, %get3A_813] {strides = array<i32>} : memref<64x1024xf32, #tpu.memory_space<vmem>>, vector<16xf32>,
        %add3A_815 = arith.constant 2432 : i32
        %add3A_816 = vector.broadcast %add3A_815 : i32 to vector<16xi32>
        %add3A_817 = arith.addi %get3A_541, %add3A_816 : vector<16xi32>
        tpu.vector_store_idx %arg7[%add3A_817], %get3A_814 {add = true} : memref<4160xf32, #tpu.memory_space<vmem>>[vector<16xi32>], vector<16xf32>,
        %get3A_818 = arith.constant 39 : i32
        %get3A_819 = arith.index_cast %get3A_818 : i32 to index
        %get3A_820 = arith.index_cast %mul3A_540 : i32 to index
        %get3A_821 = tpu.vector_load %arg6[%get3A_819, %get3A_820] {strides = array<i32>} : memref<64x1024xf32, #tpu.memory_space<vmem>>, vector<16xf32>,
        %add3A_822 = arith.constant 2496 : i32
        %add3A_823 = vector.broadcast %add3A_822 : i32 to vector<16xi32>
        %add3A_824 = arith.addi %get3A_541, %add3A_823 : vector<16xi32>
        tpu.vector_store_idx %arg7[%add3A_824], %get3A_821 {add = true} : memref<4160xf32, #tpu.memory_space<vmem>>[vector<16xi32>], vector<16xf32>,
        %get3A_825 = arith.constant 40 : i32
        %get3A_826 = arith.index_cast %get3A_825 : i32 to index
        %get3A_827 = arith.index_cast %mul3A_540 : i32 to index
        %get3A_828 = tpu.vector_load %arg6[%get3A_826, %get3A_827] {strides = array<i32>} : memref<64x1024xf32, #tpu.memory_space<vmem>>, vector<16xf32>,
        %add3A_829 = arith.constant 2560 : i32
        %add3A_830 = vector.broadcast %add3A_829 : i32 to vector<16xi32>
        %add3A_831 = arith.addi %get3A_541, %add3A_830 : vector<16xi32>
        tpu.vector_store_idx %arg7[%add3A_831], %get3A_828 {add = true} : memref<4160xf32, #tpu.memory_space<vmem>>[vector<16xi32>], vector<16xf32>,
        %get3A_832 = arith.constant 41 : i32
        %get3A_833 = arith.index_cast %get3A_832 : i32 to index
        %get3A_834 = arith.index_cast %mul3A_540 : i32 to index
        %get3A_835 = tpu.vector_load %arg6[%get3A_833, %get3A_834] {strides = array<i32>} : memref<64x1024xf32, #tpu.memory_space<vmem>>, vector<16xf32>,
        %add3A_836 = arith.constant 2624 : i32
        %add3A_837 = vector.broadcast %add3A_836 : i32 to vector<16xi32>
        %add3A_838 = arith.addi %get3A_541, %add3A_837 : vector<16xi32>
        tpu.vector_store_idx %arg7[%add3A_838], %get3A_835 {add = true} : memref<4160xf32, #tpu.memory_space<vmem>>[vector<16xi32>], vector<16xf32>,
        %get3A_839 = arith.constant 42 : i32
        %get3A_840 = arith.index_cast %get3A_839 : i32 to index
        %get3A_841 = arith.index_cast %mul3A_540 : i32 to index
        %get3A_842 = tpu.vector_load %arg6[%get3A_840, %get3A_841] {strides = array<i32>} : memref<64x1024xf32, #tpu.memory_space<vmem>>, vector<16xf32>,
        %add3A_843 = arith.constant 2688 : i32
        %add3A_844 = vector.broadcast %add3A_843 : i32 to vector<16xi32>
        %add3A_845 = arith.addi %get3A_541, %add3A_844 : vector<16xi32>
        tpu.vector_store_idx %arg7[%add3A_845], %get3A_842 {add = true} : memref<4160xf32, #tpu.memory_space<vmem>>[vector<16xi32>], vector<16xf32>,
        %get3A_846 = arith.constant 43 : i32
        %get3A_847 = arith.index_cast %get3A_846 : i32 to index
        %get3A_848 = arith.index_cast %mul3A_540 : i32 to index
        %get3A_849 = tpu.vector_load %arg6[%get3A_847, %get3A_848] {strides = array<i32>} : memref<64x1024xf32, #tpu.memory_space<vmem>>, vector<16xf32>,
        %add3A_850 = arith.constant 2752 : i32
        %add3A_851 = vector.broadcast %add3A_850 : i32 to vector<16xi32>
        %add3A_852 = arith.addi %get3A_541, %add3A_851 : vector<16xi32>
        tpu.vector_store_idx %arg7[%add3A_852], %get3A_849 {add = true} : memref<4160xf32, #tpu.memory_space<vmem>>[vector<16xi32>], vector<16xf32>,
        %get3A_853 = arith.constant 44 : i32
        %get3A_854 = arith.index_cast %get3A_853 : i32 to index
        %get3A_855 = arith.index_cast %mul3A_540 : i32 to index
        %get3A_856 = tpu.vector_load %arg6[%get3A_854, %get3A_855] {strides = array<i32>} : memref<64x1024xf32, #tpu.memory_space<vmem>>, vector<16xf32>,
        %add3A_857 = arith.constant 2816 : i32
        %add3A_858 = vector.broadcast %add3A_857 : i32 to vector<16xi32>
        %add3A_859 = arith.addi %get3A_541, %add3A_858 : vector<16xi32>
        tpu.vector_store_idx %arg7[%add3A_859], %get3A_856 {add = true} : memref<4160xf32, #tpu.memory_space<vmem>>[vector<16xi32>], vector<16xf32>,
        %get3A_860 = arith.constant 45 : i32
        %get3A_861 = arith.index_cast %get3A_860 : i32 to index
        %get3A_862 = arith.index_cast %mul3A_540 : i32 to index
        %get3A_863 = tpu.vector_load %arg6[%get3A_861, %get3A_862] {strides = array<i32>} : memref<64x1024xf32, #tpu.memory_space<vmem>>, vector<16xf32>,
        %add3A_864 = arith.constant 2880 : i32
        %add3A_865 = vector.broadcast %add3A_864 : i32 to vector<16xi32>
        %add3A_866 = arith.addi %get3A_541, %add3A_865 : vector<16xi32>
        tpu.vector_store_idx %arg7[%add3A_866], %get3A_863 {add = true} : memref<4160xf32, #tpu.memory_space<vmem>>[vector<16xi32>], vector<16xf32>,
        %get3A_867 = arith.constant 46 : i32
        %get3A_868 = arith.index_cast %get3A_867 : i32 to index
        %get3A_869 = arith.index_cast %mul3A_540 : i32 to index
        %get3A_870 = tpu.vector_load %arg6[%get3A_868, %get3A_869] {strides = array<i32>} : memref<64x1024xf32, #tpu.memory_space<vmem>>, vector<16xf32>,
        %add3A_871 = arith.constant 2944 : i32
        %add3A_872 = vector.broadcast %add3A_871 : i32 to vector<16xi32>
        %add3A_873 = arith.addi %get3A_541, %add3A_872 : vector<16xi32>
        tpu.vector_store_idx %arg7[%add3A_873], %get3A_870 {add = true} : memref<4160xf32, #tpu.memory_space<vmem>>[vector<16xi32>], vector<16xf32>,
        %get3A_874 = arith.constant 47 : i32
        %get3A_875 = arith.index_cast %get3A_874 : i32 to index
        %get3A_876 = arith.index_cast %mul3A_540 : i32 to index
        %get3A_877 = tpu.vector_load %arg6[%get3A_875, %get3A_876] {strides = array<i32>} : memref<64x1024xf32, #tpu.memory_space<vmem>>, vector<16xf32>,
        %add3A_878 = arith.constant 3008 : i32
        %add3A_879 = vector.broadcast %add3A_878 : i32 to vector<16xi32>
        %add3A_880 = arith.addi %get3A_541, %add3A_879 : vector<16xi32>
        tpu.vector_store_idx %arg7[%add3A_880], %get3A_877 {add = true} : memref<4160xf32, #tpu.memory_space<vmem>>[vector<16xi32>], vector<16xf32>,
        %get3A_881 = arith.constant 48 : i32
        %get3A_882 = arith.index_cast %get3A_881 : i32 to index
        %get3A_883 = arith.index_cast %mul3A_540 : i32 to index
        %get3A_884 = tpu.vector_load %arg6[%get3A_882, %get3A_883] {strides = array<i32>} : memref<64x1024xf32, #tpu.memory_space<vmem>>, vector<16xf32>,
        %add3A_885 = arith.constant 3072 : i32
        %add3A_886 = vector.broadcast %add3A_885 : i32 to vector<16xi32>
        %add3A_887 = arith.addi %get3A_541, %add3A_886 : vector<16xi32>
        tpu.vector_store_idx %arg7[%add3A_887], %get3A_884 {add = true} : memref<4160xf32, #tpu.memory_space<vmem>>[vector<16xi32>], vector<16xf32>,
        %get3A_888 = arith.constant 49 : i32
        %get3A_889 = arith.index_cast %get3A_888 : i32 to index
        %get3A_890 = arith.index_cast %mul3A_540 : i32 to index
        %get3A_891 = tpu.vector_load %arg6[%get3A_889, %get3A_890] {strides = array<i32>} : memref<64x1024xf32, #tpu.memory_space<vmem>>, vector<16xf32>,
        %add3A_892 = arith.constant 3136 : i32
        %add3A_893 = vector.broadcast %add3A_892 : i32 to vector<16xi32>
        %add3A_894 = arith.addi %get3A_541, %add3A_893 : vector<16xi32>
        tpu.vector_store_idx %arg7[%add3A_894], %get3A_891 {add = true} : memref<4160xf32, #tpu.memory_space<vmem>>[vector<16xi32>], vector<16xf32>,
        %get3A_895 = arith.constant 50 : i32
        %get3A_896 = arith.index_cast %get3A_895 : i32 to index
        %get3A_897 = arith.index_cast %mul3A_540 : i32 to index
        %get3A_898 = tpu.vector_load %arg6[%get3A_896, %get3A_897] {strides = array<i32>} : memref<64x1024xf32, #tpu.memory_space<vmem>>, vector<16xf32>,
        %add3A_899 = arith.constant 3200 : i32
        %add3A_900 = vector.broadcast %add3A_899 : i32 to vector<16xi32>
        %add3A_901 = arith.addi %get3A_541, %add3A_900 : vector<16xi32>
        tpu.vector_store_idx %arg7[%add3A_901], %get3A_898 {add = true} : memref<4160xf32, #tpu.memory_space<vmem>>[vector<16xi32>], vector<16xf32>,
        %get3A_902 = arith.constant 51 : i32
        %get3A_903 = arith.index_cast %get3A_902 : i32 to index
        %get3A_904 = arith.index_cast %mul3A_540 : i32 to index
        %get3A_905 = tpu.vector_load %arg6[%get3A_903, %get3A_904] {strides = array<i32>} : memref<64x1024xf32, #tpu.memory_space<vmem>>, vector<16xf32>,
        %add3A_906 = arith.constant 3264 : i32
        %add3A_907 = vector.broadcast %add3A_906 : i32 to vector<16xi32>
        %add3A_908 = arith.addi %get3A_541, %add3A_907 : vector<16xi32>
        tpu.vector_store_idx %arg7[%add3A_908], %get3A_905 {add = true} : memref<4160xf32, #tpu.memory_space<vmem>>[vector<16xi32>], vector<16xf32>,
        %get3A_909 = arith.constant 52 : i32
        %get3A_910 = arith.index_cast %get3A_909 : i32 to index
        %get3A_911 = arith.index_cast %mul3A_540 : i32 to index
        %get3A_912 = tpu.vector_load %arg6[%get3A_910, %get3A_911] {strides = array<i32>} : memref<64x1024xf32, #tpu.memory_space<vmem>>, vector<16xf32>,
        %add3A_913 = arith.constant 3328 : i32
        %add3A_914 = vector.broadcast %add3A_913 : i32 to vector<16xi32>
        %add3A_915 = arith.addi %get3A_541, %add3A_914 : vector<16xi32>
        tpu.vector_store_idx %arg7[%add3A_915], %get3A_912 {add = true} : memref<4160xf32, #tpu.memory_space<vmem>>[vector<16xi32>], vector<16xf32>,
        %get3A_916 = arith.constant 53 : i32
        %get3A_917 = arith.index_cast %get3A_916 : i32 to index
        %get3A_918 = arith.index_cast %mul3A_540 : i32 to index
        %get3A_919 = tpu.vector_load %arg6[%get3A_917, %get3A_918] {strides = array<i32>} : memref<64x1024xf32, #tpu.memory_space<vmem>>, vector<16xf32>,
        %add3A_920 = arith.constant 3392 : i32
        %add3A_921 = vector.broadcast %add3A_920 : i32 to vector<16xi32>
        %add3A_922 = arith.addi %get3A_541, %add3A_921 : vector<16xi32>
        tpu.vector_store_idx %arg7[%add3A_922], %get3A_919 {add = true} : memref<4160xf32, #tpu.memory_space<vmem>>[vector<16xi32>], vector<16xf32>,
        %get3A_923 = arith.constant 54 : i32
        %get3A_924 = arith.index_cast %get3A_923 : i32 to index
        %get3A_925 = arith.index_cast %mul3A_540 : i32 to index
        %get3A_926 = tpu.vector_load %arg6[%get3A_924, %get3A_925] {strides = array<i32>} : memref<64x1024xf32, #tpu.memory_space<vmem>>, vector<16xf32>,
        %add3A_927 = arith.constant 3456 : i32
        %add3A_928 = vector.broadcast %add3A_927 : i32 to vector<16xi32>
        %add3A_929 = arith.addi %get3A_541, %add3A_928 : vector<16xi32>
        tpu.vector_store_idx %arg7[%add3A_929], %get3A_926 {add = true} : memref<4160xf32, #tpu.memory_space<vmem>>[vector<16xi32>], vector<16xf32>,
        %get3A_930 = arith.constant 55 : i32
        %get3A_931 = arith.index_cast %get3A_930 : i32 to index
        %get3A_932 = arith.index_cast %mul3A_540 : i32 to index
        %get3A_933 = tpu.vector_load %arg6[%get3A_931, %get3A_932] {strides = array<i32>} : memref<64x1024xf32, #tpu.memory_space<vmem>>, vector<16xf32>,
        %add3A_934 = arith.constant 3520 : i32
        %add3A_935 = vector.broadcast %add3A_934 : i32 to vector<16xi32>
        %add3A_936 = arith.addi %get3A_541, %add3A_935 : vector<16xi32>
        tpu.vector_store_idx %arg7[%add3A_936], %get3A_933 {add = true} : memref<4160xf32, #tpu.memory_space<vmem>>[vector<16xi32>], vector<16xf32>,
        %get3A_937 = arith.constant 56 : i32
        %get3A_938 = arith.index_cast %get3A_937 : i32 to index
        %get3A_939 = arith.index_cast %mul3A_540 : i32 to index
        %get3A_940 = tpu.vector_load %arg6[%get3A_938, %get3A_939] {strides = array<i32>} : memref<64x1024xf32, #tpu.memory_space<vmem>>, vector<16xf32>,
        %add3A_941 = arith.constant 3584 : i32
        %add3A_942 = vector.broadcast %add3A_941 : i32 to vector<16xi32>
        %add3A_943 = arith.addi %get3A_541, %add3A_942 : vector<16xi32>
        tpu.vector_store_idx %arg7[%add3A_943], %get3A_940 {add = true} : memref<4160xf32, #tpu.memory_space<vmem>>[vector<16xi32>], vector<16xf32>,
        %get3A_944 = arith.constant 57 : i32
        %get3A_945 = arith.index_cast %get3A_944 : i32 to index
        %get3A_946 = arith.index_cast %mul3A_540 : i32 to index
        %get3A_947 = tpu.vector_load %arg6[%get3A_945, %get3A_946] {strides = array<i32>} : memref<64x1024xf32, #tpu.memory_space<vmem>>, vector<16xf32>,
        %add3A_948 = arith.constant 3648 : i32
        %add3A_949 = vector.broadcast %add3A_948 : i32 to vector<16xi32>
        %add3A_950 = arith.addi %get3A_541, %add3A_949 : vector<16xi32>
        tpu.vector_store_idx %arg7[%add3A_950], %get3A_947 {add = true} : memref<4160xf32, #tpu.memory_space<vmem>>[vector<16xi32>], vector<16xf32>,
        %get3A_951 = arith.constant 58 : i32
        %get3A_952 = arith.index_cast %get3A_951 : i32 to index
        %get3A_953 = arith.index_cast %mul3A_540 : i32 to index
        %get3A_954 = tpu.vector_load %arg6[%get3A_952, %get3A_953] {strides = array<i32>} : memref<64x1024xf32, #tpu.memory_space<vmem>>, vector<16xf32>,
        %add3A_955 = arith.constant 3712 : i32
        %add3A_956 = vector.broadcast %add3A_955 : i32 to vector<16xi32>
        %add3A_957 = arith.addi %get3A_541, %add3A_956 : vector<16xi32>
        tpu.vector_store_idx %arg7[%add3A_957], %get3A_954 {add = true} : memref<4160xf32, #tpu.memory_space<vmem>>[vector<16xi32>], vector<16xf32>,
        %get3A_958 = arith.constant 59 : i32
        %get3A_959 = arith.index_cast %get3A_958 : i32 to index
        %get3A_960 = arith.index_cast %mul3A_540 : i32 to index
        %get3A_961 = tpu.vector_load %arg6[%get3A_959, %get3A_960] {strides = array<i32>} : memref<64x1024xf32, #tpu.memory_space<vmem>>, vector<16xf32>,
        %add3A_962 = arith.constant 3776 : i32
        %add3A_963 = vector.broadcast %add3A_962 : i32 to vector<16xi32>
        %add3A_964 = arith.addi %get3A_541, %add3A_963 : vector<16xi32>
        tpu.vector_store_idx %arg7[%add3A_964], %get3A_961 {add = true} : memref<4160xf32, #tpu.memory_space<vmem>>[vector<16xi32>], vector<16xf32>,
        %get3A_965 = arith.constant 60 : i32
        %get3A_966 = arith.index_cast %get3A_965 : i32 to index
        %get3A_967 = arith.index_cast %mul3A_540 : i32 to index
        %get3A_968 = tpu.vector_load %arg6[%get3A_966, %get3A_967] {strides = array<i32>} : memref<64x1024xf32, #tpu.memory_space<vmem>>, vector<16xf32>,
        %add3A_969 = arith.constant 3840 : i32
        %add3A_970 = vector.broadcast %add3A_969 : i32 to vector<16xi32>
        %add3A_971 = arith.addi %get3A_541, %add3A_970 : vector<16xi32>
        tpu.vector_store_idx %arg7[%add3A_971], %get3A_968 {add = true} : memref<4160xf32, #tpu.memory_space<vmem>>[vector<16xi32>], vector<16xf32>,
        %get3A_972 = arith.constant 61 : i32
        %get3A_973 = arith.index_cast %get3A_972 : i32 to index
        %get3A_974 = arith.index_cast %mul3A_540 : i32 to index
        %get3A_975 = tpu.vector_load %arg6[%get3A_973, %get3A_974] {strides = array<i32>} : memref<64x1024xf32, #tpu.memory_space<vmem>>, vector<16xf32>,
        %add3A_976 = arith.constant 3904 : i32
        %add3A_977 = vector.broadcast %add3A_976 : i32 to vector<16xi32>
        %add3A_978 = arith.addi %get3A_541, %add3A_977 : vector<16xi32>
        tpu.vector_store_idx %arg7[%add3A_978], %get3A_975 {add = true} : memref<4160xf32, #tpu.memory_space<vmem>>[vector<16xi32>], vector<16xf32>,
        %get3A_979 = arith.constant 62 : i32
        %get3A_980 = arith.index_cast %get3A_979 : i32 to index
        %get3A_981 = arith.index_cast %mul3A_540 : i32 to index
        %get3A_982 = tpu.vector_load %arg6[%get3A_980, %get3A_981] {strides = array<i32>} : memref<64x1024xf32, #tpu.memory_space<vmem>>, vector<16xf32>,
        %add3A_983 = arith.constant 3968 : i32
        %add3A_984 = vector.broadcast %add3A_983 : i32 to vector<16xi32>
        %add3A_985 = arith.addi %get3A_541, %add3A_984 : vector<16xi32>
        tpu.vector_store_idx %arg7[%add3A_985], %get3A_982 {add = true} : memref<4160xf32, #tpu.memory_space<vmem>>[vector<16xi32>], vector<16xf32>,
        %get3A_986 = arith.constant 63 : i32
        %get3A_987 = arith.index_cast %get3A_986 : i32 to index
        %get3A_988 = arith.index_cast %mul3A_540 : i32 to index
        %get3A_989 = tpu.vector_load %arg6[%get3A_987, %get3A_988] {strides = array<i32>} : memref<64x1024xf32, #tpu.memory_space<vmem>>, vector<16xf32>,
        %add3A_990 = arith.constant 4032 : i32
        %add3A_991 = vector.broadcast %add3A_990 : i32 to vector<16xi32>
        %add3A_992 = arith.addi %get3A_541, %add3A_991 : vector<16xi32>
        tpu.vector_store_idx %arg7[%add3A_992], %get3A_989 {add = true} : memref<4160xf32, #tpu.memory_space<vmem>>[vector<16xi32>], vector<16xf32>,
      }
      %scan3A_537 = arith.constant 64 : i32
      "tpu.region"() ({
        %run_scoped3A = tpu.sem_alloc : memref<!tpu.dma_semaphore, #tpu.memory_space<semaphore_mem>>
        %dma_start3A = arith.constant 0 : i32
        %dma_start3A_538 = tpu.memref_slice %arg4[%add3A_12, %dma_start3A] : memref<1024x4160xf32, #tpu.memory_space<hbm>> -> memref<1x4160xf32, #tpu.memory_space<hbm>>
        %dma_start3A_539 = tpu.memref_squeeze %dma_start3A_538 : memref<1x4160xf32, #tpu.memory_space<hbm>> -> memref<4160xf32, #tpu.memory_space<hbm>>
        %dma_start3A_540 = arith.constant 0 : i32
        %dma_start3A_541 = tpu.memref_slice %arg4[%add3A_12, %dma_start3A_540] : memref<1024x4160xf32, #tpu.memory_space<hbm>> -> memref<1x4160xf32, #tpu.memory_space<hbm>>
        %dma_start3A_542 = tpu.memref_squeeze %dma_start3A_541 : memref<1x4160xf32, #tpu.memory_space<hbm>> -> memref<4160xf32, #tpu.memory_space<hbm>>
        tpu.enqueue_dma source(%arg7 : memref<4160xf32, #tpu.memory_space<vmem>>) target(%dma_start3A_542 : memref<4160xf32, #tpu.memory_space<hbm>>) target_semaphore(%run_scoped3A : memref<!tpu.dma_semaphore, #tpu.memory_space<semaphore_mem>>)
        %dma_wait3A = arith.constant 0 : i32
        %dma_wait3A_543 = tpu.memref_slice %arg4[%add3A_12, %dma_wait3A] : memref<1024x4160xf32, #tpu.memory_space<hbm>> -> memref<1x4160xf32, #tpu.memory_space<hbm>>
        %dma_wait3A_544 = tpu.memref_squeeze %dma_wait3A_543 : memref<1x4160xf32, #tpu.memory_space<hbm>> -> memref<4160xf32, #tpu.memory_space<hbm>>
        %dma_wait3A_545 = arith.constant 0 : i32
        %dma_wait3A_546 = tpu.memref_slice %arg4[%add3A_12, %dma_wait3A_545] : memref<1024x4160xf32, #tpu.memory_space<hbm>> -> memref<1x4160xf32, #tpu.memory_space<hbm>>
        %dma_wait3A_547 = tpu.memref_squeeze %dma_wait3A_546 : memref<1x4160xf32, #tpu.memory_space<hbm>> -> memref<4160xf32, #tpu.memory_space<hbm>>
        tpu.wait_dma2 semaphore(%run_scoped3A : memref<!tpu.dma_semaphore, #tpu.memory_space<semaphore_mem>>) src(%arg7 : memref<4160xf32, #tpu.memory_space<vmem>>) dst(%dma_wait3A_547 : memref<4160xf32, #tpu.memory_space<hbm>>)
        tpu.yield
      }) : () -> ()
    }
    %scan3A_8 = arith.constant 32 : i32
    return
  }
}

module attributes {stable_mosaic.version = 14 : i64} {
  func.func @_bin_kernel(%arg0: i32, %arg1: memref<256x1xf32, #tpu.memory_space<vmem>>, %arg2: memref<256x1xf32, #tpu.memory_space<vmem>>, %arg3: memref<1x1024xf32, #tpu.memory_space<vmem>>, %arg4: memref<1x1024xf32, #tpu.memory_space<vmem>>, %arg5: memref<256x1024xi32, #tpu.memory_space<vmem>>) attributes {dimension_semantics = [#tpu.dimension_semantics<arbitrary>], iteration_bounds = array<i64: 4>, scalar_prefetch = 0 : i64, scratch_operands = 0 : i64, tpu.core_type = #tpu.core_type<tc>, window_params = [{transform_indices = @transform_0, window_bounds = array<i64: 256, 1>}, {transform_indices = @transform_1, window_bounds = array<i64: 256, 1>}, {pipeline_mode = #tpu.pipeline_mode<synchronous>, transform_indices = @transform_2, window_bounds = array<i64: 1, 1024>}, {pipeline_mode = #tpu.pipeline_mode<synchronous>, transform_indices = @transform_3, window_bounds = array<i64: 1, 1024>}, {transform_indices = @transform_4, window_bounds = array<i64: 256, 1024>}]} {
    %get3A = arith.constant 0 : index
    %get3A_0 = arith.constant 0 : index
    %get3A_1 = vector.load %arg1[%get3A, %get3A_0] : memref<256x1xf32, #tpu.memory_space<vmem>>, vector<256x1xf32>
    %get3A_2 = arith.constant 0 : index
    %get3A_3 = arith.constant 0 : index
    %get3A_4 = vector.load %arg2[%get3A_2, %get3A_3] : memref<256x1xf32, #tpu.memory_space<vmem>>, vector<256x1xf32>
    %get3A_5 = arith.constant 0 : index
    %get3A_6 = arith.constant 0 : index
    %get3A_7 = vector.load %arg3[%get3A_5, %get3A_6] : memref<1x1024xf32, #tpu.memory_space<vmem>>, vector<1x1024xf32>
    %get3A_8 = arith.constant 0 : index
    %get3A_9 = arith.constant 0 : index
    %get3A_10 = vector.load %arg4[%get3A_8, %get3A_9] : memref<1x1024xf32, #tpu.memory_space<vmem>>, vector<1x1024xf32>
    %sub3A = vector.broadcast %get3A_7 : vector<1x1024xf32> to vector<256x1024xf32>
    %sub3A_11 = vector.broadcast %get3A_1 : vector<256x1xf32> to vector<256x1024xf32>
    %sub3A_12 = arith.subf %sub3A, %sub3A_11 : vector<256x1024xf32>
    %sub3A_13 = vector.broadcast %get3A_10 : vector<1x1024xf32> to vector<256x1024xf32>
    %sub3A_14 = vector.broadcast %get3A_4 : vector<256x1xf32> to vector<256x1024xf32>
    %sub3A_15 = arith.subf %sub3A_13, %sub3A_14 : vector<256x1024xf32>
    %mul3A = arith.mulf %sub3A_12, %sub3A_12 : vector<256x1024xf32>
    %mul3A_16 = arith.mulf %sub3A_15, %sub3A_15 : vector<256x1024xf32>
    %add3A = arith.addf %mul3A, %mul3A_16 : vector<256x1024xf32>
    %sqrt3A = math.sqrt %add3A : vector<256x1024xf32>
    %div3A = arith.constant 1.000000e-01 : f32
    %div3A_17 = vector.broadcast %div3A : f32 to vector<256x1024xf32>
    %div3A_18 = arith.divf %sqrt3A, %div3A_17 : vector<256x1024xf32>
    %log3A = math.log %div3A_18 : vector<256x1024xf32>
    %div3A_19 = arith.constant 4.60517025 : f32
    %div3A_20 = vector.broadcast %div3A_19 : f32 to vector<256x1024xf32>
    %div3A_21 = arith.divf %log3A, %div3A_20 : vector<256x1024xf32>
    %mul3A_22 = arith.constant 5.000000e+00 : f32
    %mul3A_23 = vector.broadcast %mul3A_22 : f32 to vector<256x1024xf32>
    %mul3A_24 = arith.mulf %mul3A_23, %div3A_21 : vector<256x1024xf32>
    %floor3A = math.floor %mul3A_24 : vector<256x1024xf32>
    %ge3A = arith.constant 1.000000e-01 : f32
    %ge3A_25 = vector.broadcast %ge3A : f32 to vector<256x1024xf32>
    %ge3A_26 = arith.cmpf oge, %sqrt3A, %ge3A_25 : vector<256x1024xf32>
    %lt3A = arith.constant 6.000000e+00 : f32
    %lt3A_27 = vector.broadcast %lt3A : f32 to vector<256x1024xf32>
    %lt3A_28 = arith.cmpf olt, %floor3A, %lt3A_27 : vector<256x1024xf32>
    %and3A = arith.andi %ge3A_26, %lt3A_28 : vector<256x1024xi1>
    %jit3A = arith.constant 0.000000e+00 : f32
    %jit3A_29 = arith.constant 5 : i32
    %max3A = vector.broadcast %jit3A : f32 to vector<256x1024xf32>
    %max3A_30 = arith.maximumf %max3A, %floor3A : vector<256x1024xf32>
    %convert_element_type3A = arith.sitofp %jit3A_29 : i32 to f32
    %min3A = vector.broadcast %convert_element_type3A : f32 to vector<256x1024xf32>
    %min3A_31 = arith.minimumf %min3A, %max3A_30 : vector<256x1024xf32>
    %atan23A = math.atan2 %sub3A_15, %sub3A_12 : vector<256x1024xf32>
    %mul3A_32 = arith.constant 8.000000e+00 : f32
    %mul3A_33 = vector.broadcast %mul3A_32 : f32 to vector<256x1024xf32>
    %mul3A_34 = arith.mulf %atan23A, %mul3A_33 : vector<256x1024xf32>
    %div3A_35 = arith.constant 6.28318548 : f32
    %div3A_36 = vector.broadcast %div3A_35 : f32 to vector<256x1024xf32>
    %div3A_37 = arith.divf %mul3A_34, %div3A_36 : vector<256x1024xf32>
    %add3A_38 = arith.constant 3.000000e+00 : f32
    %add3A_39 = vector.broadcast %add3A_38 : f32 to vector<256x1024xf32>
    %add3A_40 = arith.addf %div3A_37, %add3A_39 : vector<256x1024xf32>
    %lt3A_41 = arith.constant 0.000000e+00 : f32
    %lt3A_42 = vector.broadcast %lt3A_41 : f32 to vector<256x1024xf32>
    %lt3A_43 = arith.cmpf olt, %add3A_40, %lt3A_42 : vector<256x1024xf32>
    %ceil3A = math.ceil %add3A_40 : vector<256x1024xf32>
    %floor3A_44 = math.floor %add3A_40 : vector<256x1024xf32>
    %select_n3A = arith.select %lt3A_43, %ceil3A, %floor3A_44 : vector<256x1024xi1>, vector<256x1024xf32>
    %mul3A_45 = arith.constant 8.000000e+00 : f32
    %mul3A_46 = vector.broadcast %mul3A_45 : f32 to vector<256x1024xf32>
    %mul3A_47 = arith.mulf %min3A_31, %mul3A_46 : vector<256x1024xf32>
    %add3A_48 = arith.addf %mul3A_47, %select_n3A : vector<256x1024xf32>
    %jit3A_49 = arith.constant 4.800000e+01 : f32
    %broadcast_in_dim3A = vector.broadcast %jit3A_49 : f32 to vector<256x1024xf32>
    %select_n3A_50 = arith.select %and3A, %add3A_48, %broadcast_in_dim3A : vector<256x1024xi1>, vector<256x1024xf32>
    %convert_element_type3A_51 = arith.fptosi %select_n3A_50 : vector<256x1024xf32> to vector<256x1024xi32>
    %swap3A = arith.constant 0 : index
    %swap3A_52 = arith.constant 0 : index
    %swap3A_53 = vector.load %arg5[%swap3A, %swap3A_52] : memref<256x1024xi32, #tpu.memory_space<vmem>>, vector<256x1024xi32>
    tpu.vector_store %arg5[%swap3A, %swap3A_52], %convert_element_type3A_51 {strides = array<i32>} : memref<256x1024xi32, #tpu.memory_space<vmem>>, vector<256x1024xi32>,
    return
  }
  func.func @transform_0(%arg0: i32) -> (i32, i32) {
    %c0_i32 = arith.constant 0 : i32
    %c0_i32_0 = arith.constant 0 : i32
    return %arg0, %c0_i32 : i32, i32
  }
  func.func @transform_1(%arg0: i32) -> (i32, i32) {
    %c0_i32 = arith.constant 0 : i32
    %c0_i32_0 = arith.constant 0 : i32
    return %arg0, %c0_i32 : i32, i32
  }
  func.func @transform_2(%arg0: i32) -> (i32, i32) {
    %c0_i32 = arith.constant 0 : i32
    %c0_i32_0 = arith.constant 0 : i32
    %c0_i32_1 = arith.constant 0 : i32
    return %c0_i32, %c0_i32_0 : i32, i32
  }
  func.func @transform_3(%arg0: i32) -> (i32, i32) {
    %c0_i32 = arith.constant 0 : i32
    %c0_i32_0 = arith.constant 0 : i32
    %c0_i32_1 = arith.constant 0 : i32
    return %c0_i32, %c0_i32_0 : i32, i32
  }
  func.func @transform_4(%arg0: i32) -> (i32, i32) {
    %c0_i32 = arith.constant 0 : i32
    %c0_i32_0 = arith.constant 0 : i32
    return %arg0, %c0_i32 : i32, i32
  }
}

module attributes {stable_mosaic.version = 14 : i64} {
  func.func @_fc_kernel(%arg0: i32, %arg1: memref<256x4160xf32, #tpu.memory_space<vmem>>, %arg2: memref<4096x64xbf16, #tpu.memory_space<vmem>>, %arg3: memref<1x64xf32, #tpu.memory_space<vmem>>, %arg4: memref<256x64xf32, #tpu.memory_space<vmem>>) attributes {dimension_semantics = [#tpu.dimension_semantics<arbitrary>], iteration_bounds = array<i64: 4>, scalar_prefetch = 0 : i64, scratch_operands = 0 : i64, tpu.core_type = #tpu.core_type<tc>, window_params = [{transform_indices = @transform_0, window_bounds = array<i64: 256, 4160>}, {pipeline_mode = #tpu.pipeline_mode<synchronous>, transform_indices = @transform_1, window_bounds = array<i64: 4096, 64>}, {pipeline_mode = #tpu.pipeline_mode<synchronous>, transform_indices = @transform_2, window_bounds = array<i64: 1, 64>}, {transform_indices = @transform_3, window_bounds = array<i64: 256, 64>}]} {
    %get3A = arith.constant 0 : index
    %get3A_0 = arith.constant 4096 : index
    %get3A_1 = vector.load %arg1[%get3A, %get3A_0] : memref<256x4160xf32, #tpu.memory_space<vmem>>, vector<256x64xf32>
    %max3A = arith.constant 1.000000e+00 : f32
    %max3A_2 = vector.broadcast %max3A : f32 to vector<256x64xf32>
    %max3A_3 = arith.maximumf %get3A_1, %max3A_2 : vector<256x64xf32>
    %div3A = arith.constant 1.000000e+00 : f32
    %div3A_4 = vector.broadcast %div3A : f32 to vector<256x64xf32>
    %div3A_5 = arith.divf %div3A_4, %max3A_3 : vector<256x64xf32>
    %get3A_6 = arith.constant 0 : index
    %get3A_7 = arith.constant 0 : index
    %get3A_8 = vector.load %arg1[%get3A_6, %get3A_7] : memref<256x4160xf32, #tpu.memory_space<vmem>>, vector<256x64xf32>
    %mul3A = arith.mulf %get3A_8, %div3A_5 : vector<256x64xf32>
    %convert_element_type3A = arith.truncf %mul3A : vector<256x64xf32> to vector<256x64xbf16>
    %get3A_9 = arith.constant 0 : index
    %get3A_10 = arith.constant 64 : index
    %get3A_11 = vector.load %arg1[%get3A_9, %get3A_10] : memref<256x4160xf32, #tpu.memory_space<vmem>>, vector<256x64xf32>
    %mul3A_12 = arith.mulf %get3A_11, %div3A_5 : vector<256x64xf32>
    %convert_element_type3A_13 = arith.truncf %mul3A_12 : vector<256x64xf32> to vector<256x64xbf16>
    %get3A_14 = arith.constant 0 : index
    %get3A_15 = arith.constant 128 : index
    %get3A_16 = vector.load %arg1[%get3A_14, %get3A_15] : memref<256x4160xf32, #tpu.memory_space<vmem>>, vector<256x64xf32>
    %mul3A_17 = arith.mulf %get3A_16, %div3A_5 : vector<256x64xf32>
    %convert_element_type3A_18 = arith.truncf %mul3A_17 : vector<256x64xf32> to vector<256x64xbf16>
    %get3A_19 = arith.constant 0 : index
    %get3A_20 = arith.constant 192 : index
    %get3A_21 = vector.load %arg1[%get3A_19, %get3A_20] : memref<256x4160xf32, #tpu.memory_space<vmem>>, vector<256x64xf32>
    %mul3A_22 = arith.mulf %get3A_21, %div3A_5 : vector<256x64xf32>
    %convert_element_type3A_23 = arith.truncf %mul3A_22 : vector<256x64xf32> to vector<256x64xbf16>
    %get3A_24 = arith.constant 0 : index
    %get3A_25 = arith.constant 256 : index
    %get3A_26 = vector.load %arg1[%get3A_24, %get3A_25] : memref<256x4160xf32, #tpu.memory_space<vmem>>, vector<256x64xf32>
    %mul3A_27 = arith.mulf %get3A_26, %div3A_5 : vector<256x64xf32>
    %convert_element_type3A_28 = arith.truncf %mul3A_27 : vector<256x64xf32> to vector<256x64xbf16>
    %get3A_29 = arith.constant 0 : index
    %get3A_30 = arith.constant 320 : index
    %get3A_31 = vector.load %arg1[%get3A_29, %get3A_30] : memref<256x4160xf32, #tpu.memory_space<vmem>>, vector<256x64xf32>
    %mul3A_32 = arith.mulf %get3A_31, %div3A_5 : vector<256x64xf32>
    %convert_element_type3A_33 = arith.truncf %mul3A_32 : vector<256x64xf32> to vector<256x64xbf16>
    %get3A_34 = arith.constant 0 : index
    %get3A_35 = arith.constant 384 : index
    %get3A_36 = vector.load %arg1[%get3A_34, %get3A_35] : memref<256x4160xf32, #tpu.memory_space<vmem>>, vector<256x64xf32>
    %mul3A_37 = arith.mulf %get3A_36, %div3A_5 : vector<256x64xf32>
    %convert_element_type3A_38 = arith.truncf %mul3A_37 : vector<256x64xf32> to vector<256x64xbf16>
    %get3A_39 = arith.constant 0 : index
    %get3A_40 = arith.constant 448 : index
    %get3A_41 = vector.load %arg1[%get3A_39, %get3A_40] : memref<256x4160xf32, #tpu.memory_space<vmem>>, vector<256x64xf32>
    %mul3A_42 = arith.mulf %get3A_41, %div3A_5 : vector<256x64xf32>
    %convert_element_type3A_43 = arith.truncf %mul3A_42 : vector<256x64xf32> to vector<256x64xbf16>
    %get3A_44 = arith.constant 0 : index
    %get3A_45 = arith.constant 512 : index
    %get3A_46 = vector.load %arg1[%get3A_44, %get3A_45] : memref<256x4160xf32, #tpu.memory_space<vmem>>, vector<256x64xf32>
    %mul3A_47 = arith.mulf %get3A_46, %div3A_5 : vector<256x64xf32>
    %convert_element_type3A_48 = arith.truncf %mul3A_47 : vector<256x64xf32> to vector<256x64xbf16>
    %get3A_49 = arith.constant 0 : index
    %get3A_50 = arith.constant 576 : index
    %get3A_51 = vector.load %arg1[%get3A_49, %get3A_50] : memref<256x4160xf32, #tpu.memory_space<vmem>>, vector<256x64xf32>
    %mul3A_52 = arith.mulf %get3A_51, %div3A_5 : vector<256x64xf32>
    %convert_element_type3A_53 = arith.truncf %mul3A_52 : vector<256x64xf32> to vector<256x64xbf16>
    %get3A_54 = arith.constant 0 : index
    %get3A_55 = arith.constant 640 : index
    %get3A_56 = vector.load %arg1[%get3A_54, %get3A_55] : memref<256x4160xf32, #tpu.memory_space<vmem>>, vector<256x64xf32>
    %mul3A_57 = arith.mulf %get3A_56, %div3A_5 : vector<256x64xf32>
    %convert_element_type3A_58 = arith.truncf %mul3A_57 : vector<256x64xf32> to vector<256x64xbf16>
    %get3A_59 = arith.constant 0 : index
    %get3A_60 = arith.constant 704 : index
    %get3A_61 = vector.load %arg1[%get3A_59, %get3A_60] : memref<256x4160xf32, #tpu.memory_space<vmem>>, vector<256x64xf32>
    %mul3A_62 = arith.mulf %get3A_61, %div3A_5 : vector<256x64xf32>
    %convert_element_type3A_63 = arith.truncf %mul3A_62 : vector<256x64xf32> to vector<256x64xbf16>
    %get3A_64 = arith.constant 0 : index
    %get3A_65 = arith.constant 768 : index
    %get3A_66 = vector.load %arg1[%get3A_64, %get3A_65] : memref<256x4160xf32, #tpu.memory_space<vmem>>, vector<256x64xf32>
    %mul3A_67 = arith.mulf %get3A_66, %div3A_5 : vector<256x64xf32>
    %convert_element_type3A_68 = arith.truncf %mul3A_67 : vector<256x64xf32> to vector<256x64xbf16>
    %get3A_69 = arith.constant 0 : index
    %get3A_70 = arith.constant 832 : index
    %get3A_71 = vector.load %arg1[%get3A_69, %get3A_70] : memref<256x4160xf32, #tpu.memory_space<vmem>>, vector<256x64xf32>
    %mul3A_72 = arith.mulf %get3A_71, %div3A_5 : vector<256x64xf32>
    %convert_element_type3A_73 = arith.truncf %mul3A_72 : vector<256x64xf32> to vector<256x64xbf16>
    %get3A_74 = arith.constant 0 : index
    %get3A_75 = arith.constant 896 : index
    %get3A_76 = vector.load %arg1[%get3A_74, %get3A_75] : memref<256x4160xf32, #tpu.memory_space<vmem>>, vector<256x64xf32>
    %mul3A_77 = arith.mulf %get3A_76, %div3A_5 : vector<256x64xf32>
    %convert_element_type3A_78 = arith.truncf %mul3A_77 : vector<256x64xf32> to vector<256x64xbf16>
    %get3A_79 = arith.constant 0 : index
    %get3A_80 = arith.constant 960 : index
    %get3A_81 = vector.load %arg1[%get3A_79, %get3A_80] : memref<256x4160xf32, #tpu.memory_space<vmem>>, vector<256x64xf32>
    %mul3A_82 = arith.mulf %get3A_81, %div3A_5 : vector<256x64xf32>
    %convert_element_type3A_83 = arith.truncf %mul3A_82 : vector<256x64xf32> to vector<256x64xbf16>
    %get3A_84 = arith.constant 0 : index
    %get3A_85 = arith.constant 1024 : index
    %get3A_86 = vector.load %arg1[%get3A_84, %get3A_85] : memref<256x4160xf32, #tpu.memory_space<vmem>>, vector<256x64xf32>
    %mul3A_87 = arith.mulf %get3A_86, %div3A_5 : vector<256x64xf32>
    %convert_element_type3A_88 = arith.truncf %mul3A_87 : vector<256x64xf32> to vector<256x64xbf16>
    %get3A_89 = arith.constant 0 : index
    %get3A_90 = arith.constant 1088 : index
    %get3A_91 = vector.load %arg1[%get3A_89, %get3A_90] : memref<256x4160xf32, #tpu.memory_space<vmem>>, vector<256x64xf32>
    %mul3A_92 = arith.mulf %get3A_91, %div3A_5 : vector<256x64xf32>
    %convert_element_type3A_93 = arith.truncf %mul3A_92 : vector<256x64xf32> to vector<256x64xbf16>
    %get3A_94 = arith.constant 0 : index
    %get3A_95 = arith.constant 1152 : index
    %get3A_96 = vector.load %arg1[%get3A_94, %get3A_95] : memref<256x4160xf32, #tpu.memory_space<vmem>>, vector<256x64xf32>
    %mul3A_97 = arith.mulf %get3A_96, %div3A_5 : vector<256x64xf32>
    %convert_element_type3A_98 = arith.truncf %mul3A_97 : vector<256x64xf32> to vector<256x64xbf16>
    %get3A_99 = arith.constant 0 : index
    %get3A_100 = arith.constant 1216 : index
    %get3A_101 = vector.load %arg1[%get3A_99, %get3A_100] : memref<256x4160xf32, #tpu.memory_space<vmem>>, vector<256x64xf32>
    %mul3A_102 = arith.mulf %get3A_101, %div3A_5 : vector<256x64xf32>
    %convert_element_type3A_103 = arith.truncf %mul3A_102 : vector<256x64xf32> to vector<256x64xbf16>
    %get3A_104 = arith.constant 0 : index
    %get3A_105 = arith.constant 1280 : index
    %get3A_106 = vector.load %arg1[%get3A_104, %get3A_105] : memref<256x4160xf32, #tpu.memory_space<vmem>>, vector<256x64xf32>
    %mul3A_107 = arith.mulf %get3A_106, %div3A_5 : vector<256x64xf32>
    %convert_element_type3A_108 = arith.truncf %mul3A_107 : vector<256x64xf32> to vector<256x64xbf16>
    %get3A_109 = arith.constant 0 : index
    %get3A_110 = arith.constant 1344 : index
    %get3A_111 = vector.load %arg1[%get3A_109, %get3A_110] : memref<256x4160xf32, #tpu.memory_space<vmem>>, vector<256x64xf32>
    %mul3A_112 = arith.mulf %get3A_111, %div3A_5 : vector<256x64xf32>
    %convert_element_type3A_113 = arith.truncf %mul3A_112 : vector<256x64xf32> to vector<256x64xbf16>
    %get3A_114 = arith.constant 0 : index
    %get3A_115 = arith.constant 1408 : index
    %get3A_116 = vector.load %arg1[%get3A_114, %get3A_115] : memref<256x4160xf32, #tpu.memory_space<vmem>>, vector<256x64xf32>
    %mul3A_117 = arith.mulf %get3A_116, %div3A_5 : vector<256x64xf32>
    %convert_element_type3A_118 = arith.truncf %mul3A_117 : vector<256x64xf32> to vector<256x64xbf16>
    %get3A_119 = arith.constant 0 : index
    %get3A_120 = arith.constant 1472 : index
    %get3A_121 = vector.load %arg1[%get3A_119, %get3A_120] : memref<256x4160xf32, #tpu.memory_space<vmem>>, vector<256x64xf32>
    %mul3A_122 = arith.mulf %get3A_121, %div3A_5 : vector<256x64xf32>
    %convert_element_type3A_123 = arith.truncf %mul3A_122 : vector<256x64xf32> to vector<256x64xbf16>
    %get3A_124 = arith.constant 0 : index
    %get3A_125 = arith.constant 1536 : index
    %get3A_126 = vector.load %arg1[%get3A_124, %get3A_125] : memref<256x4160xf32, #tpu.memory_space<vmem>>, vector<256x64xf32>
    %mul3A_127 = arith.mulf %get3A_126, %div3A_5 : vector<256x64xf32>
    %convert_element_type3A_128 = arith.truncf %mul3A_127 : vector<256x64xf32> to vector<256x64xbf16>
    %get3A_129 = arith.constant 0 : index
    %get3A_130 = arith.constant 1600 : index
    %get3A_131 = vector.load %arg1[%get3A_129, %get3A_130] : memref<256x4160xf32, #tpu.memory_space<vmem>>, vector<256x64xf32>
    %mul3A_132 = arith.mulf %get3A_131, %div3A_5 : vector<256x64xf32>
    %convert_element_type3A_133 = arith.truncf %mul3A_132 : vector<256x64xf32> to vector<256x64xbf16>
    %get3A_134 = arith.constant 0 : index
    %get3A_135 = arith.constant 1664 : index
    %get3A_136 = vector.load %arg1[%get3A_134, %get3A_135] : memref<256x4160xf32, #tpu.memory_space<vmem>>, vector<256x64xf32>
    %mul3A_137 = arith.mulf %get3A_136, %div3A_5 : vector<256x64xf32>
    %convert_element_type3A_138 = arith.truncf %mul3A_137 : vector<256x64xf32> to vector<256x64xbf16>
    %get3A_139 = arith.constant 0 : index
    %get3A_140 = arith.constant 1728 : index
    %get3A_141 = vector.load %arg1[%get3A_139, %get3A_140] : memref<256x4160xf32, #tpu.memory_space<vmem>>, vector<256x64xf32>
    %mul3A_142 = arith.mulf %get3A_141, %div3A_5 : vector<256x64xf32>
    %convert_element_type3A_143 = arith.truncf %mul3A_142 : vector<256x64xf32> to vector<256x64xbf16>
    %get3A_144 = arith.constant 0 : index
    %get3A_145 = arith.constant 1792 : index
    %get3A_146 = vector.load %arg1[%get3A_144, %get3A_145] : memref<256x4160xf32, #tpu.memory_space<vmem>>, vector<256x64xf32>
    %mul3A_147 = arith.mulf %get3A_146, %div3A_5 : vector<256x64xf32>
    %convert_element_type3A_148 = arith.truncf %mul3A_147 : vector<256x64xf32> to vector<256x64xbf16>
    %get3A_149 = arith.constant 0 : index
    %get3A_150 = arith.constant 1856 : index
    %get3A_151 = vector.load %arg1[%get3A_149, %get3A_150] : memref<256x4160xf32, #tpu.memory_space<vmem>>, vector<256x64xf32>
    %mul3A_152 = arith.mulf %get3A_151, %div3A_5 : vector<256x64xf32>
    %convert_element_type3A_153 = arith.truncf %mul3A_152 : vector<256x64xf32> to vector<256x64xbf16>
    %get3A_154 = arith.constant 0 : index
    %get3A_155 = arith.constant 1920 : index
    %get3A_156 = vector.load %arg1[%get3A_154, %get3A_155] : memref<256x4160xf32, #tpu.memory_space<vmem>>, vector<256x64xf32>
    %mul3A_157 = arith.mulf %get3A_156, %div3A_5 : vector<256x64xf32>
    %convert_element_type3A_158 = arith.truncf %mul3A_157 : vector<256x64xf32> to vector<256x64xbf16>
    %get3A_159 = arith.constant 0 : index
    %get3A_160 = arith.constant 1984 : index
    %get3A_161 = vector.load %arg1[%get3A_159, %get3A_160] : memref<256x4160xf32, #tpu.memory_space<vmem>>, vector<256x64xf32>
    %mul3A_162 = arith.mulf %get3A_161, %div3A_5 : vector<256x64xf32>
    %convert_element_type3A_163 = arith.truncf %mul3A_162 : vector<256x64xf32> to vector<256x64xbf16>
    %get3A_164 = arith.constant 0 : index
    %get3A_165 = arith.constant 2048 : index
    %get3A_166 = vector.load %arg1[%get3A_164, %get3A_165] : memref<256x4160xf32, #tpu.memory_space<vmem>>, vector<256x64xf32>
    %mul3A_167 = arith.mulf %get3A_166, %div3A_5 : vector<256x64xf32>
    %convert_element_type3A_168 = arith.truncf %mul3A_167 : vector<256x64xf32> to vector<256x64xbf16>
    %get3A_169 = arith.constant 0 : index
    %get3A_170 = arith.constant 2112 : index
    %get3A_171 = vector.load %arg1[%get3A_169, %get3A_170] : memref<256x4160xf32, #tpu.memory_space<vmem>>, vector<256x64xf32>
    %mul3A_172 = arith.mulf %get3A_171, %div3A_5 : vector<256x64xf32>
    %convert_element_type3A_173 = arith.truncf %mul3A_172 : vector<256x64xf32> to vector<256x64xbf16>
    %get3A_174 = arith.constant 0 : index
    %get3A_175 = arith.constant 2176 : index
    %get3A_176 = vector.load %arg1[%get3A_174, %get3A_175] : memref<256x4160xf32, #tpu.memory_space<vmem>>, vector<256x64xf32>
    %mul3A_177 = arith.mulf %get3A_176, %div3A_5 : vector<256x64xf32>
    %convert_element_type3A_178 = arith.truncf %mul3A_177 : vector<256x64xf32> to vector<256x64xbf16>
    %get3A_179 = arith.constant 0 : index
    %get3A_180 = arith.constant 2240 : index
    %get3A_181 = vector.load %arg1[%get3A_179, %get3A_180] : memref<256x4160xf32, #tpu.memory_space<vmem>>, vector<256x64xf32>
    %mul3A_182 = arith.mulf %get3A_181, %div3A_5 : vector<256x64xf32>
    %convert_element_type3A_183 = arith.truncf %mul3A_182 : vector<256x64xf32> to vector<256x64xbf16>
    %get3A_184 = arith.constant 0 : index
    %get3A_185 = arith.constant 2304 : index
    %get3A_186 = vector.load %arg1[%get3A_184, %get3A_185] : memref<256x4160xf32, #tpu.memory_space<vmem>>, vector<256x64xf32>
    %mul3A_187 = arith.mulf %get3A_186, %div3A_5 : vector<256x64xf32>
    %convert_element_type3A_188 = arith.truncf %mul3A_187 : vector<256x64xf32> to vector<256x64xbf16>
    %get3A_189 = arith.constant 0 : index
    %get3A_190 = arith.constant 2368 : index
    %get3A_191 = vector.load %arg1[%get3A_189, %get3A_190] : memref<256x4160xf32, #tpu.memory_space<vmem>>, vector<256x64xf32>
    %mul3A_192 = arith.mulf %get3A_191, %div3A_5 : vector<256x64xf32>
    %convert_element_type3A_193 = arith.truncf %mul3A_192 : vector<256x64xf32> to vector<256x64xbf16>
    %get3A_194 = arith.constant 0 : index
    %get3A_195 = arith.constant 2432 : index
    %get3A_196 = vector.load %arg1[%get3A_194, %get3A_195] : memref<256x4160xf32, #tpu.memory_space<vmem>>, vector<256x64xf32>
    %mul3A_197 = arith.mulf %get3A_196, %div3A_5 : vector<256x64xf32>
    %convert_element_type3A_198 = arith.truncf %mul3A_197 : vector<256x64xf32> to vector<256x64xbf16>
    %get3A_199 = arith.constant 0 : index
    %get3A_200 = arith.constant 2496 : index
    %get3A_201 = vector.load %arg1[%get3A_199, %get3A_200] : memref<256x4160xf32, #tpu.memory_space<vmem>>, vector<256x64xf32>
    %mul3A_202 = arith.mulf %get3A_201, %div3A_5 : vector<256x64xf32>
    %convert_element_type3A_203 = arith.truncf %mul3A_202 : vector<256x64xf32> to vector<256x64xbf16>
    %get3A_204 = arith.constant 0 : index
    %get3A_205 = arith.constant 2560 : index
    %get3A_206 = vector.load %arg1[%get3A_204, %get3A_205] : memref<256x4160xf32, #tpu.memory_space<vmem>>, vector<256x64xf32>
    %mul3A_207 = arith.mulf %get3A_206, %div3A_5 : vector<256x64xf32>
    %convert_element_type3A_208 = arith.truncf %mul3A_207 : vector<256x64xf32> to vector<256x64xbf16>
    %get3A_209 = arith.constant 0 : index
    %get3A_210 = arith.constant 2624 : index
    %get3A_211 = vector.load %arg1[%get3A_209, %get3A_210] : memref<256x4160xf32, #tpu.memory_space<vmem>>, vector<256x64xf32>
    %mul3A_212 = arith.mulf %get3A_211, %div3A_5 : vector<256x64xf32>
    %convert_element_type3A_213 = arith.truncf %mul3A_212 : vector<256x64xf32> to vector<256x64xbf16>
    %get3A_214 = arith.constant 0 : index
    %get3A_215 = arith.constant 2688 : index
    %get3A_216 = vector.load %arg1[%get3A_214, %get3A_215] : memref<256x4160xf32, #tpu.memory_space<vmem>>, vector<256x64xf32>
    %mul3A_217 = arith.mulf %get3A_216, %div3A_5 : vector<256x64xf32>
    %convert_element_type3A_218 = arith.truncf %mul3A_217 : vector<256x64xf32> to vector<256x64xbf16>
    %get3A_219 = arith.constant 0 : index
    %get3A_220 = arith.constant 2752 : index
    %get3A_221 = vector.load %arg1[%get3A_219, %get3A_220] : memref<256x4160xf32, #tpu.memory_space<vmem>>, vector<256x64xf32>
    %mul3A_222 = arith.mulf %get3A_221, %div3A_5 : vector<256x64xf32>
    %convert_element_type3A_223 = arith.truncf %mul3A_222 : vector<256x64xf32> to vector<256x64xbf16>
    %get3A_224 = arith.constant 0 : index
    %get3A_225 = arith.constant 2816 : index
    %get3A_226 = vector.load %arg1[%get3A_224, %get3A_225] : memref<256x4160xf32, #tpu.memory_space<vmem>>, vector<256x64xf32>
    %mul3A_227 = arith.mulf %get3A_226, %div3A_5 : vector<256x64xf32>
    %convert_element_type3A_228 = arith.truncf %mul3A_227 : vector<256x64xf32> to vector<256x64xbf16>
    %get3A_229 = arith.constant 0 : index
    %get3A_230 = arith.constant 2880 : index
    %get3A_231 = vector.load %arg1[%get3A_229, %get3A_230] : memref<256x4160xf32, #tpu.memory_space<vmem>>, vector<256x64xf32>
    %mul3A_232 = arith.mulf %get3A_231, %div3A_5 : vector<256x64xf32>
    %convert_element_type3A_233 = arith.truncf %mul3A_232 : vector<256x64xf32> to vector<256x64xbf16>
    %get3A_234 = arith.constant 0 : index
    %get3A_235 = arith.constant 2944 : index
    %get3A_236 = vector.load %arg1[%get3A_234, %get3A_235] : memref<256x4160xf32, #tpu.memory_space<vmem>>, vector<256x64xf32>
    %mul3A_237 = arith.mulf %get3A_236, %div3A_5 : vector<256x64xf32>
    %convert_element_type3A_238 = arith.truncf %mul3A_237 : vector<256x64xf32> to vector<256x64xbf16>
    %get3A_239 = arith.constant 0 : index
    %get3A_240 = arith.constant 3008 : index
    %get3A_241 = vector.load %arg1[%get3A_239, %get3A_240] : memref<256x4160xf32, #tpu.memory_space<vmem>>, vector<256x64xf32>
    %mul3A_242 = arith.mulf %get3A_241, %div3A_5 : vector<256x64xf32>
    %convert_element_type3A_243 = arith.truncf %mul3A_242 : vector<256x64xf32> to vector<256x64xbf16>
    %get3A_244 = arith.constant 0 : index
    %get3A_245 = arith.constant 3072 : index
    %get3A_246 = vector.load %arg1[%get3A_244, %get3A_245] : memref<256x4160xf32, #tpu.memory_space<vmem>>, vector<256x64xf32>
    %mul3A_247 = arith.mulf %get3A_246, %div3A_5 : vector<256x64xf32>
    %convert_element_type3A_248 = arith.truncf %mul3A_247 : vector<256x64xf32> to vector<256x64xbf16>
    %get3A_249 = arith.constant 0 : index
    %get3A_250 = arith.constant 3136 : index
    %get3A_251 = vector.load %arg1[%get3A_249, %get3A_250] : memref<256x4160xf32, #tpu.memory_space<vmem>>, vector<256x64xf32>
    %mul3A_252 = arith.mulf %get3A_251, %div3A_5 : vector<256x64xf32>
    %convert_element_type3A_253 = arith.truncf %mul3A_252 : vector<256x64xf32> to vector<256x64xbf16>
    %get3A_254 = arith.constant 0 : index
    %get3A_255 = arith.constant 3200 : index
    %get3A_256 = vector.load %arg1[%get3A_254, %get3A_255] : memref<256x4160xf32, #tpu.memory_space<vmem>>, vector<256x64xf32>
    %mul3A_257 = arith.mulf %get3A_256, %div3A_5 : vector<256x64xf32>
    %convert_element_type3A_258 = arith.truncf %mul3A_257 : vector<256x64xf32> to vector<256x64xbf16>
    %get3A_259 = arith.constant 0 : index
    %get3A_260 = arith.constant 3264 : index
    %get3A_261 = vector.load %arg1[%get3A_259, %get3A_260] : memref<256x4160xf32, #tpu.memory_space<vmem>>, vector<256x64xf32>
    %mul3A_262 = arith.mulf %get3A_261, %div3A_5 : vector<256x64xf32>
    %convert_element_type3A_263 = arith.truncf %mul3A_262 : vector<256x64xf32> to vector<256x64xbf16>
    %get3A_264 = arith.constant 0 : index
    %get3A_265 = arith.constant 3328 : index
    %get3A_266 = vector.load %arg1[%get3A_264, %get3A_265] : memref<256x4160xf32, #tpu.memory_space<vmem>>, vector<256x64xf32>
    %mul3A_267 = arith.mulf %get3A_266, %div3A_5 : vector<256x64xf32>
    %convert_element_type3A_268 = arith.truncf %mul3A_267 : vector<256x64xf32> to vector<256x64xbf16>
    %get3A_269 = arith.constant 0 : index
    %get3A_270 = arith.constant 3392 : index
    %get3A_271 = vector.load %arg1[%get3A_269, %get3A_270] : memref<256x4160xf32, #tpu.memory_space<vmem>>, vector<256x64xf32>
    %mul3A_272 = arith.mulf %get3A_271, %div3A_5 : vector<256x64xf32>
    %convert_element_type3A_273 = arith.truncf %mul3A_272 : vector<256x64xf32> to vector<256x64xbf16>
    %get3A_274 = arith.constant 0 : index
    %get3A_275 = arith.constant 3456 : index
    %get3A_276 = vector.load %arg1[%get3A_274, %get3A_275] : memref<256x4160xf32, #tpu.memory_space<vmem>>, vector<256x64xf32>
    %mul3A_277 = arith.mulf %get3A_276, %div3A_5 : vector<256x64xf32>
    %convert_element_type3A_278 = arith.truncf %mul3A_277 : vector<256x64xf32> to vector<256x64xbf16>
    %get3A_279 = arith.constant 0 : index
    %get3A_280 = arith.constant 3520 : index
    %get3A_281 = vector.load %arg1[%get3A_279, %get3A_280] : memref<256x4160xf32, #tpu.memory_space<vmem>>, vector<256x64xf32>
    %mul3A_282 = arith.mulf %get3A_281, %div3A_5 : vector<256x64xf32>
    %convert_element_type3A_283 = arith.truncf %mul3A_282 : vector<256x64xf32> to vector<256x64xbf16>
    %get3A_284 = arith.constant 0 : index
    %get3A_285 = arith.constant 3584 : index
    %get3A_286 = vector.load %arg1[%get3A_284, %get3A_285] : memref<256x4160xf32, #tpu.memory_space<vmem>>, vector<256x64xf32>
    %mul3A_287 = arith.mulf %get3A_286, %div3A_5 : vector<256x64xf32>
    %convert_element_type3A_288 = arith.truncf %mul3A_287 : vector<256x64xf32> to vector<256x64xbf16>
    %get3A_289 = arith.constant 0 : index
    %get3A_290 = arith.constant 3648 : index
    %get3A_291 = vector.load %arg1[%get3A_289, %get3A_290] : memref<256x4160xf32, #tpu.memory_space<vmem>>, vector<256x64xf32>
    %mul3A_292 = arith.mulf %get3A_291, %div3A_5 : vector<256x64xf32>
    %convert_element_type3A_293 = arith.truncf %mul3A_292 : vector<256x64xf32> to vector<256x64xbf16>
    %get3A_294 = arith.constant 0 : index
    %get3A_295 = arith.constant 3712 : index
    %get3A_296 = vector.load %arg1[%get3A_294, %get3A_295] : memref<256x4160xf32, #tpu.memory_space<vmem>>, vector<256x64xf32>
    %mul3A_297 = arith.mulf %get3A_296, %div3A_5 : vector<256x64xf32>
    %convert_element_type3A_298 = arith.truncf %mul3A_297 : vector<256x64xf32> to vector<256x64xbf16>
    %get3A_299 = arith.constant 0 : index
    %get3A_300 = arith.constant 3776 : index
    %get3A_301 = vector.load %arg1[%get3A_299, %get3A_300] : memref<256x4160xf32, #tpu.memory_space<vmem>>, vector<256x64xf32>
    %mul3A_302 = arith.mulf %get3A_301, %div3A_5 : vector<256x64xf32>
    %convert_element_type3A_303 = arith.truncf %mul3A_302 : vector<256x64xf32> to vector<256x64xbf16>
    %get3A_304 = arith.constant 0 : index
    %get3A_305 = arith.constant 3840 : index
    %get3A_306 = vector.load %arg1[%get3A_304, %get3A_305] : memref<256x4160xf32, #tpu.memory_space<vmem>>, vector<256x64xf32>
    %mul3A_307 = arith.mulf %get3A_306, %div3A_5 : vector<256x64xf32>
    %convert_element_type3A_308 = arith.truncf %mul3A_307 : vector<256x64xf32> to vector<256x64xbf16>
    %get3A_309 = arith.constant 0 : index
    %get3A_310 = arith.constant 3904 : index
    %get3A_311 = vector.load %arg1[%get3A_309, %get3A_310] : memref<256x4160xf32, #tpu.memory_space<vmem>>, vector<256x64xf32>
    %mul3A_312 = arith.mulf %get3A_311, %div3A_5 : vector<256x64xf32>
    %convert_element_type3A_313 = arith.truncf %mul3A_312 : vector<256x64xf32> to vector<256x64xbf16>
    %get3A_314 = arith.constant 0 : index
    %get3A_315 = arith.constant 3968 : index
    %get3A_316 = vector.load %arg1[%get3A_314, %get3A_315] : memref<256x4160xf32, #tpu.memory_space<vmem>>, vector<256x64xf32>
    %mul3A_317 = arith.mulf %get3A_316, %div3A_5 : vector<256x64xf32>
    %convert_element_type3A_318 = arith.truncf %mul3A_317 : vector<256x64xf32> to vector<256x64xbf16>
    %get3A_319 = arith.constant 0 : index
    %get3A_320 = arith.constant 4032 : index
    %get3A_321 = vector.load %arg1[%get3A_319, %get3A_320] : memref<256x4160xf32, #tpu.memory_space<vmem>>, vector<256x64xf32>
    %mul3A_322 = arith.mulf %get3A_321, %div3A_5 : vector<256x64xf32>
    %convert_element_type3A_323 = arith.truncf %mul3A_322 : vector<256x64xf32> to vector<256x64xbf16>
    %concatenate3A = tpu.concatenate %convert_element_type3A, %convert_element_type3A_13, %convert_element_type3A_18, %convert_element_type3A_23, %convert_element_type3A_28, %convert_element_type3A_33, %convert_element_type3A_38, %convert_element_type3A_43, %convert_element_type3A_48, %convert_element_type3A_53, %convert_element_type3A_58, %convert_element_type3A_63, %convert_element_type3A_68, %convert_element_type3A_73, %convert_element_type3A_78, %convert_element_type3A_83, %convert_element_type3A_88, %convert_element_type3A_93, %convert_element_type3A_98, %convert_element_type3A_103, %convert_element_type3A_108, %convert_element_type3A_113, %convert_element_type3A_118, %convert_element_type3A_123, %convert_element_type3A_128, %convert_element_type3A_133, %convert_element_type3A_138, %convert_element_type3A_143, %convert_element_type3A_148, %convert_element_type3A_153, %convert_element_type3A_158, %convert_element_type3A_163, %convert_element_type3A_168, %convert_element_type3A_173, %convert_element_type3A_178, %convert_element_type3A_183, %convert_element_type3A_188, %convert_element_type3A_193, %convert_element_type3A_198, %convert_element_type3A_203, %convert_element_type3A_208, %convert_element_type3A_213, %convert_element_type3A_218, %convert_element_type3A_223, %convert_element_type3A_228, %convert_element_type3A_233, %convert_element_type3A_238, %convert_element_type3A_243, %convert_element_type3A_248, %convert_element_type3A_253, %convert_element_type3A_258, %convert_element_type3A_263, %convert_element_type3A_268, %convert_element_type3A_273, %convert_element_type3A_278, %convert_element_type3A_283, %convert_element_type3A_288, %convert_element_type3A_293, %convert_element_type3A_298, %convert_element_type3A_303, %convert_element_type3A_308, %convert_element_type3A_313, %convert_element_type3A_318, %convert_element_type3A_323 in 1 : vector<256x64xbf16>, vector<256x64xbf16>, vector<256x64xbf16>, vector<256x64xbf16>, vector<256x64xbf16>, vector<256x64xbf16>, vector<256x64xbf16>, vector<256x64xbf16>, vector<256x64xbf16>, vector<256x64xbf16>, vector<256x64xbf16>, vector<256x64xbf16>, vector<256x64xbf16>, vector<256x64xbf16>, vector<256x64xbf16>, vector<256x64xbf16>, vector<256x64xbf16>, vector<256x64xbf16>, vector<256x64xbf16>, vector<256x64xbf16>, vector<256x64xbf16>, vector<256x64xbf16>, vector<256x64xbf16>, vector<256x64xbf16>, vector<256x64xbf16>, vector<256x64xbf16>, vector<256x64xbf16>, vector<256x64xbf16>, vector<256x64xbf16>, vector<256x64xbf16>, vector<256x64xbf16>, vector<256x64xbf16>, vector<256x64xbf16>, vector<256x64xbf16>, vector<256x64xbf16>, vector<256x64xbf16>, vector<256x64xbf16>, vector<256x64xbf16>, vector<256x64xbf16>, vector<256x64xbf16>, vector<256x64xbf16>, vector<256x64xbf16>, vector<256x64xbf16>, vector<256x64xbf16>, vector<256x64xbf16>, vector<256x64xbf16>, vector<256x64xbf16>, vector<256x64xbf16>, vector<256x64xbf16>, vector<256x64xbf16>, vector<256x64xbf16>, vector<256x64xbf16>, vector<256x64xbf16>, vector<256x64xbf16>, vector<256x64xbf16>, vector<256x64xbf16>, vector<256x64xbf16>, vector<256x64xbf16>, vector<256x64xbf16>, vector<256x64xbf16>, vector<256x64xbf16>, vector<256x64xbf16>, vector<256x64xbf16>, vector<256x64xbf16> -> vector<256x4096xbf16>
    %get3A_324 = arith.constant 0 : index
    %get3A_325 = arith.constant 0 : index
    %get3A_326 = vector.load %arg2[%get3A_324, %get3A_325] : memref<4096x64xbf16, #tpu.memory_space<vmem>>, vector<4096x64xbf16>
    %dot_general3A = arith.constant dense<0.000000e+00> : vector<256x64xf32>
    %dot_general3A_327 = tpu.matmul %concatenate3A, %get3A_326, %dot_general3A {dimension_numbers = #tpu.dot_dimension_numbers<[1], [0], [0], [1], [0, 0, 1, 1], [], []>, transpose_lhs_hint = false} : vector<256x4096xbf16>, vector<4096x64xbf16>, vector<256x64xf32> -> vector<256x64xf32>
    %get3A_328 = arith.constant 0 : index
    %get3A_329 = arith.constant 0 : index
    %get3A_330 = vector.load %arg3[%get3A_328, %get3A_329] : memref<1x64xf32, #tpu.memory_space<vmem>>, vector<1x64xf32>
    %add3A = vector.broadcast %get3A_330 : vector<1x64xf32> to vector<256x64xf32>
    %add3A_331 = arith.addf %dot_general3A_327, %add3A : vector<256x64xf32>
    %max3A_332 = arith.constant 0.000000e+00 : f32
    %max3A_333 = vector.broadcast %max3A_332 : f32 to vector<256x64xf32>
    %max3A_334 = arith.maximumf %add3A_331, %max3A_333 : vector<256x64xf32>
    %swap3A = arith.constant 0 : index
    %swap3A_335 = arith.constant 0 : index
    %swap3A_336 = vector.load %arg4[%swap3A, %swap3A_335] : memref<256x64xf32, #tpu.memory_space<vmem>>, vector<256x64xf32>
    tpu.vector_store %arg4[%swap3A, %swap3A_335], %max3A_334 {strides = array<i32>} : memref<256x64xf32, #tpu.memory_space<vmem>>, vector<256x64xf32>,
    return
  }
  func.func @transform_0(%arg0: i32) -> (i32, i32) {
    %c0_i32 = arith.constant 0 : i32
    %c0_i32_0 = arith.constant 0 : i32
    return %arg0, %c0_i32 : i32, i32
  }
  func.func @transform_1(%arg0: i32) -> (i32, i32) {
    %c0_i32 = arith.constant 0 : i32
    %c0_i32_0 = arith.constant 0 : i32
    %c0_i32_1 = arith.constant 0 : i32
    return %c0_i32, %c0_i32_0 : i32, i32
  }
  func.func @transform_2(%arg0: i32) -> (i32, i32) {
    %c0_i32 = arith.constant 0 : i32
    %c0_i32_0 = arith.constant 0 : i32
    %c0_i32_1 = arith.constant 0 : i32
    return %c0_i32, %c0_i32_0 : i32, i32
  }
  func.func @transform_3(%arg0: i32) -> (i32, i32) {
    %c0_i32 = arith.constant 0 : i32
    %c0_i32_0 = arith.constant 0 : i32
    return %arg0, %c0_i32 : i32, i32
  }
}

</mosaic_0001>

<sc_bundles>
// kernel: kernel.5.cloned.1.call-start
scs
__scs_entry_jumppad:
0x0: {  	(pc) =	sbr.rel $0x88, $3  }
0x1: {  	(tag) =	ssettag $0x0;
	lr =	simm.s32 $0x1  }
0x2: {  	[smem:$0x3F9D] =	sst lr;
	_ =	strace $0xD0000000  }
0x3: {  	_ = 	snop  }
0x4: {  	_ = 	snop  }
0x5: {  	_ = 	snop  }
0x6: {  	_ = 	snop  }
0x7: {  	_ = 	snop  }
__scs_overlays_trampoline_lowered:
0x8: {  	[smem:$0x3FAC] =	sst s0  }
0x9: {  	[smem:$0x3FAD] =	sst s1  }
0xa: {  	[smem:$0x3FAE] =	sst s2  }
0xb: {  	[smem:$0x3FAF] =	sst s3  }
0xc: {  	[smem:$0x3FB0] =	sst s4  }
0xd: {  	[smem:$0x3FB1] =	sst s5  }
0xe: {  	[smem:$0x3FB2] =	sst s6  }
0xf: {  	[smem:$0x3FB3] =	sst s7  }
0x10: {  	[smem:$0x3FB4] =	sst s8  }
0x11: {  	[smem:$0x3FB5] =	sst s9;
	s0 =	simm.s32 @!p0 $0x0  }
0x12: {  	s1 =	sld [smem:$0x3F9B];
	s0 =	simm.s32 @p0 $0x1  }
0x13: {  	[smem:$0x3FB6] =	sst s0;
	s0 =	simm.s32 @!p1 $0x0  }
0x14: {  	s2 =	sld [smem:$0x3F9A];
	s0 =	simm.s32 @p1 $0x1  }
0x15: {  	[smem:$0x3FB7] =	sst s0;
	s0 =	simm.s32 @!p2 $0x0  }
0x16: {  	s3 =	sld [smem:$0x3FDB];
	s0 =	simm.s32 @p2 $0x1  }
0x17: {  	s4 =	simm.s32 $0x1BF5;
	[smem:$0x3FB9] =	sst s0  }
0x18: {  	s0 =	sld [smem:$0x3F9C];
	_ =	swait.ge [sflag:s4], $0x0  }
0x19: {  	s7 =	sld [smem:$0x3F9D]  }
0x1a: {  	s8 =	sadd.s32 $0xFFFFE003, lr  }
0x1b: {  	s9 =	sadd.s32 $0xFFFFFEF7, lr;
	s5 =	simm.s32 $0xFFFFFFFF;
	p2 =	slt.u32 s8, $0xFFFFF086  }
0x1c: {  	p1 =	slt.u32 s9, $0xF7A;
	s5 =	simm.s32 @!p2 $0x0  }
0x1d: {  	s5 =	simm.s32 @p1 $0x1;
	p0 =	seq.s32 s7, s2  }
0x1e: {  	s7 =	smul.u32 @!p0 $0xF7A, s2;
	p2 =	seq.s32 @!p0 s5, $0x0  }
0x1f: {  	s9 =	smul.u32 $0xF7A, s1;
	s8 =	simm.s32 @!p0 $0x1BF5;
	p2 =	por !p2, p0  }
0x20: {  	[sflag:s8] =	ssyncset.s32 @!p0 $0xFFFFF086;
	s6 =	sadd.s32 @!p0 s3, s7;
	s7 =	simm.s32 @!p0 $0x108  }
0x21: {  	s3 =	sadd.s32 s3, s9;
	s6 =	sadd.s32 @!p0 $0x88, s6;
	s7 =	simm.s32 @p2 $0x1082  }
0x22: {  	[simem:s7], [sflag:s8] =	dma.local @!p0 [hbm:s6], $0xF7A  }
0x23: {  	s9 =	sor.u32 $0xD0000000, s2;
	s6 =	simm.s32 $0x108;
	_ =	swait.ge @!p0 [sflag:s8], $0x0  }
0x24: {  	s3 =	sadd.s32 $0x88, s3;
	s6 =	simm.s32 @!p1 $0x1082;
	[sflag:s4] =	ssyncset.s32 $0xFFFFF086  }
0x25: {  	[simem:s6], [sflag:s4] =	dma.local [hbm:s3], $0xF7A  }
0x26: {  	[smem:$0x3F9D] =	sst s1;
	(tag) =	ssettag s2;
	_ =	strace s9  }
0x27: {  	s1 =	sld [smem:$0x3FAD]  }
0x28: {  	s2 =	sld [smem:$0x3FAE]  }
0x29: {  	s4 =	sld [smem:$0x3FB0]  }
0x2a: {  	p0 =	seq.s32 s5, $0x0;
	s5 =	sld [smem:$0x3FB1]  }
0x2b: {  	s6 =	sld [smem:$0x3FB2]  }
0x2c: {  	s7 =	sld [smem:$0x3FB3]  }
0x2d: {  	s3 =	simm.s32 $0x108;
	s8 =	sld [smem:$0x3FB4]  }
0x2e: {  	s3 =	simm.s32 @!p0 $0x1082;
	s9 =	sld [smem:$0x3FB5]  }
0x2f: {  	lr =	sadd.s32 s0, s3;
	s0 =	sld [smem:$0x3FAC]  }
0x30: {  	s3 =	sld [smem:$0x3FAF]  }
0x31: {  	[smem:$0x3FB8] =	sst s10  }
0x32: {  	s10 =	sld [smem:$0x3FB6];
	_ =	sdelay $0x3  }
0x33: {  	p0 =	seq.s32 s10, $0x1;
	s10 =	sld [smem:$0x3FB8];
	_ =	sdelay $0x3  }
0x34: {  	[smem:$0x3FB8] =	sst s10  }
0x35: {  	s10 =	sld [smem:$0x3FB7];
	_ =	sdelay $0x3  }
0x36: {  	p1 =	seq.s32 s10, $0x1;
	s10 =	sld [smem:$0x3FB8];
	_ =	sdelay $0x3  }
0x37: {  	[smem:$0x3FB8] =	sst s10  }
0x38: {  	s10 =	sld [smem:$0x3FB9]  }
0x39: {  	_ = 	snop;
	(pc) =	sbr.ind lr, $3  }
0x3a: {  	_ = 	snop  }
0x3b: {  	_ = 	snop  }
0x3c: {  	p2 =	seq.s32 s10, $0x1;
	s10 =	sld [smem:$0x3FB8]  }
0x3d: {  	_ =	shalt  }
0x3e: {  	_ =	shalt  }
0x3f: {  	_ =	shalt  }
0x40: {  	_ =	shalt  }
0x41: {  	_ =	shalt  }
0x42: {  	_ =	shalt  }
0x43: {  	_ =	shalt  }
0x44: {  	_ =	shalt  }
0x45: {  	_ =	shalt  }
0x46: {  	_ =	shalt  }
0x47: {  	_ =	shalt  }
0x48: {  	_ =	shalt  }
0x49: {  	_ =	shalt  }
0x4a: {  	_ =	shalt  }
0x4b: {  	_ =	shalt  }
0x4c: {  	_ =	shalt  }
0x4d: {  	_ =	shalt  }
0x4e: {  	_ =	shalt  }
0x4f: {  	_ =	shalt  }
0x50: {  	_ =	shalt  }
0x51: {  	_ =	shalt  }
0x52: {  	_ =	shalt  }
0x53: {  	_ =	shalt  }
0x54: {  	_ =	shalt  }
0x55: {  	_ =	shalt  }
0x56: {  	_ =	shalt  }
0x57: {  	_ =	shalt  }
0x58: {  	_ =	shalt  }
0x59: {  	_ =	shalt  }
0x5a: {  	_ =	shalt  }
0x5b: {  	_ =	shalt  }
0x5c: {  	_ =	shalt  }
0x5d: {  	_ =	shalt  }
0x5e: {  	_ =	shalt  }
0x5f: {  	_ =	shalt  }
0x60: {  	_ =	shalt  }
0x61: {  	_ =	shalt  }
0x62: {  	_ =	shalt  }
0x63: {  	_ =	shalt  }
0x64: {  	_ =	shalt  }
0x65: {  	_ =	shalt  }
0x66: {  	_ =	shalt  }
0x67: {  	_ =	shalt  }
0x68: {  	_ =	shalt  }
0x69: {  	_ =	shalt  }
0x6a: {  	_ =	shalt  }
0x6b: {  	_ =	shalt  }
0x6c: {  	_ =	shalt  }
0x6d: {  	_ =	shalt  }
0x6e: {  	_ =	shalt  }
0x6f: {  	_ =	shalt  }
0x70: {  	_ =	shalt  }
0x71: {  	_ =	shalt  }
0x72: {  	_ =	shalt  }
0x73: {  	_ =	shalt  }
0x74: {  	_ =	shalt  }
0x75: {  	_ =	shalt  }
0x76: {  	_ =	shalt  }
0x77: {  	_ =	shalt  }
0x78: {  	_ =	shalt  }
0x79: {  	_ =	shalt  }
0x7a: {  	_ =	shalt  }
0x7b: {  	_ =	shalt  }
0x7c: {  	_ =	shalt  }
0x7d: {  	_ =	shalt  }
0x7e: {  	_ =	shalt  }
0x7f: {  	_ =	shalt  }
0x80: {  	_ =	shalt  }
0x81: {  	_ =	shalt  }
0x82: {  	_ =	shalt  }
0x83: {  	_ =	shalt  }
0x84: {  	_ =	shalt  }
0x85: {  	_ =	shalt  }
0x86: {  	_ =	shalt  }
0x87: {  	_ =	shalt  }
.Lfunc_end0:
.L_simem_size_0:
called_computation_lowered:
.L_overlay_start_0:
0x88: {  	s2 =	sld [smem:$0x3FD9]  }
0x89: {  	s3 =	sld [smem:$0x3FFE];
	_ =	sdelay $0x1  }
0x8a: {  	s1 =	srdreg.scid  }
0x8b: {  	s0 =	sand.u32 $0x1, s1  }
0x8c: {  	s17 =	sshll.u32 s0, $0xA;
	s2 =	sadd.s32 s3, s2  }
0x8d: {  	s2 =	sadd.s32 s2, s17  }
0x8e: {  	[smem:$0x3FC4] =	sst s2  }
0x8f: {  	_ = 	snop  }
0x90: {  	s2 =	sld [smem:$0x3FC8];
	(tm) =	ssettm $0x1  }
0x91: {  	s18 =	sld [smem:$0x3FFB];
	_ =	sdelay $0x3  }
0x92: {  	_ =	strace s18  }
0x93: {  	s3 =	sld [smem:$0x3FFC];
	_ =	sdelay $0x3  }
0x94: {  	_ =	strace s3  }
0x95: {  	s3 =	sld [smem:$0x3FFD];
	_ =	sdelay $0x3  }
0x96: {  	_ =	strace s3  }
0x97: {  	_ =	strace $0x8FFFFFFF  }
0x98: {  	s19 =	sld [smem:$0x3FDB];
	_ =	sdelay $0x1  }
0x99: {  	s4 =	simm.s32 $_scs_section_size  }
0x9a: {  	s5 =	simm.s32 $_size__tile_overlayer_lowered;
	s6 =	simm.s32 $_tile_overlayer_lowered  }
0x9b: {  	s22 =	simm.s32 $0x1BFF;
	s21 =	sshll.u32 s6, $0x1;
	s3 =	sadd.s32 s4, s19  }
0x9c: {  	s7 =	simm.s32 $0x0;
	s20 =	sshll.u32 s5, $0x1;
	s5 =	sadd.s32 s21, s3  }
0x9d: {  	[timem:s7], [sflag:s22] =	dma.local [hbm:s5], s20  }
0x9e: {  	_ =	swait.ge [sflag:s22], s20  }
0x9f: {  	s4 =	ssub.s32 $0x0, s20;
	[sflag:s22] =	ssyncset.done $0x0  }
0xa0: {  	[sflag:s22] =	ssyncadd.s32 s4;
	_ =	sdelay $0x1  }
0xa1: {  	s23 =	simm.s32 $0x1B8B  }
0xa2: {  	_ =	swait.ge [sflag:s23], $0x1  }
0xa3: {  	[sflag:s23] =	ssyncset.done $0x0  }
0xa4: {  	s25 =	simm.s32 $0x1B8E;
	s24 =	sld [smem:$0x3FFE];
	[sflag:s23] =	ssyncadd.s32 $0xFFFFFFFF  }
0xa5: {  	s26 =	simm.s32 $execute0_lowered;
	[smem:$0x3FD2] =	sst s25  }
0xa6: {  	s5 =	sshll.u32 s26, $0x1;
	_ =	strace $0x80000046;
	[dreg:$0x1] =	wrdreg $0xFFFFFFFF  }
0xa7: {  	s28 =	simm.s32 $_size_execute0_lowered;
	s3 =	sadd.s32 s3, s5;
	[dreg:$0x0] =	wrdreg $0x0  }
0xa8: {  	s5 =	sshll.u32 s28, $0x1;
	[dreg:$0x2] =	wrdreg s3  }
0xa9: {  	[dreg:$0x3] =	wrdreg s5  }
0xaa: {  	[dreg:$0x4] =	wrdreg $0xC0  }
0xab: {  	_ =	task [dreg:s7], $0x5FFFF  }
0xac: {  	[dreg:$0x1] =	wrdreg $0xFFFFFFFF  }
0xad: {  	[dreg:$0x0] =	wrdreg $0x60  }
0xae: {  	[dreg:$0x2] =	wrdreg s24  }
0xaf: {  	[dreg:$0x3] =	wrdreg s2  }
0xb0: {  	[dreg:$0x4] =	wrdreg $0x9  }
0xb1: {  	_ =	task.clear_ibuf [dreg:s7], $0x5FFFF;
	_ =	strace $0x90000046  }
0xb2: {  	s29 =	simm.s32 $0x9;
	_ =	strace $0x80000048  }
0xb3: {  	_ =	swait.ge [sflag:s29], $0x1  }
0xb4: {  	[sflag:s29] =	ssyncadd.s32 $0xFFFFFFFF  }
0xb5: {  	_ =	strace $0x90000048  }
0xb6: {  	_ =	sfence  }
0xb7: {  	s30 =	sld [smem:$0x0];
	_ =	sdelay $0x2  }
0xb8: {  	s31 =	sshll.u32 s1, $0xD;
	s1 =	sshrl.u32 s1, $0x2  }
0xb9: {  	s3 =	sand.u32 $0x4000, s31;
	s1 =	sadd.s32 s1, s30  }
0xba: {  	s0 =	sor.u32 s3, s0;
	s1 =	sshll.u32 s1, $0x11  }
0xbb: {  	s0 =	sor.u32 s1, s0  }
0xbc: {  	s0 =	sadd.s32 $0x8F2B, s0  }
0xbd: {  	[sflag:s0] =	ssyncadd.remote.s32 $0x1  }
0xbe: {  	_ =	sfence.sel $0xFFFF  }
0xbf: {  	[dreg:$0x0] =	wrdreg $0xFFFFFFFF;
	(pc) =	sbr.abs _section_cstart, $3  }
0xc0: {  	[dreg:$0x1] =	wrdreg $0xFFFFFFFF  }
0xc1: {  	_ =	task.clear_ibuf [dreg:s7], $0x2FFFF;
	_ =	strace $0x9FFFFFFF  }
0xc2: {  	(tm) =	ssettm $0x7FFFFFFF  }
0xc3: {  	_ =	shalt  }
tec
execute0_lowered:
.L_overlay_start_1:
0x0: {  	(tag) =	ssettag $0x1  }
0x1: {  	s5 =	rddreg [dreg:$0x0]  }
0x2: {  	s1 =	rddreg [dreg:$0x1]  }
0x3: {  	s0 =	rddreg [dreg:$0x2];
	s2 =	simm.s32 $0x0;
	s3 =	srdreg.scid  }
0x4: {  	s10 =	simm.s32 $0x80;
	s11 =	simm.s32 $0x10400;
	s12 =	simm.s32 $0x0  }
0x5: {  	[smem:$0x7FF] =	sst s2;
	s6 =	sand.u32 $0x1, s3;
	s4 =	sadd.s32 $0xE00, s5  }
0x6: {  	s3 =	stileid.u32;
	s5 =	sadd.s32 $0x20E00, s5;
	s7 =	ssub.s32 $0x2, s6  }
0x7: {  	s9 =	sshll.u32 s3, $0x6;
	s6 =	sshll.u32 s6, $0x5;
	s8 =	sshrl.u32 s7, $0x1  }
0x8: {  	_ =	strace $0x80000047;
	s6 =	sor.u32 s6, s9;
	s7 =	ssub.s32 s7, s8  }
0x9: {  	v0 =	vimm.f32 $0.0e+00;
	v1 =	vimm.f32 $1.000000000e+00;
	s9 =	simm.s32 $0x1;
	s8 =	simm.s32 $0x400;
	s7 =	smax.u32 s7, $0x1  }
.LBB2_1:
0xa: {  	[tilespmem:s8], [sflag:$0x1] =	stream.linear.gather [hbm4b:s1+s2], $0x10000, $0x38;
	[tilespmem:$0x11480] =	vst v63  }
0xb: {  	_ =	swait.ge [sflag:s9], $0x10000  }
0xc: {  	[sflag:s9] =	ssyncset.done $0x0  }
0xd: {  	s13 =	simm.s32 $0x0;
	[sflag:s9] =	ssyncadd.s32 $0xFFFF0000  }
.LBB2_2:
0xe: {  	s14 =	sadd.s32 s6, s13  }
0xf: {  	s15 =	sshll.u32 s13, $0x7;
	s14 =	sshrl.u32 s14, $0x3  }
0x10: {  	s15 =	sand.u32 $0x380, s15;
	s16 =	sshll.u32 s14, $0xD  }
0x11: {  	s16 =	sor.u32 s15, s16  }
0x12: {  	s16 =	sshrl.u32 s16, $0x3  }
0x13: {  	s17 =	sadd.s32 s4, s16;
	s16 =	simm.s32 $0x0  }
0x14: {  	[tilespmem:s16], [sflag:$0x1] =	stream.strided.gather [hbm4b:s17+s10], $0x400, s8, s10, $0x38;
	[tilespmem:$0x11480] =	vst v63  }
0x15: {  	_ =	swait.ge [sflag:s9], $0x400  }
0x16: {  	[sflag:s9] =	ssyncset.done $0x0  }
0x17: {  	[sflag:s9] =	ssyncadd.s32 $0xFFFFFC00  }
0x18: {  	[tilespmem:$0x10400] =	vst v0  }
0x19: {  	[tilespmem:$0x10410] =	vst v0  }
0x1a: {  	[tilespmem:$0x10420] =	vst v0  }
0x1b: {  	[tilespmem:$0x10430] =	vst v0  }
0x1c: {  	[tilespmem:$0x10440] =	vst v0  }
0x1d: {  	[tilespmem:$0x10450] =	vst v0  }
0x1e: {  	[tilespmem:$0x10460] =	vst v0  }
0x1f: {  	[tilespmem:$0x10470] =	vst v0  }
0x20: {  	[tilespmem:$0x10480] =	vst v0  }
0x21: {  	[tilespmem:$0x10490] =	vst v0  }
0x22: {  	[tilespmem:$0x104A0] =	vst v0  }
0x23: {  	[tilespmem:$0x104B0] =	vst v0  }
0x24: {  	[tilespmem:$0x104C0] =	vst v0  }
0x25: {  	[tilespmem:$0x104D0] =	vst v0  }
0x26: {  	[tilespmem:$0x104E0] =	vst v0  }
0x27: {  	[tilespmem:$0x104F0] =	vst v0  }
0x28: {  	[tilespmem:$0x10500] =	vst v0  }
0x29: {  	[tilespmem:$0x10510] =	vst v0  }
0x2a: {  	[tilespmem:$0x10520] =	vst v0  }
0x2b: {  	[tilespmem:$0x10530] =	vst v0  }
0x2c: {  	[tilespmem:$0x10540] =	vst v0  }
0x2d: {  	[tilespmem:$0x10550] =	vst v0  }
0x2e: {  	[tilespmem:$0x10560] =	vst v0  }
0x2f: {  	[tilespmem:$0x10570] =	vst v0  }
0x30: {  	[tilespmem:$0x10580] =	vst v0  }
0x31: {  	[tilespmem:$0x10590] =	vst v0  }
0x32: {  	[tilespmem:$0x105A0] =	vst v0  }
0x33: {  	[tilespmem:$0x105B0] =	vst v0  }
0x34: {  	[tilespmem:$0x105C0] =	vst v0  }
0x35: {  	[tilespmem:$0x105D0] =	vst v0  }
0x36: {  	[tilespmem:$0x105E0] =	vst v0  }
0x37: {  	[tilespmem:$0x105F0] =	vst v0  }
0x38: {  	[tilespmem:$0x10600] =	vst v0  }
0x39: {  	[tilespmem:$0x10610] =	vst v0  }
0x3a: {  	[tilespmem:$0x10620] =	vst v0  }
0x3b: {  	[tilespmem:$0x10630] =	vst v0  }
0x3c: {  	[tilespmem:$0x10640] =	vst v0  }
0x3d: {  	[tilespmem:$0x10650] =	vst v0  }
0x3e: {  	[tilespmem:$0x10660] =	vst v0  }
0x3f: {  	[tilespmem:$0x10670] =	vst v0  }
0x40: {  	[tilespmem:$0x10680] =	vst v0  }
0x41: {  	[tilespmem:$0x10690] =	vst v0  }
0x42: {  	[tilespmem:$0x106A0] =	vst v0  }
0x43: {  	[tilespmem:$0x106B0] =	vst v0  }
0x44: {  	[tilespmem:$0x106C0] =	vst v0  }
0x45: {  	[tilespmem:$0x106D0] =	vst v0  }
0x46: {  	[tilespmem:$0x106E0] =	vst v0  }
0x47: {  	[tilespmem:$0x106F0] =	vst v0  }
0x48: {  	[tilespmem:$0x10700] =	vst v0  }
0x49: {  	[tilespmem:$0x10710] =	vst v0  }
0x4a: {  	[tilespmem:$0x10720] =	vst v0  }
0x4b: {  	[tilespmem:$0x10730] =	vst v0  }
0x4c: {  	[tilespmem:$0x10740] =	vst v0  }
0x4d: {  	[tilespmem:$0x10750] =	vst v0  }
0x4e: {  	[tilespmem:$0x10760] =	vst v0  }
0x4f: {  	[tilespmem:$0x10770] =	vst v0  }
0x50: {  	[tilespmem:$0x10780] =	vst v0  }
0x51: {  	[tilespmem:$0x10790] =	vst v0  }
0x52: {  	[tilespmem:$0x107A0] =	vst v0  }
0x53: {  	[tilespmem:$0x107B0] =	vst v0  }
0x54: {  	[tilespmem:$0x107C0] =	vst v0  }
0x55: {  	[tilespmem:$0x107D0] =	vst v0  }
0x56: {  	[tilespmem:$0x107E0] =	vst v0  }
0x57: {  	[tilespmem:$0x107F0] =	vst v0  }
0x58: {  	[tilespmem:$0x10800] =	vst v0  }
0x59: {  	[tilespmem:$0x10810] =	vst v0  }
0x5a: {  	[tilespmem:$0x10820] =	vst v0  }
0x5b: {  	[tilespmem:$0x10830] =	vst v0  }
0x5c: {  	[tilespmem:$0x10840] =	vst v0  }
0x5d: {  	[tilespmem:$0x10850] =	vst v0  }
0x5e: {  	[tilespmem:$0x10860] =	vst v0  }
0x5f: {  	[tilespmem:$0x10870] =	vst v0  }
0x60: {  	[tilespmem:$0x10880] =	vst v0  }
0x61: {  	[tilespmem:$0x10890] =	vst v0  }
0x62: {  	[tilespmem:$0x108A0] =	vst v0  }
0x63: {  	[tilespmem:$0x108B0] =	vst v0  }
0x64: {  	[tilespmem:$0x108C0] =	vst v0  }
0x65: {  	[tilespmem:$0x108D0] =	vst v0  }
0x66: {  	[tilespmem:$0x108E0] =	vst v0  }
0x67: {  	[tilespmem:$0x108F0] =	vst v0  }
0x68: {  	[tilespmem:$0x10900] =	vst v0  }
0x69: {  	[tilespmem:$0x10910] =	vst v0  }
0x6a: {  	[tilespmem:$0x10920] =	vst v0  }
0x6b: {  	[tilespmem:$0x10930] =	vst v0  }
0x6c: {  	[tilespmem:$0x10940] =	vst v0  }
0x6d: {  	[tilespmem:$0x10950] =	vst v0  }
0x6e: {  	[tilespmem:$0x10960] =	vst v0  }
0x6f: {  	[tilespmem:$0x10970] =	vst v0  }
0x70: {  	[tilespmem:$0x10980] =	vst v0  }
0x71: {  	[tilespmem:$0x10990] =	vst v0  }
0x72: {  	[tilespmem:$0x109A0] =	vst v0  }
0x73: {  	[tilespmem:$0x109B0] =	vst v0  }
0x74: {  	[tilespmem:$0x109C0] =	vst v0  }
0x75: {  	[tilespmem:$0x109D0] =	vst v0  }
0x76: {  	[tilespmem:$0x109E0] =	vst v0  }
0x77: {  	[tilespmem:$0x109F0] =	vst v0  }
0x78: {  	[tilespmem:$0x10A00] =	vst v0  }
0x79: {  	[tilespmem:$0x10A10] =	vst v0  }
0x7a: {  	[tilespmem:$0x10A20] =	vst v0  }
0x7b: {  	[tilespmem:$0x10A30] =	vst v0  }
0x7c: {  	[tilespmem:$0x10A40] =	vst v0  }
0x7d: {  	[tilespmem:$0x10A50] =	vst v0  }
0x7e: {  	[tilespmem:$0x10A60] =	vst v0  }
0x7f: {  	[tilespmem:$0x10A70] =	vst v0  }
0x80: {  	[tilespmem:$0x10A80] =	vst v0  }
0x81: {  	[tilespmem:$0x10A90] =	vst v0  }
0x82: {  	[tilespmem:$0x10AA0] =	vst v0  }
0x83: {  	[tilespmem:$0x10AB0] =	vst v0  }
0x84: {  	[tilespmem:$0x10AC0] =	vst v0  }
0x85: {  	[tilespmem:$0x10AD0] =	vst v0  }
0x86: {  	[tilespmem:$0x10AE0] =	vst v0  }
0x87: {  	[tilespmem:$0x10AF0] =	vst v0  }
0x88: {  	[tilespmem:$0x10B00] =	vst v0  }
0x89: {  	[tilespmem:$0x10B10] =	vst v0  }
0x8a: {  	[tilespmem:$0x10B20] =	vst v0  }
0x8b: {  	[tilespmem:$0x10B30] =	vst v0  }
0x8c: {  	[tilespmem:$0x10B40] =	vst v0  }
0x8d: {  	[tilespmem:$0x10B50] =	vst v0  }
0x8e: {  	[tilespmem:$0x10B60] =	vst v0  }
0x8f: {  	[tilespmem:$0x10B70] =	vst v0  }
0x90: {  	[tilespmem:$0x10B80] =	vst v0  }
0x91: {  	[tilespmem:$0x10B90] =	vst v0  }
0x92: {  	[tilespmem:$0x10BA0] =	vst v0  }
0x93: {  	[tilespmem:$0x10BB0] =	vst v0  }
0x94: {  	[tilespmem:$0x10BC0] =	vst v0  }
0x95: {  	[tilespmem:$0x10BD0] =	vst v0  }
0x96: {  	[tilespmem:$0x10BE0] =	vst v0  }
0x97: {  	[tilespmem:$0x10BF0] =	vst v0  }
0x98: {  	[tilespmem:$0x10C00] =	vst v0  }
0x99: {  	[tilespmem:$0x10C10] =	vst v0  }
0x9a: {  	[tilespmem:$0x10C20] =	vst v0  }
0x9b: {  	[tilespmem:$0x10C30] =	vst v0  }
0x9c: {  	[tilespmem:$0x10C40] =	vst v0  }
0x9d: {  	[tilespmem:$0x10C50] =	vst v0  }
0x9e: {  	[tilespmem:$0x10C60] =	vst v0  }
0x9f: {  	[tilespmem:$0x10C70] =	vst v0  }
0xa0: {  	[tilespmem:$0x10C80] =	vst v0  }
0xa1: {  	[tilespmem:$0x10C90] =	vst v0  }
0xa2: {  	[tilespmem:$0x10CA0] =	vst v0  }
0xa3: {  	[tilespmem:$0x10CB0] =	vst v0  }
0xa4: {  	[tilespmem:$0x10CC0] =	vst v0  }
0xa5: {  	[tilespmem:$0x10CD0] =	vst v0  }
0xa6: {  	[tilespmem:$0x10CE0] =	vst v0  }
0xa7: {  	[tilespmem:$0x10CF0] =	vst v0  }
0xa8: {  	[tilespmem:$0x10D00] =	vst v0  }
0xa9: {  	[tilespmem:$0x10D10] =	vst v0  }
0xaa: {  	[tilespmem:$0x10D20] =	vst v0  }
0xab: {  	[tilespmem:$0x10D30] =	vst v0  }
0xac: {  	[tilespmem:$0x10D40] =	vst v0  }
0xad: {  	[tilespmem:$0x10D50] =	vst v0  }
0xae: {  	[tilespmem:$0x10D60] =	vst v0  }
0xaf: {  	[tilespmem:$0x10D70] =	vst v0  }
0xb0: {  	[tilespmem:$0x10D80] =	vst v0  }
0xb1: {  	[tilespmem:$0x10D90] =	vst v0  }
0xb2: {  	[tilespmem:$0x10DA0] =	vst v0  }
0xb3: {  	[tilespmem:$0x10DB0] =	vst v0  }
0xb4: {  	[tilespmem:$0x10DC0] =	vst v0  }
0xb5: {  	[tilespmem:$0x10DD0] =	vst v0  }
0xb6: {  	[tilespmem:$0x10DE0] =	vst v0  }
0xb7: {  	[tilespmem:$0x10DF0] =	vst v0  }
0xb8: {  	[tilespmem:$0x10E00] =	vst v0  }
0xb9: {  	[tilespmem:$0x10E10] =	vst v0  }
0xba: {  	[tilespmem:$0x10E20] =	vst v0  }
0xbb: {  	[tilespmem:$0x10E30] =	vst v0  }
0xbc: {  	[tilespmem:$0x10E40] =	vst v0  }
0xbd: {  	[tilespmem:$0x10E50] =	vst v0  }
0xbe: {  	[tilespmem:$0x10E60] =	vst v0  }
0xbf: {  	[tilespmem:$0x10E70] =	vst v0  }
0xc0: {  	[tilespmem:$0x10E80] =	vst v0  }
0xc1: {  	[tilespmem:$0x10E90] =	vst v0  }
0xc2: {  	[tilespmem:$0x10EA0] =	vst v0  }
0xc3: {  	[tilespmem:$0x10EB0] =	vst v0  }
0xc4: {  	[tilespmem:$0x10EC0] =	vst v0  }
0xc5: {  	[tilespmem:$0x10ED0] =	vst v0  }
0xc6: {  	[tilespmem:$0x10EE0] =	vst v0  }
0xc7: {  	[tilespmem:$0x10EF0] =	vst v0  }
0xc8: {  	[tilespmem:$0x10F00] =	vst v0  }
0xc9: {  	[tilespmem:$0x10F10] =	vst v0  }
0xca: {  	[tilespmem:$0x10F20] =	vst v0  }
0xcb: {  	[tilespmem:$0x10F30] =	vst v0  }
0xcc: {  	[tilespmem:$0x10F40] =	vst v0  }
0xcd: {  	[tilespmem:$0x10F50] =	vst v0  }
0xce: {  	[tilespmem:$0x10F60] =	vst v0  }
0xcf: {  	[tilespmem:$0x10F70] =	vst v0  }
0xd0: {  	[tilespmem:$0x10F80] =	vst v0  }
0xd1: {  	[tilespmem:$0x10F90] =	vst v0  }
0xd2: {  	[tilespmem:$0x10FA0] =	vst v0  }
0xd3: {  	[tilespmem:$0x10FB0] =	vst v0  }
0xd4: {  	[tilespmem:$0x10FC0] =	vst v0  }
0xd5: {  	[tilespmem:$0x10FD0] =	vst v0  }
0xd6: {  	[tilespmem:$0x10FE0] =	vst v0  }
0xd7: {  	[tilespmem:$0x10FF0] =	vst v0  }
0xd8: {  	[tilespmem:$0x11000] =	vst v0  }
0xd9: {  	[tilespmem:$0x11010] =	vst v0  }
0xda: {  	[tilespmem:$0x11020] =	vst v0  }
0xdb: {  	[tilespmem:$0x11030] =	vst v0  }
0xdc: {  	[tilespmem:$0x11040] =	vst v0  }
0xdd: {  	[tilespmem:$0x11050] =	vst v0  }
0xde: {  	[tilespmem:$0x11060] =	vst v0  }
0xdf: {  	[tilespmem:$0x11070] =	vst v0  }
0xe0: {  	[tilespmem:$0x11080] =	vst v0  }
0xe1: {  	[tilespmem:$0x11090] =	vst v0  }
0xe2: {  	[tilespmem:$0x110A0] =	vst v0  }
0xe3: {  	[tilespmem:$0x110B0] =	vst v0  }
0xe4: {  	[tilespmem:$0x110C0] =	vst v0  }
0xe5: {  	[tilespmem:$0x110D0] =	vst v0  }
0xe6: {  	[tilespmem:$0x110E0] =	vst v0  }
0xe7: {  	[tilespmem:$0x110F0] =	vst v0  }
0xe8: {  	[tilespmem:$0x11100] =	vst v0  }
0xe9: {  	[tilespmem:$0x11110] =	vst v0  }
0xea: {  	[tilespmem:$0x11120] =	vst v0  }
0xeb: {  	[tilespmem:$0x11130] =	vst v0  }
0xec: {  	[tilespmem:$0x11140] =	vst v0  }
0xed: {  	[tilespmem:$0x11150] =	vst v0  }
0xee: {  	[tilespmem:$0x11160] =	vst v0  }
0xef: {  	[tilespmem:$0x11170] =	vst v0  }
0xf0: {  	[tilespmem:$0x11180] =	vst v0  }
0xf1: {  	[tilespmem:$0x11190] =	vst v0  }
0xf2: {  	[tilespmem:$0x111A0] =	vst v0  }
0xf3: {  	[tilespmem:$0x111B0] =	vst v0  }
0xf4: {  	[tilespmem:$0x111C0] =	vst v0  }
0xf5: {  	[tilespmem:$0x111D0] =	vst v0  }
0xf6: {  	[tilespmem:$0x111E0] =	vst v0  }
0xf7: {  	[tilespmem:$0x111F0] =	vst v0  }
0xf8: {  	[tilespmem:$0x11200] =	vst v0  }
0xf9: {  	[tilespmem:$0x11210] =	vst v0  }
0xfa: {  	[tilespmem:$0x11220] =	vst v0  }
0xfb: {  	[tilespmem:$0x11230] =	vst v0  }
0xfc: {  	[tilespmem:$0x11240] =	vst v0  }
0xfd: {  	[tilespmem:$0x11250] =	vst v0  }
0xfe: {  	[tilespmem:$0x11260] =	vst v0  }
0xff: {  	[tilespmem:$0x11270] =	vst v0  }
0x100: {  	[tilespmem:$0x11280] =	vst v0  }
0x101: {  	[tilespmem:$0x11290] =	vst v0  }
0x102: {  	[tilespmem:$0x112A0] =	vst v0  }
0x103: {  	[tilespmem:$0x112B0] =	vst v0  }
0x104: {  	[tilespmem:$0x112C0] =	vst v0  }
0x105: {  	[tilespmem:$0x112D0] =	vst v0  }
0x106: {  	[tilespmem:$0x112E0] =	vst v0  }
0x107: {  	[tilespmem:$0x112F0] =	vst v0  }
0x108: {  	[tilespmem:$0x11300] =	vst v0  }
0x109: {  	[tilespmem:$0x11310] =	vst v0  }
0x10a: {  	[tilespmem:$0x11320] =	vst v0  }
0x10b: {  	[tilespmem:$0x11330] =	vst v0  }
0x10c: {  	[tilespmem:$0x11340] =	vst v0  }
0x10d: {  	[tilespmem:$0x11350] =	vst v0  }
0x10e: {  	[tilespmem:$0x11360] =	vst v0  }
0x10f: {  	[tilespmem:$0x11370] =	vst v0  }
0x110: {  	[tilespmem:$0x11380] =	vst v0  }
0x111: {  	[tilespmem:$0x11390] =	vst v0  }
0x112: {  	[tilespmem:$0x113A0] =	vst v0  }
0x113: {  	[tilespmem:$0x113B0] =	vst v0  }
0x114: {  	[tilespmem:$0x113C0] =	vst v0  }
0x115: {  	[tilespmem:$0x113D0] =	vst v0  }
0x116: {  	[tilespmem:$0x113E0] =	vst v0  }
0x117: {  	[tilespmem:$0x113F0] =	vst v0  }
0x118: {  	[tilespmem:$0x11400] =	vst v0  }
0x119: {  	[tilespmem:$0x11410] =	vst v0  }
0x11a: {  	[tilespmem:$0x11420] =	vst v0  }
0x11b: {  	s18 =	simm.s32 $0x0;
	s17 =	simm.s32 $0x0;
	[tilespmem:$0x11430] =	vst v0  }
.LBB2_3:
0x11c: {  	v2 =	vld [tilespmem:s16+$0x0];
	_ =	sdelay $0x4  }
0x11d: {  	v3 =	vadd.s32 $0x1000, v2;
	_ =	sdelay $0x3  }
0x11e: {  	s19 =	sand.u32 $0x70, s18;
	s20 =	sand.u32 $0x1C00, s17  }
0x11f: {  	s19 =	sor.u32 s19, s20;
	[tilespmem:v3+s11+$0x0] =	vst.idx.add.f32.msk $0xffff, v1  }
0x120: {  	v3 =	vld [tilespmem:s19+$0x400];
	_ =	sdelay $0x4  }
0x121: {  	[tilespmem:v2+s11+$0x0] =	vst.idx.add.f32.msk $0xffff, v3  }
0x122: {  	v4 =	vadd.s32 $0x40, v2;
	v3 =	vld [tilespmem:s19+$0x480];
	_ =	sdelay $0x4  }
0x123: {  	[tilespmem:v4+s11+$0x0] =	vst.idx.add.f32.msk $0xffff, v3  }
0x124: {  	v59 =	vadd.s32 $0x80, v2;
	v3 =	vld [tilespmem:s19+$0x500];
	_ =	sdelay $0x4  }
0x125: {  	[tilespmem:v59+s11+$0x0] =	vst.idx.add.f32.msk $0xffff, v3  }
0x126: {  	v60 =	vadd.s32 $0xC0, v2;
	v3 =	vld [tilespmem:s19+$0x580];
	_ =	sdelay $0x4  }
0x127: {  	[tilespmem:v60+s11+$0x0] =	vst.idx.add.f32.msk $0xffff, v3  }
0x128: {  	v61 =	vadd.s32 $0x100, v2;
	v3 =	vld [tilespmem:s19+$0x600];
	_ =	sdelay $0x4  }
0x129: {  	[tilespmem:v61+s11+$0x0] =	vst.idx.add.f32.msk $0xffff, v3  }
0x12a: {  	v62 =	vadd.s32 $0x140, v2;
	v3 =	vld [tilespmem:s19+$0x680];
	_ =	sdelay $0x4  }
0x12b: {  	[tilespmem:v62+s11+$0x0] =	vst.idx.add.f32.msk $0xffff, v3  }
0x12c: {  	v63 =	vadd.s32 $0x180, v2;
	v3 =	vld [tilespmem:s19+$0x700];
	_ =	sdelay $0x3  }
0x12d: {  	s31 =	sor.u32 s17, s18  }
0x12e: {  	s20 =	sor.u32 $0x380, s31;
	[tilespmem:v63+s11+$0x0] =	vst.idx.add.f32.msk $0xffff, v3  }
0x12f: {  	v8 =	vadd.s32 $0x1C0, v2;
	v3 =	vld [tilespmem:s20+$0x400];
	_ =	sdelay $0x4  }
0x130: {  	[tilespmem:v8+s11+$0x0] =	vst.idx.add.f32.msk $0xffff, v3  }
0x131: {  	v9 =	vadd.s32 $0x200, v2;
	v3 =	vld [tilespmem:s19+$0x2400];
	_ =	sdelay $0x4  }
0x132: {  	[tilespmem:v9+s11+$0x0] =	vst.idx.add.f32.msk $0xffff, v3  }
0x133: {  	v10 =	vadd.s32 $0x240, v2;
	v3 =	vld [tilespmem:s19+$0x2480];
	_ =	sdelay $0x4  }
0x134: {  	[tilespmem:v10+s11+$0x0] =	vst.idx.add.f32.msk $0xffff, v3  }
0x135: {  	v11 =	vadd.s32 $0x280, v2;
	v3 =	vld [tilespmem:s19+$0x2500];
	_ =	sdelay $0x4  }
0x136: {  	[tilespmem:v11+s11+$0x0] =	vst.idx.add.f32.msk $0xffff, v3  }
0x137: {  	v12 =	vadd.s32 $0x2C0, v2;
	v3 =	vld [tilespmem:s19+$0x2580];
	_ =	sdelay $0x4  }
0x138: {  	[tilespmem:v12+s11+$0x0] =	vst.idx.add.f32.msk $0xffff, v3  }
0x139: {  	v13 =	vadd.s32 $0x300, v2;
	v3 =	vld [tilespmem:s19+$0x2600];
	_ =	sdelay $0x4  }
0x13a: {  	[tilespmem:v13+s11+$0x0] =	vst.idx.add.f32.msk $0xffff, v3  }
0x13b: {  	v14 =	vadd.s32 $0x340, v2;
	v3 =	vld [tilespmem:s19+$0x2680];
	_ =	sdelay $0x4  }
0x13c: {  	[tilespmem:v14+s11+$0x0] =	vst.idx.add.f32.msk $0xffff, v3  }
0x13d: {  	v15 =	vadd.s32 $0x380, v2;
	v3 =	vld [tilespmem:s19+$0x2700];
	_ =	sdelay $0x4  }
0x13e: {  	[tilespmem:v15+s11+$0x0] =	vst.idx.add.f32.msk $0xffff, v3  }
0x13f: {  	v16 =	vadd.s32 $0x3C0, v2;
	v3 =	vld [tilespmem:s19+$0x2780];
	_ =	sdelay $0x4  }
0x140: {  	[tilespmem:v16+s11+$0x0] =	vst.idx.add.f32.msk $0xffff, v3  }
0x141: {  	v17 =	vadd.s32 $0x400, v2;
	v3 =	vld [tilespmem:s19+$0x4400];
	_ =	sdelay $0x4  }
0x142: {  	[tilespmem:v17+s11+$0x0] =	vst.idx.add.f32.msk $0xffff, v3  }
0x143: {  	v18 =	vadd.s32 $0x440, v2;
	v3 =	vld [tilespmem:s19+$0x4480];
	_ =	sdelay $0x4  }
0x144: {  	[tilespmem:v18+s11+$0x0] =	vst.idx.add.f32.msk $0xffff, v3  }
0x145: {  	v19 =	vadd.s32 $0x480, v2;
	v3 =	vld [tilespmem:s19+$0x4500];
	_ =	sdelay $0x4  }
0x146: {  	[tilespmem:v19+s11+$0x0] =	vst.idx.add.f32.msk $0xffff, v3  }
0x147: {  	v20 =	vadd.s32 $0x4C0, v2;
	v3 =	vld [tilespmem:s19+$0x4580];
	_ =	sdelay $0x4  }
0x148: {  	[tilespmem:v20+s11+$0x0] =	vst.idx.add.f32.msk $0xffff, v3  }
0x149: {  	v21 =	vadd.s32 $0x500, v2;
	v3 =	vld [tilespmem:s19+$0x4600];
	_ =	sdelay $0x4  }
0x14a: {  	[tilespmem:v21+s11+$0x0] =	vst.idx.add.f32.msk $0xffff, v3  }
0x14b: {  	v22 =	vadd.s32 $0x540, v2;
	v3 =	vld [tilespmem:s19+$0x4680];
	_ =	sdelay $0x4  }
0x14c: {  	[tilespmem:v22+s11+$0x0] =	vst.idx.add.f32.msk $0xffff, v3  }
0x14d: {  	v23 =	vadd.s32 $0x580, v2;
	v3 =	vld [tilespmem:s19+$0x4700];
	_ =	sdelay $0x4  }
0x14e: {  	[tilespmem:v23+s11+$0x0] =	vst.idx.add.f32.msk $0xffff, v3  }
0x14f: {  	v24 =	vadd.s32 $0x5C0, v2;
	v3 =	vld [tilespmem:s19+$0x4780];
	_ =	sdelay $0x4  }
0x150: {  	[tilespmem:v24+s11+$0x0] =	vst.idx.add.f32.msk $0xffff, v3  }
0x151: {  	v25 =	vadd.s32 $0x600, v2;
	v3 =	vld [tilespmem:s19+$0x6400];
	_ =	sdelay $0x4  }
0x152: {  	[tilespmem:v25+s11+$0x0] =	vst.idx.add.f32.msk $0xffff, v3  }
0x153: {  	v26 =	vadd.s32 $0x640, v2;
	v3 =	vld [tilespmem:s19+$0x6480];
	_ =	sdelay $0x4  }
0x154: {  	[tilespmem:v26+s11+$0x0] =	vst.idx.add.f32.msk $0xffff, v3  }
0x155: {  	v27 =	vadd.s32 $0x680, v2;
	v3 =	vld [tilespmem:s19+$0x6500];
	_ =	sdelay $0x4  }
0x156: {  	[tilespmem:v27+s11+$0x0] =	vst.idx.add.f32.msk $0xffff, v3  }
0x157: {  	v28 =	vadd.s32 $0x6C0, v2;
	v3 =	vld [tilespmem:s19+$0x6580];
	_ =	sdelay $0x4  }
0x158: {  	[tilespmem:v28+s11+$0x0] =	vst.idx.add.f32.msk $0xffff, v3  }
0x159: {  	v29 =	vadd.s32 $0x700, v2;
	v3 =	vld [tilespmem:s19+$0x6600];
	_ =	sdelay $0x4  }
0x15a: {  	[tilespmem:v29+s11+$0x0] =	vst.idx.add.f32.msk $0xffff, v3  }
0x15b: {  	v30 =	vadd.s32 $0x740, v2;
	v3 =	vld [tilespmem:s19+$0x6680];
	_ =	sdelay $0x4  }
0x15c: {  	[tilespmem:v30+s11+$0x0] =	vst.idx.add.f32.msk $0xffff, v3  }
0x15d: {  	v31 =	vadd.s32 $0x780, v2;
	v3 =	vld [tilespmem:s19+$0x6700];
	_ =	sdelay $0x4  }
0x15e: {  	[tilespmem:v31+s11+$0x0] =	vst.idx.add.f32.msk $0xffff, v3  }
0x15f: {  	v32 =	vadd.s32 $0x7C0, v2;
	v3 =	vld [tilespmem:s19+$0x6780];
	_ =	sdelay $0x4  }
0x160: {  	[tilespmem:v32+s11+$0x0] =	vst.idx.add.f32.msk $0xffff, v3  }
0x161: {  	v33 =	vadd.s32 $0x800, v2;
	v3 =	vld [tilespmem:s19+$0x8400];
	_ =	sdelay $0x4  }
0x162: {  	[tilespmem:v33+s11+$0x0] =	vst.idx.add.f32.msk $0xffff, v3  }
0x163: {  	v34 =	vadd.s32 $0x840, v2;
	v3 =	vld [tilespmem:s19+$0x8480];
	_ =	sdelay $0x4  }
0x164: {  	[tilespmem:v34+s11+$0x0] =	vst.idx.add.f32.msk $0xffff, v3  }
0x165: {  	v35 =	vadd.s32 $0x880, v2;
	v3 =	vld [tilespmem:s19+$0x8500];
	_ =	sdelay $0x4  }
0x166: {  	[tilespmem:v35+s11+$0x0] =	vst.idx.add.f32.msk $0xffff, v3  }
0x167: {  	v36 =	vadd.s32 $0x8C0, v2;
	v3 =	vld [tilespmem:s19+$0x8580];
	_ =	sdelay $0x4  }
0x168: {  	[tilespmem:v36+s11+$0x0] =	vst.idx.add.f32.msk $0xffff, v3  }
0x169: {  	v37 =	vadd.s32 $0x900, v2;
	v3 =	vld [tilespmem:s19+$0x8600];
	_ =	sdelay $0x4  }
0x16a: {  	[tilespmem:v37+s11+$0x0] =	vst.idx.add.f32.msk $0xffff, v3  }
0x16b: {  	v38 =	vadd.s32 $0x940, v2;
	v3 =	vld [tilespmem:s19+$0x8680];
	_ =	sdelay $0x4  }
0x16c: {  	[tilespmem:v38+s11+$0x0] =	vst.idx.add.f32.msk $0xffff, v3  }
0x16d: {  	v39 =	vadd.s32 $0x980, v2;
	v3 =	vld [tilespmem:s19+$0x8700];
	_ =	sdelay $0x4  }
0x16e: {  	[tilespmem:v39+s11+$0x0] =	vst.idx.add.f32.msk $0xffff, v3  }
0x16f: {  	v40 =	vadd.s32 $0x9C0, v2;
	v3 =	vld [tilespmem:s19+$0x8780];
	_ =	sdelay $0x4  }
0x170: {  	[tilespmem:v40+s11+$0x0] =	vst.idx.add.f32.msk $0xffff, v3  }
0x171: {  	v41 =	vadd.s32 $0xA00, v2;
	v3 =	vld [tilespmem:s19+$0xA400];
	_ =	sdelay $0x4  }
0x172: {  	[tilespmem:v41+s11+$0x0] =	vst.idx.add.f32.msk $0xffff, v3  }
0x173: {  	v42 =	vadd.s32 $0xA40, v2;
	v3 =	vld [tilespmem:s19+$0xA480];
	_ =	sdelay $0x4  }
0x174: {  	[tilespmem:v42+s11+$0x0] =	vst.idx.add.f32.msk $0xffff, v3  }
0x175: {  	v43 =	vadd.s32 $0xA80, v2;
	v3 =	vld [tilespmem:s19+$0xA500];
	_ =	sdelay $0x4  }
0x176: {  	[tilespmem:v43+s11+$0x0] =	vst.idx.add.f32.msk $0xffff, v3  }
0x177: {  	v44 =	vadd.s32 $0xAC0, v2;
	v3 =	vld [tilespmem:s19+$0xA580];
	_ =	sdelay $0x4  }
0x178: {  	[tilespmem:v44+s11+$0x0] =	vst.idx.add.f32.msk $0xffff, v3  }
0x179: {  	v45 =	vadd.s32 $0xB00, v2;
	v3 =	vld [tilespmem:s19+$0xA600];
	_ =	sdelay $0x4  }
0x17a: {  	[tilespmem:v45+s11+$0x0] =	vst.idx.add.f32.msk $0xffff, v3  }
0x17b: {  	v46 =	vadd.s32 $0xB40, v2;
	v3 =	vld [tilespmem:s19+$0xA680];
	_ =	sdelay $0x4  }
0x17c: {  	[tilespmem:v46+s11+$0x0] =	vst.idx.add.f32.msk $0xffff, v3  }
0x17d: {  	v47 =	vadd.s32 $0xB80, v2;
	v3 =	vld [tilespmem:s19+$0xA700];
	_ =	sdelay $0x4  }
0x17e: {  	[tilespmem:v47+s11+$0x0] =	vst.idx.add.f32.msk $0xffff, v3  }
0x17f: {  	v48 =	vadd.s32 $0xBC0, v2;
	v3 =	vld [tilespmem:s19+$0xA780];
	_ =	sdelay $0x4  }
0x180: {  	[tilespmem:v48+s11+$0x0] =	vst.idx.add.f32.msk $0xffff, v3  }
0x181: {  	v49 =	vadd.s32 $0xC00, v2;
	v3 =	vld [tilespmem:s19+$0xC400];
	_ =	sdelay $0x4  }
0x182: {  	[tilespmem:v49+s11+$0x0] =	vst.idx.add.f32.msk $0xffff, v3  }
0x183: {  	v50 =	vadd.s32 $0xC40, v2;
	v3 =	vld [tilespmem:s19+$0xC480];
	_ =	sdelay $0x4  }
0x184: {  	[tilespmem:v50+s11+$0x0] =	vst.idx.add.f32.msk $0xffff, v3  }
0x185: {  	v51 =	vadd.s32 $0xC80, v2;
	v3 =	vld [tilespmem:s19+$0xC500];
	_ =	sdelay $0x4  }
0x186: {  	[tilespmem:v51+s11+$0x0] =	vst.idx.add.f32.msk $0xffff, v3  }
0x187: {  	v52 =	vadd.s32 $0xCC0, v2;
	v3 =	vld [tilespmem:s19+$0xC580];
	_ =	sdelay $0x4  }
0x188: {  	[tilespmem:v52+s11+$0x0] =	vst.idx.add.f32.msk $0xffff, v3  }
0x189: {  	v53 =	vadd.s32 $0xD00, v2;
	v3 =	vld [tilespmem:s19+$0xC600];
	_ =	sdelay $0x4  }
0x18a: {  	[tilespmem:v53+s11+$0x0] =	vst.idx.add.f32.msk $0xffff, v3  }
0x18b: {  	v54 =	vadd.s32 $0xD40, v2;
	v3 =	vld [tilespmem:s19+$0xC680];
	_ =	sdelay $0x4  }
0x18c: {  	[tilespmem:v54+s11+$0x0] =	vst.idx.add.f32.msk $0xffff, v3  }
0x18d: {  	v55 =	vadd.s32 $0xD80, v2;
	v3 =	vld [tilespmem:s19+$0xC700];
	_ =	sdelay $0x4  }
0x18e: {  	[tilespmem:v55+s11+$0x0] =	vst.idx.add.f32.msk $0xffff, v3  }
0x18f: {  	v56 =	vadd.s32 $0xDC0, v2;
	v3 =	vld [tilespmem:s19+$0xC780];
	_ =	sdelay $0x4  }
0x190: {  	[tilespmem:v56+s11+$0x0] =	vst.idx.add.f32.msk $0xffff, v3  }
0x191: {  	v57 =	vadd.s32 $0xE00, v2;
	v3 =	vld [tilespmem:s19+$0xE400];
	_ =	sdelay $0x4  }
0x192: {  	[tilespmem:v57+s11+$0x0] =	vst.idx.add.f32.msk $0xffff, v3  }
0x193: {  	v58 =	vadd.s32 $0xE40, v2;
	v3 =	vld [tilespmem:s19+$0xE480];
	_ =	sdelay $0x4  }
0x194: {  	[tilespmem:v58+s11+$0x0] =	vst.idx.add.f32.msk $0xffff, v3  }
0x195: {  	v59 =	vadd.s32 $0xE80, v2;
	v3 =	vld [tilespmem:s19+$0xE500];
	_ =	sdelay $0x4  }
0x196: {  	[tilespmem:v59+s11+$0x0] =	vst.idx.add.f32.msk $0xffff, v3  }
0x197: {  	v60 =	vadd.s32 $0xEC0, v2;
	v3 =	vld [tilespmem:s19+$0xE580];
	_ =	sdelay $0x4  }
0x198: {  	[tilespmem:v60+s11+$0x0] =	vst.idx.add.f32.msk $0xffff, v3  }
0x199: {  	v61 =	vadd.s32 $0xF00, v2;
	v3 =	vld [tilespmem:s19+$0xE600];
	_ =	sdelay $0x4  }
0x19a: {  	[tilespmem:v61+s11+$0x0] =	vst.idx.add.f32.msk $0xffff, v3  }
0x19b: {  	v62 =	vadd.s32 $0xF40, v2;
	v3 =	vld [tilespmem:s19+$0xE680];
	_ =	sdelay $0x4  }
0x19c: {  	[tilespmem:v62+s11+$0x0] =	vst.idx.add.f32.msk $0xffff, v3  }
0x19d: {  	v63 =	vadd.s32 $0xF80, v2;
	v3 =	vld [tilespmem:s19+$0xE700];
	_ =	sdelay $0x4  }
0x19e: {  	[tilespmem:v63+s11+$0x0] =	vst.idx.add.f32.msk $0xffff, v3  }
0x19f: {  	p0 =	sne.s32 s18, $0x3F0;
	v2 =	vadd.s32 $0xFC0, v2;
	v3 =	vld [tilespmem:s19+$0xE780]  }
.Ltmp0:
0x1a0: {  	_ = 	snop;
	(pc) =	sbr.rel @p0 .LBB2_3-.Ltmp0, $2  }
0x1a1: {  	_ =	sdelay $0x2  }
0x1a2: {  	s17 =	sadd.s32 $0x80, s17;
	s16 =	sadd.s32 $0x10, s16;
	s18 =	sadd.s32 $0x10, s18;
	[tilespmem:v2+s11+$0x0] =	vst.idx.add.f32.msk $0xffff, v3  }
0x1a3: {  	s14 =	smul.u32 $0x8400, s14;
	_ =	sdelay $0x1  }
0x1a4: {  	s13 =	sadd.s32 $0x1, s13;
	s14 =	sor.u32 s15, s14  }
0x1a5: {  	p0 =	sne.s32 s13, $0x20;
	s14 =	sshrl.u32 s14, $0x3  }
.Ltmp1:
0x1a6: {  	s14 =	sadd.s32 s5, s14;
	(pc) =	sbr.rel @p0 .LBB2_2-.Ltmp1, $4  }
0x1a7: {  	[hbm4b:s14+s10] =	stream.strided.scatter [tilespmem:s11], [sflag:$0x1], $0x1080, s8, s10, $0x38;
	[tilespmem:$0x11480] =	vst v63  }
0x1a8: {  	_ =	swait.ge [sflag:s9], $0x1080  }
0x1a9: {  	[sflag:s9] =	ssyncset.done $0x0  }
0x1aa: {  	[sflag:s9] =	ssyncadd.s32 $0xFFFFEF80  }
0x1ab: {  	s12 =	sadd.s32 $0x1, s12  }
0x1ac: {  	p0 =	sne.s32 s12, s7  }
.Ltmp2:
0x1ad: {  	_ = 	snop;
	(pc) =	sbr.rel @p0 .LBB2_1-.Ltmp2, $1  }
0x1ae: {  	_ =	sdelay $0x3  }
0x1af: {  	_ =	sfence.sel $0x180000  }
0x1b0: {  	[bflag:$0x0] =	sbarrier.arrive $0xFFFF  }
0x1b1: {  	p0 =	sne.s32 s3, $0x0;
	_ =	strace $0x90000047  }
0x1b2: {  	s0 =	sadd.s32 @!p0 $0x100000, s0;
	[bflag:$0x2] =	sbarrier.arrive $0xFFFF  }
0x1b3: {  	[sflag:s0] =	ssyncadd.tile.s32 @!p0 $0x1;
	_ =	shalt  }
.Lfunc_end2:
_tile_overlayer_lowered:
.L_overlay_start_2:
0x1b4: {  	(tag) =	ssettag $0x2  }
0x1b5: {  	s0 =	rddreg [dreg:$0x0];
	s2 =	stileid.u32  }
0x1b6: {  	s1 =	rddreg [dreg:$0x1];
	p0 =	sne.s32 s2, $0x0  }
0x1b7: {  	s3 =	rddreg [dreg:$0x2];
	[bflag:$0x3] =	sbarrier.arrive $0xFFFF;
	s2 =	simm.s32 @!p0 $0x1C01  }
0x1b8: {  	[timem:s3], [sflag:s2] =	dma.local @!p0 [hbm:s0], s1  }
0x1b9: {  	s0 =	simm.s32 @!p0 $0x1  }
0x1ba: {  	_ =	swait.ge @!p0 [sflag:s0], s1  }
0x1bb: {  	s1 =	ssub.s32 @!p0 $0x0, s1;
	[sflag:s0] =	ssyncset.done @!p0 $0x0  }
0x1bc: {  	[sflag:s0] =	ssyncadd.s32 @!p0 s1  }
0x1bd: {  	[bflag:$0x3] =	sbarrier.arrive $0xFFFF  }
0x1be: {  	_ =	shalt  }

</sc_bundles>
